<compile_context>
chip_gen: v7x
topology: tpu7x:2x2x1
jax: 0.10.2.dev20260603
libtpu: 0.0.44.dev20260713+nightly
codegen_flags: <defaults>
</compile_context>

<pallas_src>
import functools

import jax
import jax.numpy as jnp
from jax import lax
from jax.experimental import pallas as pl
from jax.experimental.pallas import tpu as pltpu
from jax.experimental.pallas import tpu_sc as plsc

NUM_HEADS = 16
SEQ = 512
NPOS = SEQ * SEQ
NTAB = 3375
NTAB_PAD = 3456
NC, NS = 2, 16
NW = NC * NS
HSPLIT = 2
HW = NUM_HEADS // HSPLIT
ROWS_W = SEQ // (NW // HSPLIT)
CROWS = 8
CHUNK = CROWS * SEQ
NCHUNK = ROWS_W // CROWS
LANES = 16

HB = 8


def _mlp_body(coords_t_ref, w1t_ref, b1_ref, w2t_ref, out_ref):
    hid = jnp.dot(w1t_ref[...], coords_t_ref[...],
                  preferred_element_type=jnp.float32) + b1_ref[...]
    hid = jnp.maximum(hid, 0.0)
    logits = jnp.dot(w2t_ref[...], hid, preferred_element_type=jnp.float32)
    out_ref[...] = 16.0 / (1.0 + jnp.exp(-logits))


def _add_body(x_ref, b_ref, o_ref):
    o_ref[...] = x_ref[...] + b_ref[...][None]


def _sc_gather_t(table_t, idx_flat):
    mesh = plsc.VectorSubcoreMesh(core_axis_name="c", subcore_axis_name="s")

    @functools.partial(
        pl.kernel,
        out_type=jax.ShapeDtypeStruct((NUM_HEADS, SEQ, SEQ), jnp.float32),
        mesh=mesh,
        compiler_params=pltpu.CompilerParams(needs_layout_passes=False),
        scratch_types=[
            pltpu.VMEM((HW * NTAB_PAD,), jnp.float32),
            pltpu.VMEM((ROWS_W, SEQ), jnp.int32),
            pltpu.VMEM((HW, CROWS, SEQ), jnp.float32),
            pltpu.VMEM((HW, CROWS, SEQ), jnp.float32),
            pltpu.SemaphoreType.DMA,
            pltpu.SemaphoreType.DMA,
        ],
    )
    def k(tbl_hbm, idx_hbm, out_hbm, tbl_v, idx_v, out_v0, out_v1, sem0, sem1):
        wid = lax.axis_index("s") * NC + lax.axis_index("c")
        h0 = (wid // (NW // HSPLIT)) * HW
        row0 = (wid % (NW // HSPLIT)) * ROWS_W
        pltpu.sync_copy(tbl_hbm.at[pl.ds(h0 * NTAB_PAD, HW * NTAB_PAD)], tbl_v)
        pltpu.sync_copy(idx_hbm.at[pl.ds(row0, ROWS_W), :], idx_v)
        bufs = (out_v0, out_v1)
        sems = (sem0, sem1)
        copies = [None, None]
        for c in range(NCHUNK):
            out_v = bufs[c % 2]
            if copies[c % 2] is not None:
                copies[c % 2].wait()

            @plsc.parallel_loop(0, CHUNK, LANES, unroll=8)
            def body(p, out_v=out_v, off=c * CHUNK):
                q = off + p
                g = idx_v[q // SEQ, pl.ds(q % SEQ, LANES)]
                for h in range(HW):
                    out_v[h, p // SEQ, pl.ds(p % SEQ, LANES)] = plsc.load_gather(
                        tbl_v, [g + h * NTAB_PAD])

            copies[c % 2] = pltpu.async_copy(
                out_v,
                out_hbm.at[pl.ds(h0, HW), pl.ds(row0 + c * CROWS, CROWS), :],
                sems[c % 2])
        for cp in copies:
            if cp is not None:
                cp.wait()

    return k(table_t, idx_flat)


def kernel(input_tensor, W1, b1, W2, coords_table, rel_pos_index, local_window_size):
    coords_t = coords_table.reshape(-1, 3).astype(jnp.float32).T
    coords_tp = jnp.pad(coords_t, ((0, 5), (0, NTAB_PAD - NTAB)))
    w1t_p = jnp.pad(W1.astype(jnp.float32).T, ((0, 0), (0, 5)))

    table_t = pl.pallas_call(
        _mlp_body,
        out_shape=jax.ShapeDtypeStruct((NUM_HEADS, NTAB_PAD), jnp.float32),
    )(coords_tp, w1t_p, b1.reshape(-1, 1).astype(jnp.float32),
      W2.astype(jnp.float32).T)

    idx = rel_pos_index.astype(jnp.int32)
    bias3 = _sc_gather_t(table_t.reshape(-1), idx)

    nb, nh = input_tensor.shape[0], input_tensor.shape[1]
    out = pl.pallas_call(
        _add_body,
        grid=(nh // HB, nb),
        in_specs=[
            pl.BlockSpec((1, HB, SEQ, SEQ), lambda hb, b: (b, hb, 0, 0)),
            pl.BlockSpec((HB, SEQ, SEQ), lambda hb, b: (hb, 0, 0)),
        ],
        out_specs=pl.BlockSpec((1, HB, SEQ, SEQ), lambda hb, b: (b, hb, 0, 0)),
        out_shape=jax.ShapeDtypeStruct(input_tensor.shape, input_tensor.dtype),
    )(input_tensor, bias3)
    return out

# --- scband reference (transcript-rebuilt; emitter-appended) ---
"""Pipeline reference for scband-pos-emb-mlpswinv3-d-50972671869583 (READ-ONLY COPY).

The authoritative reference and input builder live on the scoring server;
editing this copy changes nothing except your own understanding.
"""

import jax, jax.numpy as jnp
import numpy as np

WINDOW = (8, 8, 8)
NUM_HEADS = 16
SEQ_LEN = 512


def _build_buffers():
    wh, ww, wd = WINDOW
    rh = np.arange(-(wh - 1), wh, dtype=np.float32)
    rw = np.arange(-(ww - 1), ww, dtype=np.float32)
    rd = np.arange(-(wd - 1), wd, dtype=np.float32)
    table = np.stack(np.meshgrid(rh, rw, rd, indexing='ij'), axis=0).transpose(1, 2, 3, 0)[None]
    # pretrained_window_size = (0,0,0) -> normalize by window_size - 1
    table[..., 0] /= (wh - 1)
    table[..., 1] /= (ww - 1)
    table[..., 2] /= (wd - 1)
    table = table * 8.0
    table = np.sign(table) * np.log2(np.abs(table) + 1.0) / np.log2(8.0)
    ch = np.arange(wh)
    cw = np.arange(ww)
    cd = np.arange(wd)
    coords = np.stack(np.meshgrid(ch, cw, cd, indexing='ij'), axis=0)
    flat = coords.reshape(3, -1)
    rel = (flat[:, :, None] - flat[:, None, :]).transpose(1, 2, 0).astype(np.int64)
    rel[..., 0] += wh - 1
    rel[..., 1] += ww - 1
    rel[..., 2] += wd - 1
    rel[..., 0] *= (2 * ww - 1) * (2 * wd - 1)
    rel[..., 1] *= (2 * wd - 1)
    idx = rel.sum(-1)
    return table.astype(np.float32), idx


def setup_inputs(seed: int = 0):
    key = jax.random.key(seed)
    k1, k2, k3 = jax.random.split(key, 3)
    table, idx = _build_buffers()
    input_tensor = jax.random.normal(k1, (16, NUM_HEADS, SEQ_LEN, SEQ_LEN), dtype=jnp.float32)
    W1 = jax.random.normal(k2, (3, 512), dtype=jnp.float32) * 0.02
    b1 = jnp.zeros((512,), dtype=jnp.float32)
    W2 = jax.random.normal(k3, (512, NUM_HEADS), dtype=jnp.float32) * 0.02
    return {
        'input_tensor': input_tensor,
        'W1': W1,
        'b1': b1,
        'W2': W2,
        'coords_table': jnp.asarray(table),
        'rel_pos_index': jnp.asarray(idx),
        'local_window_size': SEQ_LEN,
    }


def reference(input_tensor, W1, b1, W2, coords_table, rel_pos_index, local_window_size):
    num_positions = rel_pos_index.shape[0]
    num_heads = W2.shape[1]
    # cpb MLP: Linear(3,512) -> ReLU -> Linear(512,num_heads)
    hid = jax.nn.relu(coords_table.reshape(-1, 3) @ W1 + b1)
    tbl = hid @ W2  # [(2w-1)^3, num_heads]
    # embedding-style gather by relative position index
    bias = jnp.take(tbl, rel_pos_index.reshape(-1), axis=0)
    bias = bias.reshape(num_positions, num_positions, num_heads)
    bias = jnp.transpose(bias, (2, 0, 1))
    bias = 16.0 * jax.nn.sigmoid(bias)
    n_global = input_tensor.shape[2] - rel_pos_index.shape[0]
    bias = jnp.pad(bias, ((0, 0), (n_global, 0), (n_global, 0)))
    lw = jnp.asarray(local_window_size)
    return input_tensor + bias[None] + (lw - lw).astype(input_tensor.dtype)

if __name__ == "__main__":
    import jax
    _d = setup_inputs()
    print(jax.jit(kernel)(*tuple(_d.values())))

</pallas_src>

<mosaic_0001>
#map = affine_map<(d0, d1) -> (0)>
#map1 = affine_map<(d0, d1) -> (0, 0)>
#map2 = affine_map<(d0, d1) -> (0, 0, 0)>
module attributes {stable_mosaic.version = 14 : i64} {
  func.func @k(%arg0: i32, %arg1: i32, %arg2: memref<55296xf32, #tpu.memory_space<hbm>>, %arg3: memref<512x512xi32, #tpu.memory_space<hbm>>, %arg4: memref<16x512x512xf32, #tpu.memory_space<hbm>>, %arg5: memref<27648xf32, #tpu.memory_space<vmem>>, %arg6: memref<32x512xi32, #tpu.memory_space<vmem>>, %arg7: memref<8x8x512xf32, #tpu.memory_space<vmem>>, %arg8: memref<8x8x512xf32, #tpu.memory_space<vmem>>, %arg9: memref<!tpu.dma_semaphore, #tpu.memory_space<semaphore_mem>>, %arg10: memref<!tpu.dma_semaphore, #tpu.memory_space<semaphore_mem>>) attributes {dimension_semantics = [#tpu.dimension_semantics<core_parallel>, #tpu.dimension_semantics<subcore_parallel>], iteration_bounds = array<i64: 2, 16>, scalar_prefetch = 0 : i64, scratch_operands = 6 : i64, tpu.core_type = #tpu.core_type<sc_vector_subcore>, window_params = [{transform_indices = #map}, {transform_indices = #map1}, {transform_indices = #map2}]} {
    %mul3A = arith.constant 2 : i32
    %mul3A_0 = arith.muli %arg1, %mul3A : i32
    %add3A = arith.addi %mul3A_0, %arg0 : i32
    %jit3A = arith.constant 16 : i32
    %div3A = arith.divsi %add3A, %jit3A : i32
    %sign3A = arith.constant 0 : i32
    %sign3A_1 = arith.cmpi sgt, %add3A, %sign3A : i32
    %sign3A_2 = arith.extui %sign3A_1 : i1 to i32
    %sign3A_3 = arith.constant 0 : i32
    %sign3A_4 = arith.cmpi slt, %add3A, %sign3A_3 : i32
    %sign3A_5 = arith.extui %sign3A_4 : i1 to i32
    %sign3A_6 = arith.subi %sign3A_2, %sign3A_5 : i32
    %sign3A_7 = arith.constant 0 : i32
    %sign3A_8 = arith.cmpi sgt, %jit3A, %sign3A_7 : i32
    %sign3A_9 = arith.extui %sign3A_8 : i1 to i32
    %sign3A_10 = arith.constant 0 : i32
    %sign3A_11 = arith.cmpi slt, %jit3A, %sign3A_10 : i32
    %sign3A_12 = arith.extui %sign3A_11 : i1 to i32
    %sign3A_13 = arith.subi %sign3A_9, %sign3A_12 : i32
    %ne3A = arith.cmpi ne, %sign3A_6, %sign3A_13 : i32
    %rem3A = arith.remsi %add3A, %jit3A : i32
    %ne3A_14 = arith.constant 0 : i32
    %ne3A_15 = arith.cmpi ne, %rem3A, %ne3A_14 : i32
    %and3A = arith.andi %ne3A, %ne3A_15 : i1
    %sub3A = arith.constant 1 : i32
    %sub3A_16 = arith.subi %div3A, %sub3A : i32
    %select_n3A = arith.select %and3A, %sub3A_16, %div3A : i32
    %mul3A_17 = arith.constant 8 : i32
    %mul3A_18 = arith.muli %select_n3A, %mul3A_17 : i32
    %jit3A_19 = arith.constant 16 : i32
    %eq3A = arith.constant 0 : i32
    %eq3A_20 = arith.cmpi eq, %jit3A_19, %eq3A : i32
    %jit3A_21 = arith.constant 1 : i32
    %select_n3A_22 = arith.select %eq3A_20, %jit3A_21, %jit3A_19 : i32
    %rem3A_23 = arith.remsi %add3A, %select_n3A_22 : i32
    %ne3A_24 = arith.constant 0 : i32
    %ne3A_25 = arith.cmpi ne, %rem3A_23, %ne3A_24 : i32
    %lt3A = arith.constant 0 : i32
    %lt3A_26 = arith.cmpi slt, %rem3A_23, %lt3A : i32
    %lt3A_27 = arith.constant 0 : i32
    %lt3A_28 = arith.cmpi slt, %select_n3A_22, %lt3A_27 : i32
    %ne3A_29 = arith.xori %lt3A_26, %lt3A_28 : i1
    %and3A_30 = arith.andi %ne3A_29, %ne3A_25 : i1
    %add3A_31 = arith.addi %rem3A_23, %select_n3A_22 : i32
    %select_n3A_32 = arith.select %and3A_30, %add3A_31, %rem3A_23 : i32
    %mul3A_33 = arith.constant 32 : i32
    %mul3A_34 = arith.muli %select_n3A_32, %mul3A_33 : i32
    %mul3A_35 = arith.constant 3456 : i32
    %mul3A_36 = arith.muli %mul3A_18, %mul3A_35 : i32
    "tpu.region"() ({
      %run_scoped3A = tpu.sem_alloc : memref<!tpu.dma_semaphore, #tpu.memory_space<semaphore_mem>>
      %dma_start3A_86 = tpu.memref_slice %arg2[%mul3A_36] : memref<55296xf32, #tpu.memory_space<hbm>> -> memref<27648xf32, #tpu.memory_space<hbm>>
      %dma_start3A_87 = tpu.memref_slice %arg2[%mul3A_36] : memref<55296xf32, #tpu.memory_space<hbm>> -> memref<27648xf32, #tpu.memory_space<hbm>>
      tpu.enqueue_dma source(%dma_start3A_87 : memref<27648xf32, #tpu.memory_space<hbm>>) target(%arg5 : memref<27648xf32, #tpu.memory_space<vmem>>) target_semaphore(%run_scoped3A : memref<!tpu.dma_semaphore, #tpu.memory_space<semaphore_mem>>)
      %dma_wait3A_88 = tpu.memref_slice %arg2[%mul3A_36] : memref<55296xf32, #tpu.memory_space<hbm>> -> memref<27648xf32, #tpu.memory_space<hbm>>
      %dma_wait3A_89 = tpu.memref_slice %arg2[%mul3A_36] : memref<55296xf32, #tpu.memory_space<hbm>> -> memref<27648xf32, #tpu.memory_space<hbm>>
      tpu.wait_dma2 semaphore(%run_scoped3A : memref<!tpu.dma_semaphore, #tpu.memory_space<semaphore_mem>>) src(%dma_wait3A_89 : memref<27648xf32, #tpu.memory_space<hbm>>) dst(%arg5 : memref<27648xf32, #tpu.memory_space<vmem>>)
      tpu.yield
    }) : () -> ()
    "tpu.region"() ({
      %run_scoped3A = tpu.sem_alloc : memref<!tpu.dma_semaphore, #tpu.memory_space<semaphore_mem>>
      %dma_start3A_86 = arith.constant 0 : i32
      %dma_start3A_87 = tpu.memref_slice %arg3[%mul3A_34, %dma_start3A_86] : memref<512x512xi32, #tpu.memory_space<hbm>> -> memref<32x512xi32, #tpu.memory_space<hbm>>
      %dma_start3A_88 = arith.constant 0 : i32
      %dma_start3A_89 = tpu.memref_slice %arg3[%mul3A_34, %dma_start3A_88] : memref<512x512xi32, #tpu.memory_space<hbm>> -> memref<32x512xi32, #tpu.memory_space<hbm>>
      tpu.enqueue_dma source(%dma_start3A_89 : memref<32x512xi32, #tpu.memory_space<hbm>>) target(%arg6 : memref<32x512xi32, #tpu.memory_space<vmem>>) target_semaphore(%run_scoped3A : memref<!tpu.dma_semaphore, #tpu.memory_space<semaphore_mem>>)
      %dma_wait3A_90 = arith.constant 0 : i32
      %dma_wait3A_91 = tpu.memref_slice %arg3[%mul3A_34, %dma_wait3A_90] : memref<512x512xi32, #tpu.memory_space<hbm>> -> memref<32x512xi32, #tpu.memory_space<hbm>>
      %dma_wait3A_92 = arith.constant 0 : i32
      %dma_wait3A_93 = tpu.memref_slice %arg3[%mul3A_34, %dma_wait3A_92] : memref<512x512xi32, #tpu.memory_space<hbm>> -> memref<32x512xi32, #tpu.memory_space<hbm>>
      tpu.wait_dma2 semaphore(%run_scoped3A : memref<!tpu.dma_semaphore, #tpu.memory_space<semaphore_mem>>) src(%dma_wait3A_93 : memref<32x512xi32, #tpu.memory_space<hbm>>) dst(%arg6 : memref<32x512xi32, #tpu.memory_space<vmem>>)
      tpu.yield
    }) : () -> ()
    %parallel_loop3A = arith.constant 0 : i32
    %parallel_loop3A_37 = arith.constant 4096 : i32
    %parallel_loop3A_38 = arith.constant 16 : i32
    scf.for %parallel_loop3A_86 = %parallel_loop3A to %parallel_loop3A_37 step %parallel_loop3A_38  : i32 {
      %parallel_loop3A_87 = arith.constant 0 : i32
      %parallel_loop3A_88 = arith.addi %parallel_loop3A_87, %parallel_loop3A_86 : i32
      %parallel_loop3A_89 = arith.constant 512 : i32
      %parallel_loop3A_90 = arith.divsi %parallel_loop3A_88, %parallel_loop3A_89 : i32
      %parallel_loop3A_91 = arith.constant 0 : i32
      %parallel_loop3A_92 = arith.cmpi sgt, %parallel_loop3A_88, %parallel_loop3A_91 : i32
      %parallel_loop3A_93 = arith.extui %parallel_loop3A_92 : i1 to i32
      %parallel_loop3A_94 = arith.constant 0 : i32
      %parallel_loop3A_95 = arith.cmpi slt, %parallel_loop3A_88, %parallel_loop3A_94 : i32
      %parallel_loop3A_96 = arith.extui %parallel_loop3A_95 : i1 to i32
      %parallel_loop3A_97 = arith.subi %parallel_loop3A_93, %parallel_loop3A_96 : i32
      %parallel_loop3A_98 = arith.constant 0 : i32
      %parallel_loop3A_99 = arith.cmpi sgt, %parallel_loop3A_89, %parallel_loop3A_98 : i32
      %parallel_loop3A_100 = arith.extui %parallel_loop3A_99 : i1 to i32
      %parallel_loop3A_101 = arith.constant 0 : i32
      %parallel_loop3A_102 = arith.cmpi slt, %parallel_loop3A_89, %parallel_loop3A_101 : i32
      %parallel_loop3A_103 = arith.extui %parallel_loop3A_102 : i1 to i32
      %parallel_loop3A_104 = arith.subi %parallel_loop3A_100, %parallel_loop3A_103 : i32
      %parallel_loop3A_105 = arith.cmpi ne, %parallel_loop3A_97, %parallel_loop3A_104 : i32
      %parallel_loop3A_106 = arith.remsi %parallel_loop3A_88, %parallel_loop3A_89 : i32
      %parallel_loop3A_107 = arith.constant 0 : i32
      %parallel_loop3A_108 = arith.cmpi ne, %parallel_loop3A_106, %parallel_loop3A_107 : i32
      %parallel_loop3A_109 = arith.andi %parallel_loop3A_105, %parallel_loop3A_108 : i1
      %parallel_loop3A_110 = arith.constant 1 : i32
      %parallel_loop3A_111 = arith.subi %parallel_loop3A_90, %parallel_loop3A_110 : i32
      %parallel_loop3A_112 = arith.select %parallel_loop3A_109, %parallel_loop3A_111, %parallel_loop3A_90 : i32
      %parallel_loop3A_113 = arith.constant 512 : i32
      %parallel_loop3A_114 = arith.constant 0 : i32
      %parallel_loop3A_115 = arith.cmpi eq, %parallel_loop3A_113, %parallel_loop3A_114 : i32
      %parallel_loop3A_116 = arith.constant 1 : i32
      %parallel_loop3A_117 = arith.select %parallel_loop3A_115, %parallel_loop3A_116, %parallel_loop3A_113 : i32
      %parallel_loop3A_118 = arith.remsi %parallel_loop3A_88, %parallel_loop3A_117 : i32
      %parallel_loop3A_119 = arith.constant 0 : i32
      %parallel_loop3A_120 = arith.cmpi ne, %parallel_loop3A_118, %parallel_loop3A_119 : i32
      %parallel_loop3A_121 = arith.constant 0 : i32
      %parallel_loop3A_122 = arith.cmpi slt, %parallel_loop3A_118, %parallel_loop3A_121 : i32
      %parallel_loop3A_123 = arith.constant 0 : i32
      %parallel_loop3A_124 = arith.cmpi slt, %parallel_loop3A_117, %parallel_loop3A_123 : i32
      %parallel_loop3A_125 = arith.xori %parallel_loop3A_122, %parallel_loop3A_124 : i1
      %parallel_loop3A_126 = arith.andi %parallel_loop3A_125, %parallel_loop3A_120 : i1
      %parallel_loop3A_127 = arith.addi %parallel_loop3A_118, %parallel_loop3A_117 : i32
      %parallel_loop3A_128 = arith.select %parallel_loop3A_126, %parallel_loop3A_127, %parallel_loop3A_118 : i32
      %parallel_loop3A_129 = arith.index_cast %parallel_loop3A_112 : i32 to index
      %parallel_loop3A_130 = arith.index_cast %parallel_loop3A_128 : i32 to index
      %parallel_loop3A_131 = tpu.vector_load %arg6[%parallel_loop3A_129, %parallel_loop3A_130] {strides = array<i32>} : memref<32x512xi32, #tpu.memory_space<vmem>>, vector<16xi32>,
      %parallel_loop3A_132 = arith.constant 0 : i32
      %parallel_loop3A_133 = vector.broadcast %parallel_loop3A_132 : i32 to vector<16xi32>
      %parallel_loop3A_134 = arith.addi %parallel_loop3A_131, %parallel_loop3A_133 : vector<16xi32>
      %parallel_loop3A_135 = tpu.vector_load_idx %arg5[%parallel_loop3A_134] : memref<27648xf32, #tpu.memory_space<vmem>>[vector<16xi32>], vector<16xf32>,
      %parallel_loop3A_136 = arith.constant 512 : i32
      %parallel_loop3A_137 = arith.divsi %parallel_loop3A_86, %parallel_loop3A_136 : i32
      %parallel_loop3A_138 = arith.constant 0 : i32
      %parallel_loop3A_139 = arith.cmpi sgt, %parallel_loop3A_86, %parallel_loop3A_138 : i32
      %parallel_loop3A_140 = arith.extui %parallel_loop3A_139 : i1 to i32
      %parallel_loop3A_141 = arith.constant 0 : i32
      %parallel_loop3A_142 = arith.cmpi slt, %parallel_loop3A_86, %parallel_loop3A_141 : i32
      %parallel_loop3A_143 = arith.extui %parallel_loop3A_142 : i1 to i32
      %parallel_loop3A_144 = arith.subi %parallel_loop3A_140, %parallel_loop3A_143 : i32
      %parallel_loop3A_145 = arith.constant 0 : i32
      %parallel_loop3A_146 = arith.cmpi sgt, %parallel_loop3A_136, %parallel_loop3A_145 : i32
      %parallel_loop3A_147 = arith.extui %parallel_loop3A_146 : i1 to i32
      %parallel_loop3A_148 = arith.constant 0 : i32
      %parallel_loop3A_149 = arith.cmpi slt, %parallel_loop3A_136, %parallel_loop3A_148 : i32
      %parallel_loop3A_150 = arith.extui %parallel_loop3A_149 : i1 to i32
      %parallel_loop3A_151 = arith.subi %parallel_loop3A_147, %parallel_loop3A_150 : i32
      %parallel_loop3A_152 = arith.cmpi ne, %parallel_loop3A_144, %parallel_loop3A_151 : i32
      %parallel_loop3A_153 = arith.remsi %parallel_loop3A_86, %parallel_loop3A_136 : i32
      %parallel_loop3A_154 = arith.constant 0 : i32
      %parallel_loop3A_155 = arith.cmpi ne, %parallel_loop3A_153, %parallel_loop3A_154 : i32
      %parallel_loop3A_156 = arith.andi %parallel_loop3A_152, %parallel_loop3A_155 : i1
      %parallel_loop3A_157 = arith.constant 1 : i32
      %parallel_loop3A_158 = arith.subi %parallel_loop3A_137, %parallel_loop3A_157 : i32
      %parallel_loop3A_159 = arith.select %parallel_loop3A_156, %parallel_loop3A_158, %parallel_loop3A_137 : i32
      %parallel_loop3A_160 = arith.constant 512 : i32
      %parallel_loop3A_161 = arith.constant 0 : i32
      %parallel_loop3A_162 = arith.cmpi eq, %parallel_loop3A_160, %parallel_loop3A_161 : i32
      %parallel_loop3A_163 = arith.constant 1 : i32
      %parallel_loop3A_164 = arith.select %parallel_loop3A_162, %parallel_loop3A_163, %parallel_loop3A_160 : i32
      %parallel_loop3A_165 = arith.remsi %parallel_loop3A_86, %parallel_loop3A_164 : i32
      %parallel_loop3A_166 = arith.constant 0 : i32
      %parallel_loop3A_167 = arith.cmpi ne, %parallel_loop3A_165, %parallel_loop3A_166 : i32
      %parallel_loop3A_168 = arith.constant 0 : i32
      %parallel_loop3A_169 = arith.cmpi slt, %parallel_loop3A_165, %parallel_loop3A_168 : i32
      %parallel_loop3A_170 = arith.constant 0 : i32
      %parallel_loop3A_171 = arith.cmpi slt, %parallel_loop3A_164, %parallel_loop3A_170 : i32
      %parallel_loop3A_172 = arith.xori %parallel_loop3A_169, %parallel_loop3A_171 : i1
      %parallel_loop3A_173 = arith.andi %parallel_loop3A_172, %parallel_loop3A_167 : i1
      %parallel_loop3A_174 = arith.addi %parallel_loop3A_165, %parallel_loop3A_164 : i32
      %parallel_loop3A_175 = arith.select %parallel_loop3A_173, %parallel_loop3A_174, %parallel_loop3A_165 : i32
      %parallel_loop3A_176 = arith.constant 0 : i32
      %parallel_loop3A_177 = arith.index_cast %parallel_loop3A_176 : i32 to index
      %parallel_loop3A_178 = arith.index_cast %parallel_loop3A_159 : i32 to index
      %parallel_loop3A_179 = arith.index_cast %parallel_loop3A_175 : i32 to index
      %parallel_loop3A_180 = tpu.vector_load %arg7[%parallel_loop3A_177, %parallel_loop3A_178, %parallel_loop3A_179] {strides = array<i32>} : memref<8x8x512xf32, #tpu.memory_space<vmem>>, vector<16xf32>,
      tpu.vector_store %arg7[%parallel_loop3A_177, %parallel_loop3A_178, %parallel_loop3A_179], %parallel_loop3A_135 {strides = array<i32>} : memref<8x8x512xf32, #tpu.memory_space<vmem>>, vector<16xf32>,
      %parallel_loop3A_181 = arith.constant 3456 : i32
      %parallel_loop3A_182 = vector.broadcast %parallel_loop3A_181 : i32 to vector<16xi32>
      %parallel_loop3A_183 = arith.addi %parallel_loop3A_131, %parallel_loop3A_182 : vector<16xi32>
      %parallel_loop3A_184 = tpu.vector_load_idx %arg5[%parallel_loop3A_183] : memref<27648xf32, #tpu.memory_space<vmem>>[vector<16xi32>], vector<16xf32>,
      %parallel_loop3A_185 = arith.constant 512 : i32
      %parallel_loop3A_186 = arith.divsi %parallel_loop3A_86, %parallel_loop3A_185 : i32
      %parallel_loop3A_187 = arith.constant 0 : i32
      %parallel_loop3A_188 = arith.cmpi sgt, %parallel_loop3A_86, %parallel_loop3A_187 : i32
      %parallel_loop3A_189 = arith.extui %parallel_loop3A_188 : i1 to i32
      %parallel_loop3A_190 = arith.constant 0 : i32
      %parallel_loop3A_191 = arith.cmpi slt, %parallel_loop3A_86, %parallel_loop3A_190 : i32
      %parallel_loop3A_192 = arith.extui %parallel_loop3A_191 : i1 to i32
      %parallel_loop3A_193 = arith.subi %parallel_loop3A_189, %parallel_loop3A_192 : i32
      %parallel_loop3A_194 = arith.constant 0 : i32
      %parallel_loop3A_195 = arith.cmpi sgt, %parallel_loop3A_185, %parallel_loop3A_194 : i32
      %parallel_loop3A_196 = arith.extui %parallel_loop3A_195 : i1 to i32
      %parallel_loop3A_197 = arith.constant 0 : i32
      %parallel_loop3A_198 = arith.cmpi slt, %parallel_loop3A_185, %parallel_loop3A_197 : i32
      %parallel_loop3A_199 = arith.extui %parallel_loop3A_198 : i1 to i32
      %parallel_loop3A_200 = arith.subi %parallel_loop3A_196, %parallel_loop3A_199 : i32
      %parallel_loop3A_201 = arith.cmpi ne, %parallel_loop3A_193, %parallel_loop3A_200 : i32
      %parallel_loop3A_202 = arith.remsi %parallel_loop3A_86, %parallel_loop3A_185 : i32
      %parallel_loop3A_203 = arith.constant 0 : i32
      %parallel_loop3A_204 = arith.cmpi ne, %parallel_loop3A_202, %parallel_loop3A_203 : i32
      %parallel_loop3A_205 = arith.andi %parallel_loop3A_201, %parallel_loop3A_204 : i1
      %parallel_loop3A_206 = arith.constant 1 : i32
      %parallel_loop3A_207 = arith.subi %parallel_loop3A_186, %parallel_loop3A_206 : i32
      %parallel_loop3A_208 = arith.select %parallel_loop3A_205, %parallel_loop3A_207, %parallel_loop3A_186 : i32
      %parallel_loop3A_209 = arith.constant 512 : i32
      %parallel_loop3A_210 = arith.constant 0 : i32
      %parallel_loop3A_211 = arith.cmpi eq, %parallel_loop3A_209, %parallel_loop3A_210 : i32
      %parallel_loop3A_212 = arith.constant 1 : i32
      %parallel_loop3A_213 = arith.select %parallel_loop3A_211, %parallel_loop3A_212, %parallel_loop3A_209 : i32
      %parallel_loop3A_214 = arith.remsi %parallel_loop3A_86, %parallel_loop3A_213 : i32
      %parallel_loop3A_215 = arith.constant 0 : i32
      %parallel_loop3A_216 = arith.cmpi ne, %parallel_loop3A_214, %parallel_loop3A_215 : i32
      %parallel_loop3A_217 = arith.constant 0 : i32
      %parallel_loop3A_218 = arith.cmpi slt, %parallel_loop3A_214, %parallel_loop3A_217 : i32
      %parallel_loop3A_219 = arith.constant 0 : i32
      %parallel_loop3A_220 = arith.cmpi slt, %parallel_loop3A_213, %parallel_loop3A_219 : i32
      %parallel_loop3A_221 = arith.xori %parallel_loop3A_218, %parallel_loop3A_220 : i1
      %parallel_loop3A_222 = arith.andi %parallel_loop3A_221, %parallel_loop3A_216 : i1
      %parallel_loop3A_223 = arith.addi %parallel_loop3A_214, %parallel_loop3A_213 : i32
      %parallel_loop3A_224 = arith.select %parallel_loop3A_222, %parallel_loop3A_223, %parallel_loop3A_214 : i32
      %parallel_loop3A_225 = arith.constant 1 : i32
      %parallel_loop3A_226 = arith.index_cast %parallel_loop3A_225 : i32 to index
      %parallel_loop3A_227 = arith.index_cast %parallel_loop3A_208 : i32 to index
      %parallel_loop3A_228 = arith.index_cast %parallel_loop3A_224 : i32 to index
      %parallel_loop3A_229 = tpu.vector_load %arg7[%parallel_loop3A_226, %parallel_loop3A_227, %parallel_loop3A_228] {strides = array<i32>} : memref<8x8x512xf32, #tpu.memory_space<vmem>>, vector<16xf32>,
      tpu.vector_store %arg7[%parallel_loop3A_226, %parallel_loop3A_227, %parallel_loop3A_228], %parallel_loop3A_184 {strides = array<i32>} : memref<8x8x512xf32, #tpu.memory_space<vmem>>, vector<16xf32>,
      %parallel_loop3A_230 = arith.constant 6912 : i32
      %parallel_loop3A_231 = vector.broadcast %parallel_loop3A_230 : i32 to vector<16xi32>
      %parallel_loop3A_232 = arith.addi %parallel_loop3A_131, %parallel_loop3A_231 : vector<16xi32>
      %parallel_loop3A_233 = tpu.vector_load_idx %arg5[%parallel_loop3A_232] : memref<27648xf32, #tpu.memory_space<vmem>>[vector<16xi32>], vector<16xf32>,
      %parallel_loop3A_234 = arith.constant 512 : i32
      %parallel_loop3A_235 = arith.divsi %parallel_loop3A_86, %parallel_loop3A_234 : i32
      %parallel_loop3A_236 = arith.constant 0 : i32
      %parallel_loop3A_237 = arith.cmpi sgt, %parallel_loop3A_86, %parallel_loop3A_236 : i32
      %parallel_loop3A_238 = arith.extui %parallel_loop3A_237 : i1 to i32
      %parallel_loop3A_239 = arith.constant 0 : i32
      %parallel_loop3A_240 = arith.cmpi slt, %parallel_loop3A_86, %parallel_loop3A_239 : i32
      %parallel_loop3A_241 = arith.extui %parallel_loop3A_240 : i1 to i32
      %parallel_loop3A_242 = arith.subi %parallel_loop3A_238, %parallel_loop3A_241 : i32
      %parallel_loop3A_243 = arith.constant 0 : i32
      %parallel_loop3A_244 = arith.cmpi sgt, %parallel_loop3A_234, %parallel_loop3A_243 : i32
      %parallel_loop3A_245 = arith.extui %parallel_loop3A_244 : i1 to i32
      %parallel_loop3A_246 = arith.constant 0 : i32
      %parallel_loop3A_247 = arith.cmpi slt, %parallel_loop3A_234, %parallel_loop3A_246 : i32
      %parallel_loop3A_248 = arith.extui %parallel_loop3A_247 : i1 to i32
      %parallel_loop3A_249 = arith.subi %parallel_loop3A_245, %parallel_loop3A_248 : i32
      %parallel_loop3A_250 = arith.cmpi ne, %parallel_loop3A_242, %parallel_loop3A_249 : i32
      %parallel_loop3A_251 = arith.remsi %parallel_loop3A_86, %parallel_loop3A_234 : i32
      %parallel_loop3A_252 = arith.constant 0 : i32
      %parallel_loop3A_253 = arith.cmpi ne, %parallel_loop3A_251, %parallel_loop3A_252 : i32
      %parallel_loop3A_254 = arith.andi %parallel_loop3A_250, %parallel_loop3A_253 : i1
      %parallel_loop3A_255 = arith.constant 1 : i32
      %parallel_loop3A_256 = arith.subi %parallel_loop3A_235, %parallel_loop3A_255 : i32
      %parallel_loop3A_257 = arith.select %parallel_loop3A_254, %parallel_loop3A_256, %parallel_loop3A_235 : i32
      %parallel_loop3A_258 = arith.constant 512 : i32
      %parallel_loop3A_259 = arith.constant 0 : i32
      %parallel_loop3A_260 = arith.cmpi eq, %parallel_loop3A_258, %parallel_loop3A_259 : i32
      %parallel_loop3A_261 = arith.constant 1 : i32
      %parallel_loop3A_262 = arith.select %parallel_loop3A_260, %parallel_loop3A_261, %parallel_loop3A_258 : i32
      %parallel_loop3A_263 = arith.remsi %parallel_loop3A_86, %parallel_loop3A_262 : i32
      %parallel_loop3A_264 = arith.constant 0 : i32
      %parallel_loop3A_265 = arith.cmpi ne, %parallel_loop3A_263, %parallel_loop3A_264 : i32
      %parallel_loop3A_266 = arith.constant 0 : i32
      %parallel_loop3A_267 = arith.cmpi slt, %parallel_loop3A_263, %parallel_loop3A_266 : i32
      %parallel_loop3A_268 = arith.constant 0 : i32
      %parallel_loop3A_269 = arith.cmpi slt, %parallel_loop3A_262, %parallel_loop3A_268 : i32
      %parallel_loop3A_270 = arith.xori %parallel_loop3A_267, %parallel_loop3A_269 : i1
      %parallel_loop3A_271 = arith.andi %parallel_loop3A_270, %parallel_loop3A_265 : i1
      %parallel_loop3A_272 = arith.addi %parallel_loop3A_263, %parallel_loop3A_262 : i32
      %parallel_loop3A_273 = arith.select %parallel_loop3A_271, %parallel_loop3A_272, %parallel_loop3A_263 : i32
      %parallel_loop3A_274 = arith.constant 2 : i32
      %parallel_loop3A_275 = arith.index_cast %parallel_loop3A_274 : i32 to index
      %parallel_loop3A_276 = arith.index_cast %parallel_loop3A_257 : i32 to index
      %parallel_loop3A_277 = arith.index_cast %parallel_loop3A_273 : i32 to index
      %parallel_loop3A_278 = tpu.vector_load %arg7[%parallel_loop3A_275, %parallel_loop3A_276, %parallel_loop3A_277] {strides = array<i32>} : memref<8x8x512xf32, #tpu.memory_space<vmem>>, vector<16xf32>,
      tpu.vector_store %arg7[%parallel_loop3A_275, %parallel_loop3A_276, %parallel_loop3A_277], %parallel_loop3A_233 {strides = array<i32>} : memref<8x8x512xf32, #tpu.memory_space<vmem>>, vector<16xf32>,
      %parallel_loop3A_279 = arith.constant 10368 : i32
      %parallel_loop3A_280 = vector.broadcast %parallel_loop3A_279 : i32 to vector<16xi32>
      %parallel_loop3A_281 = arith.addi %parallel_loop3A_131, %parallel_loop3A_280 : vector<16xi32>
      %parallel_loop3A_282 = tpu.vector_load_idx %arg5[%parallel_loop3A_281] : memref<27648xf32, #tpu.memory_space<vmem>>[vector<16xi32>], vector<16xf32>,
      %parallel_loop3A_283 = arith.constant 512 : i32
      %parallel_loop3A_284 = arith.divsi %parallel_loop3A_86, %parallel_loop3A_283 : i32
      %parallel_loop3A_285 = arith.constant 0 : i32
      %parallel_loop3A_286 = arith.cmpi sgt, %parallel_loop3A_86, %parallel_loop3A_285 : i32
      %parallel_loop3A_287 = arith.extui %parallel_loop3A_286 : i1 to i32
      %parallel_loop3A_288 = arith.constant 0 : i32
      %parallel_loop3A_289 = arith.cmpi slt, %parallel_loop3A_86, %parallel_loop3A_288 : i32
      %parallel_loop3A_290 = arith.extui %parallel_loop3A_289 : i1 to i32
      %parallel_loop3A_291 = arith.subi %parallel_loop3A_287, %parallel_loop3A_290 : i32
      %parallel_loop3A_292 = arith.constant 0 : i32
      %parallel_loop3A_293 = arith.cmpi sgt, %parallel_loop3A_283, %parallel_loop3A_292 : i32
      %parallel_loop3A_294 = arith.extui %parallel_loop3A_293 : i1 to i32
      %parallel_loop3A_295 = arith.constant 0 : i32
      %parallel_loop3A_296 = arith.cmpi slt, %parallel_loop3A_283, %parallel_loop3A_295 : i32
      %parallel_loop3A_297 = arith.extui %parallel_loop3A_296 : i1 to i32
      %parallel_loop3A_298 = arith.subi %parallel_loop3A_294, %parallel_loop3A_297 : i32
      %parallel_loop3A_299 = arith.cmpi ne, %parallel_loop3A_291, %parallel_loop3A_298 : i32
      %parallel_loop3A_300 = arith.remsi %parallel_loop3A_86, %parallel_loop3A_283 : i32
      %parallel_loop3A_301 = arith.constant 0 : i32
      %parallel_loop3A_302 = arith.cmpi ne, %parallel_loop3A_300, %parallel_loop3A_301 : i32
      %parallel_loop3A_303 = arith.andi %parallel_loop3A_299, %parallel_loop3A_302 : i1
      %parallel_loop3A_304 = arith.constant 1 : i32
      %parallel_loop3A_305 = arith.subi %parallel_loop3A_284, %parallel_loop3A_304 : i32
      %parallel_loop3A_306 = arith.select %parallel_loop3A_303, %parallel_loop3A_305, %parallel_loop3A_284 : i32
      %parallel_loop3A_307 = arith.constant 512 : i32
      %parallel_loop3A_308 = arith.constant 0 : i32
      %parallel_loop3A_309 = arith.cmpi eq, %parallel_loop3A_307, %parallel_loop3A_308 : i32
      %parallel_loop3A_310 = arith.constant 1 : i32
      %parallel_loop3A_311 = arith.select %parallel_loop3A_309, %parallel_loop3A_310, %parallel_loop3A_307 : i32
      %parallel_loop3A_312 = arith.remsi %parallel_loop3A_86, %parallel_loop3A_311 : i32
      %parallel_loop3A_313 = arith.constant 0 : i32
      %parallel_loop3A_314 = arith.cmpi ne, %parallel_loop3A_312, %parallel_loop3A_313 : i32
      %parallel_loop3A_315 = arith.constant 0 : i32
      %parallel_loop3A_316 = arith.cmpi slt, %parallel_loop3A_312, %parallel_loop3A_315 : i32
      %parallel_loop3A_317 = arith.constant 0 : i32
      %parallel_loop3A_318 = arith.cmpi slt, %parallel_loop3A_311, %parallel_loop3A_317 : i32
      %parallel_loop3A_319 = arith.xori %parallel_loop3A_316, %parallel_loop3A_318 : i1
      %parallel_loop3A_320 = arith.andi %parallel_loop3A_319, %parallel_loop3A_314 : i1
      %parallel_loop3A_321 = arith.addi %parallel_loop3A_312, %parallel_loop3A_311 : i32
      %parallel_loop3A_322 = arith.select %parallel_loop3A_320, %parallel_loop3A_321, %parallel_loop3A_312 : i32
      %parallel_loop3A_323 = arith.constant 3 : i32
      %parallel_loop3A_324 = arith.index_cast %parallel_loop3A_323 : i32 to index
      %parallel_loop3A_325 = arith.index_cast %parallel_loop3A_306 : i32 to index
      %parallel_loop3A_326 = arith.index_cast %parallel_loop3A_322 : i32 to index
      %parallel_loop3A_327 = tpu.vector_load %arg7[%parallel_loop3A_324, %parallel_loop3A_325, %parallel_loop3A_326] {strides = array<i32>} : memref<8x8x512xf32, #tpu.memory_space<vmem>>, vector<16xf32>,
      tpu.vector_store %arg7[%parallel_loop3A_324, %parallel_loop3A_325, %parallel_loop3A_326], %parallel_loop3A_282 {strides = array<i32>} : memref<8x8x512xf32, #tpu.memory_space<vmem>>, vector<16xf32>,
      %parallel_loop3A_328 = arith.constant 13824 : i32
      %parallel_loop3A_329 = vector.broadcast %parallel_loop3A_328 : i32 to vector<16xi32>
      %parallel_loop3A_330 = arith.addi %parallel_loop3A_131, %parallel_loop3A_329 : vector<16xi32>
      %parallel_loop3A_331 = tpu.vector_load_idx %arg5[%parallel_loop3A_330] : memref<27648xf32, #tpu.memory_space<vmem>>[vector<16xi32>], vector<16xf32>,
      %parallel_loop3A_332 = arith.constant 512 : i32
      %parallel_loop3A_333 = arith.divsi %parallel_loop3A_86, %parallel_loop3A_332 : i32
      %parallel_loop3A_334 = arith.constant 0 : i32
      %parallel_loop3A_335 = arith.cmpi sgt, %parallel_loop3A_86, %parallel_loop3A_334 : i32
      %parallel_loop3A_336 = arith.extui %parallel_loop3A_335 : i1 to i32
      %parallel_loop3A_337 = arith.constant 0 : i32
      %parallel_loop3A_338 = arith.cmpi slt, %parallel_loop3A_86, %parallel_loop3A_337 : i32
      %parallel_loop3A_339 = arith.extui %parallel_loop3A_338 : i1 to i32
      %parallel_loop3A_340 = arith.subi %parallel_loop3A_336, %parallel_loop3A_339 : i32
      %parallel_loop3A_341 = arith.constant 0 : i32
      %parallel_loop3A_342 = arith.cmpi sgt, %parallel_loop3A_332, %parallel_loop3A_341 : i32
      %parallel_loop3A_343 = arith.extui %parallel_loop3A_342 : i1 to i32
      %parallel_loop3A_344 = arith.constant 0 : i32
      %parallel_loop3A_345 = arith.cmpi slt, %parallel_loop3A_332, %parallel_loop3A_344 : i32
      %parallel_loop3A_346 = arith.extui %parallel_loop3A_345 : i1 to i32
      %parallel_loop3A_347 = arith.subi %parallel_loop3A_343, %parallel_loop3A_346 : i32
      %parallel_loop3A_348 = arith.cmpi ne, %parallel_loop3A_340, %parallel_loop3A_347 : i32
      %parallel_loop3A_349 = arith.remsi %parallel_loop3A_86, %parallel_loop3A_332 : i32
      %parallel_loop3A_350 = arith.constant 0 : i32
      %parallel_loop3A_351 = arith.cmpi ne, %parallel_loop3A_349, %parallel_loop3A_350 : i32
      %parallel_loop3A_352 = arith.andi %parallel_loop3A_348, %parallel_loop3A_351 : i1
      %parallel_loop3A_353 = arith.constant 1 : i32
      %parallel_loop3A_354 = arith.subi %parallel_loop3A_333, %parallel_loop3A_353 : i32
      %parallel_loop3A_355 = arith.select %parallel_loop3A_352, %parallel_loop3A_354, %parallel_loop3A_333 : i32
      %parallel_loop3A_356 = arith.constant 512 : i32
      %parallel_loop3A_357 = arith.constant 0 : i32
      %parallel_loop3A_358 = arith.cmpi eq, %parallel_loop3A_356, %parallel_loop3A_357 : i32
      %parallel_loop3A_359 = arith.constant 1 : i32
      %parallel_loop3A_360 = arith.select %parallel_loop3A_358, %parallel_loop3A_359, %parallel_loop3A_356 : i32
      %parallel_loop3A_361 = arith.remsi %parallel_loop3A_86, %parallel_loop3A_360 : i32
      %parallel_loop3A_362 = arith.constant 0 : i32
      %parallel_loop3A_363 = arith.cmpi ne, %parallel_loop3A_361, %parallel_loop3A_362 : i32
      %parallel_loop3A_364 = arith.constant 0 : i32
      %parallel_loop3A_365 = arith.cmpi slt, %parallel_loop3A_361, %parallel_loop3A_364 : i32
      %parallel_loop3A_366 = arith.constant 0 : i32
      %parallel_loop3A_367 = arith.cmpi slt, %parallel_loop3A_360, %parallel_loop3A_366 : i32
      %parallel_loop3A_368 = arith.xori %parallel_loop3A_365, %parallel_loop3A_367 : i1
      %parallel_loop3A_369 = arith.andi %parallel_loop3A_368, %parallel_loop3A_363 : i1
      %parallel_loop3A_370 = arith.addi %parallel_loop3A_361, %parallel_loop3A_360 : i32
      %parallel_loop3A_371 = arith.select %parallel_loop3A_369, %parallel_loop3A_370, %parallel_loop3A_361 : i32
      %parallel_loop3A_372 = arith.constant 4 : i32
      %parallel_loop3A_373 = arith.index_cast %parallel_loop3A_372 : i32 to index
      %parallel_loop3A_374 = arith.index_cast %parallel_loop3A_355 : i32 to index
      %parallel_loop3A_375 = arith.index_cast %parallel_loop3A_371 : i32 to index
      %parallel_loop3A_376 = tpu.vector_load %arg7[%parallel_loop3A_373, %parallel_loop3A_374, %parallel_loop3A_375] {strides = array<i32>} : memref<8x8x512xf32, #tpu.memory_space<vmem>>, vector<16xf32>,
      tpu.vector_store %arg7[%parallel_loop3A_373, %parallel_loop3A_374, %parallel_loop3A_375], %parallel_loop3A_331 {strides = array<i32>} : memref<8x8x512xf32, #tpu.memory_space<vmem>>, vector<16xf32>,
      %parallel_loop3A_377 = arith.constant 17280 : i32
      %parallel_loop3A_378 = vector.broadcast %parallel_loop3A_377 : i32 to vector<16xi32>
      %parallel_loop3A_379 = arith.addi %parallel_loop3A_131, %parallel_loop3A_378 : vector<16xi32>
      %parallel_loop3A_380 = tpu.vector_load_idx %arg5[%parallel_loop3A_379] : memref<27648xf32, #tpu.memory_space<vmem>>[vector<16xi32>], vector<16xf32>,
      %parallel_loop3A_381 = arith.constant 512 : i32
      %parallel_loop3A_382 = arith.divsi %parallel_loop3A_86, %parallel_loop3A_381 : i32
      %parallel_loop3A_383 = arith.constant 0 : i32
      %parallel_loop3A_384 = arith.cmpi sgt, %parallel_loop3A_86, %parallel_loop3A_383 : i32
      %parallel_loop3A_385 = arith.extui %parallel_loop3A_384 : i1 to i32
      %parallel_loop3A_386 = arith.constant 0 : i32
      %parallel_loop3A_387 = arith.cmpi slt, %parallel_loop3A_86, %parallel_loop3A_386 : i32
      %parallel_loop3A_388 = arith.extui %parallel_loop3A_387 : i1 to i32
      %parallel_loop3A_389 = arith.subi %parallel_loop3A_385, %parallel_loop3A_388 : i32
      %parallel_loop3A_390 = arith.constant 0 : i32
      %parallel_loop3A_391 = arith.cmpi sgt, %parallel_loop3A_381, %parallel_loop3A_390 : i32
      %parallel_loop3A_392 = arith.extui %parallel_loop3A_391 : i1 to i32
      %parallel_loop3A_393 = arith.constant 0 : i32
      %parallel_loop3A_394 = arith.cmpi slt, %parallel_loop3A_381, %parallel_loop3A_393 : i32
      %parallel_loop3A_395 = arith.extui %parallel_loop3A_394 : i1 to i32
      %parallel_loop3A_396 = arith.subi %parallel_loop3A_392, %parallel_loop3A_395 : i32
      %parallel_loop3A_397 = arith.cmpi ne, %parallel_loop3A_389, %parallel_loop3A_396 : i32
      %parallel_loop3A_398 = arith.remsi %parallel_loop3A_86, %parallel_loop3A_381 : i32
      %parallel_loop3A_399 = arith.constant 0 : i32
      %parallel_loop3A_400 = arith.cmpi ne, %parallel_loop3A_398, %parallel_loop3A_399 : i32
      %parallel_loop3A_401 = arith.andi %parallel_loop3A_397, %parallel_loop3A_400 : i1
      %parallel_loop3A_402 = arith.constant 1 : i32
      %parallel_loop3A_403 = arith.subi %parallel_loop3A_382, %parallel_loop3A_402 : i32
      %parallel_loop3A_404 = arith.select %parallel_loop3A_401, %parallel_loop3A_403, %parallel_loop3A_382 : i32
      %parallel_loop3A_405 = arith.constant 512 : i32
      %parallel_loop3A_406 = arith.constant 0 : i32
      %parallel_loop3A_407 = arith.cmpi eq, %parallel_loop3A_405, %parallel_loop3A_406 : i32
      %parallel_loop3A_408 = arith.constant 1 : i32
      %parallel_loop3A_409 = arith.select %parallel_loop3A_407, %parallel_loop3A_408, %parallel_loop3A_405 : i32
      %parallel_loop3A_410 = arith.remsi %parallel_loop3A_86, %parallel_loop3A_409 : i32
      %parallel_loop3A_411 = arith.constant 0 : i32
      %parallel_loop3A_412 = arith.cmpi ne, %parallel_loop3A_410, %parallel_loop3A_411 : i32
      %parallel_loop3A_413 = arith.constant 0 : i32
      %parallel_loop3A_414 = arith.cmpi slt, %parallel_loop3A_410, %parallel_loop3A_413 : i32
      %parallel_loop3A_415 = arith.constant 0 : i32
      %parallel_loop3A_416 = arith.cmpi slt, %parallel_loop3A_409, %parallel_loop3A_415 : i32
      %parallel_loop3A_417 = arith.xori %parallel_loop3A_414, %parallel_loop3A_416 : i1
      %parallel_loop3A_418 = arith.andi %parallel_loop3A_417, %parallel_loop3A_412 : i1
      %parallel_loop3A_419 = arith.addi %parallel_loop3A_410, %parallel_loop3A_409 : i32
      %parallel_loop3A_420 = arith.select %parallel_loop3A_418, %parallel_loop3A_419, %parallel_loop3A_410 : i32
      %parallel_loop3A_421 = arith.constant 5 : i32
      %parallel_loop3A_422 = arith.index_cast %parallel_loop3A_421 : i32 to index
      %parallel_loop3A_423 = arith.index_cast %parallel_loop3A_404 : i32 to index
      %parallel_loop3A_424 = arith.index_cast %parallel_loop3A_420 : i32 to index
      %parallel_loop3A_425 = tpu.vector_load %arg7[%parallel_loop3A_422, %parallel_loop3A_423, %parallel_loop3A_424] {strides = array<i32>} : memref<8x8x512xf32, #tpu.memory_space<vmem>>, vector<16xf32>,
      tpu.vector_store %arg7[%parallel_loop3A_422, %parallel_loop3A_423, %parallel_loop3A_424], %parallel_loop3A_380 {strides = array<i32>} : memref<8x8x512xf32, #tpu.memory_space<vmem>>, vector<16xf32>,
      %parallel_loop3A_426 = arith.constant 20736 : i32
      %parallel_loop3A_427 = vector.broadcast %parallel_loop3A_426 : i32 to vector<16xi32>
      %parallel_loop3A_428 = arith.addi %parallel_loop3A_131, %parallel_loop3A_427 : vector<16xi32>
      %parallel_loop3A_429 = tpu.vector_load_idx %arg5[%parallel_loop3A_428] : memref<27648xf32, #tpu.memory_space<vmem>>[vector<16xi32>], vector<16xf32>,
      %parallel_loop3A_430 = arith.constant 512 : i32
      %parallel_loop3A_431 = arith.divsi %parallel_loop3A_86, %parallel_loop3A_430 : i32
      %parallel_loop3A_432 = arith.constant 0 : i32
      %parallel_loop3A_433 = arith.cmpi sgt, %parallel_loop3A_86, %parallel_loop3A_432 : i32
      %parallel_loop3A_434 = arith.extui %parallel_loop3A_433 : i1 to i32
      %parallel_loop3A_435 = arith.constant 0 : i32
      %parallel_loop3A_436 = arith.cmpi slt, %parallel_loop3A_86, %parallel_loop3A_435 : i32
      %parallel_loop3A_437 = arith.extui %parallel_loop3A_436 : i1 to i32
      %parallel_loop3A_438 = arith.subi %parallel_loop3A_434, %parallel_loop3A_437 : i32
      %parallel_loop3A_439 = arith.constant 0 : i32
      %parallel_loop3A_440 = arith.cmpi sgt, %parallel_loop3A_430, %parallel_loop3A_439 : i32
      %parallel_loop3A_441 = arith.extui %parallel_loop3A_440 : i1 to i32
      %parallel_loop3A_442 = arith.constant 0 : i32
      %parallel_loop3A_443 = arith.cmpi slt, %parallel_loop3A_430, %parallel_loop3A_442 : i32
      %parallel_loop3A_444 = arith.extui %parallel_loop3A_443 : i1 to i32
      %parallel_loop3A_445 = arith.subi %parallel_loop3A_441, %parallel_loop3A_444 : i32
      %parallel_loop3A_446 = arith.cmpi ne, %parallel_loop3A_438, %parallel_loop3A_445 : i32
      %parallel_loop3A_447 = arith.remsi %parallel_loop3A_86, %parallel_loop3A_430 : i32
      %parallel_loop3A_448 = arith.constant 0 : i32
      %parallel_loop3A_449 = arith.cmpi ne, %parallel_loop3A_447, %parallel_loop3A_448 : i32
      %parallel_loop3A_450 = arith.andi %parallel_loop3A_446, %parallel_loop3A_449 : i1
      %parallel_loop3A_451 = arith.constant 1 : i32
      %parallel_loop3A_452 = arith.subi %parallel_loop3A_431, %parallel_loop3A_451 : i32
      %parallel_loop3A_453 = arith.select %parallel_loop3A_450, %parallel_loop3A_452, %parallel_loop3A_431 : i32
      %parallel_loop3A_454 = arith.constant 512 : i32
      %parallel_loop3A_455 = arith.constant 0 : i32
      %parallel_loop3A_456 = arith.cmpi eq, %parallel_loop3A_454, %parallel_loop3A_455 : i32
      %parallel_loop3A_457 = arith.constant 1 : i32
      %parallel_loop3A_458 = arith.select %parallel_loop3A_456, %parallel_loop3A_457, %parallel_loop3A_454 : i32
      %parallel_loop3A_459 = arith.remsi %parallel_loop3A_86, %parallel_loop3A_458 : i32
      %parallel_loop3A_460 = arith.constant 0 : i32
      %parallel_loop3A_461 = arith.cmpi ne, %parallel_loop3A_459, %parallel_loop3A_460 : i32
      %parallel_loop3A_462 = arith.constant 0 : i32
      %parallel_loop3A_463 = arith.cmpi slt, %parallel_loop3A_459, %parallel_loop3A_462 : i32
      %parallel_loop3A_464 = arith.constant 0 : i32
      %parallel_loop3A_465 = arith.cmpi slt, %parallel_loop3A_458, %parallel_loop3A_464 : i32
      %parallel_loop3A_466 = arith.xori %parallel_loop3A_463, %parallel_loop3A_465 : i1
      %parallel_loop3A_467 = arith.andi %parallel_loop3A_466, %parallel_loop3A_461 : i1
      %parallel_loop3A_468 = arith.addi %parallel_loop3A_459, %parallel_loop3A_458 : i32
      %parallel_loop3A_469 = arith.select %parallel_loop3A_467, %parallel_loop3A_468, %parallel_loop3A_459 : i32
      %parallel_loop3A_470 = arith.constant 6 : i32
      %parallel_loop3A_471 = arith.index_cast %parallel_loop3A_470 : i32 to index
      %parallel_loop3A_472 = arith.index_cast %parallel_loop3A_453 : i32 to index
      %parallel_loop3A_473 = arith.index_cast %parallel_loop3A_469 : i32 to index
      %parallel_loop3A_474 = tpu.vector_load %arg7[%parallel_loop3A_471, %parallel_loop3A_472, %parallel_loop3A_473] {strides = array<i32>} : memref<8x8x512xf32, #tpu.memory_space<vmem>>, vector<16xf32>,
      tpu.vector_store %arg7[%parallel_loop3A_471, %parallel_loop3A_472, %parallel_loop3A_473], %parallel_loop3A_429 {strides = array<i32>} : memref<8x8x512xf32, #tpu.memory_space<vmem>>, vector<16xf32>,
      %parallel_loop3A_475 = arith.constant 24192 : i32
      %parallel_loop3A_476 = vector.broadcast %parallel_loop3A_475 : i32 to vector<16xi32>
      %parallel_loop3A_477 = arith.addi %parallel_loop3A_131, %parallel_loop3A_476 : vector<16xi32>
      %parallel_loop3A_478 = tpu.vector_load_idx %arg5[%parallel_loop3A_477] : memref<27648xf32, #tpu.memory_space<vmem>>[vector<16xi32>], vector<16xf32>,
      %parallel_loop3A_479 = arith.constant 512 : i32
      %parallel_loop3A_480 = arith.divsi %parallel_loop3A_86, %parallel_loop3A_479 : i32
      %parallel_loop3A_481 = arith.constant 0 : i32
      %parallel_loop3A_482 = arith.cmpi sgt, %parallel_loop3A_86, %parallel_loop3A_481 : i32
      %parallel_loop3A_483 = arith.extui %parallel_loop3A_482 : i1 to i32
      %parallel_loop3A_484 = arith.constant 0 : i32
      %parallel_loop3A_485 = arith.cmpi slt, %parallel_loop3A_86, %parallel_loop3A_484 : i32
      %parallel_loop3A_486 = arith.extui %parallel_loop3A_485 : i1 to i32
      %parallel_loop3A_487 = arith.subi %parallel_loop3A_483, %parallel_loop3A_486 : i32
      %parallel_loop3A_488 = arith.constant 0 : i32
      %parallel_loop3A_489 = arith.cmpi sgt, %parallel_loop3A_479, %parallel_loop3A_488 : i32
      %parallel_loop3A_490 = arith.extui %parallel_loop3A_489 : i1 to i32
      %parallel_loop3A_491 = arith.constant 0 : i32
      %parallel_loop3A_492 = arith.cmpi slt, %parallel_loop3A_479, %parallel_loop3A_491 : i32
      %parallel_loop3A_493 = arith.extui %parallel_loop3A_492 : i1 to i32
      %parallel_loop3A_494 = arith.subi %parallel_loop3A_490, %parallel_loop3A_493 : i32
      %parallel_loop3A_495 = arith.cmpi ne, %parallel_loop3A_487, %parallel_loop3A_494 : i32
      %parallel_loop3A_496 = arith.remsi %parallel_loop3A_86, %parallel_loop3A_479 : i32
      %parallel_loop3A_497 = arith.constant 0 : i32
      %parallel_loop3A_498 = arith.cmpi ne, %parallel_loop3A_496, %parallel_loop3A_497 : i32
      %parallel_loop3A_499 = arith.andi %parallel_loop3A_495, %parallel_loop3A_498 : i1
      %parallel_loop3A_500 = arith.constant 1 : i32
      %parallel_loop3A_501 = arith.subi %parallel_loop3A_480, %parallel_loop3A_500 : i32
      %parallel_loop3A_502 = arith.select %parallel_loop3A_499, %parallel_loop3A_501, %parallel_loop3A_480 : i32
      %parallel_loop3A_503 = arith.constant 512 : i32
      %parallel_loop3A_504 = arith.constant 0 : i32
      %parallel_loop3A_505 = arith.cmpi eq, %parallel_loop3A_503, %parallel_loop3A_504 : i32
      %parallel_loop3A_506 = arith.constant 1 : i32
      %parallel_loop3A_507 = arith.select %parallel_loop3A_505, %parallel_loop3A_506, %parallel_loop3A_503 : i32
      %parallel_loop3A_508 = arith.remsi %parallel_loop3A_86, %parallel_loop3A_507 : i32
      %parallel_loop3A_509 = arith.constant 0 : i32
      %parallel_loop3A_510 = arith.cmpi ne, %parallel_loop3A_508, %parallel_loop3A_509 : i32
      %parallel_loop3A_511 = arith.constant 0 : i32
      %parallel_loop3A_512 = arith.cmpi slt, %parallel_loop3A_508, %parallel_loop3A_511 : i32
      %parallel_loop3A_513 = arith.constant 0 : i32
      %parallel_loop3A_514 = arith.cmpi slt, %parallel_loop3A_507, %parallel_loop3A_513 : i32
      %parallel_loop3A_515 = arith.xori %parallel_loop3A_512, %parallel_loop3A_514 : i1
      %parallel_loop3A_516 = arith.andi %parallel_loop3A_515, %parallel_loop3A_510 : i1
      %parallel_loop3A_517 = arith.addi %parallel_loop3A_508, %parallel_loop3A_507 : i32
      %parallel_loop3A_518 = arith.select %parallel_loop3A_516, %parallel_loop3A_517, %parallel_loop3A_508 : i32
      %parallel_loop3A_519 = arith.constant 7 : i32
      %parallel_loop3A_520 = arith.index_cast %parallel_loop3A_519 : i32 to index
      %parallel_loop3A_521 = arith.index_cast %parallel_loop3A_502 : i32 to index
      %parallel_loop3A_522 = arith.index_cast %parallel_loop3A_518 : i32 to index
      %parallel_loop3A_523 = tpu.vector_load %arg7[%parallel_loop3A_520, %parallel_loop3A_521, %parallel_loop3A_522] {strides = array<i32>} : memref<8x8x512xf32, #tpu.memory_space<vmem>>, vector<16xf32>,
      tpu.vector_store %arg7[%parallel_loop3A_520, %parallel_loop3A_521, %parallel_loop3A_522], %parallel_loop3A_478 {strides = array<i32>} : memref<8x8x512xf32, #tpu.memory_space<vmem>>, vector<16xf32>,
    } {sc.loop_unroll_factor = 8 : i64, sc.parallel_access}
    %add3A_39 = arith.constant 0 : i32
    %add3A_40 = arith.addi %mul3A_34, %add3A_39 : i32
    %dma_start3A = arith.constant 0 : i32
    %dma_start3A_41 = tpu.memref_slice %arg4[%mul3A_18, %add3A_40, %dma_start3A] : memref<16x512x512xf32, #tpu.memory_space<hbm>> -> memref<8x8x512xf32, #tpu.memory_space<hbm>>
    %dma_start3A_42 = arith.constant 0 : i32
    %dma_start3A_43 = tpu.memref_slice %arg4[%mul3A_18, %add3A_40, %dma_start3A_42] : memref<16x512x512xf32, #tpu.memory_space<hbm>> -> memref<8x8x512xf32, #tpu.memory_space<hbm>>
    tpu.enqueue_dma source(%arg7 : memref<8x8x512xf32, #tpu.memory_space<vmem>>) target(%dma_start3A_43 : memref<8x8x512xf32, #tpu.memory_space<hbm>>) target_semaphore(%arg9 : memref<!tpu.dma_semaphore, #tpu.memory_space<semaphore_mem>>)
    %parallel_loop3A_44 = arith.constant 0 : i32
    %parallel_loop3A_45 = arith.constant 4096 : i32
    %parallel_loop3A_46 = arith.constant 16 : i32
    scf.for %parallel_loop3A_86 = %parallel_loop3A_44 to %parallel_loop3A_45 step %parallel_loop3A_46  : i32 {
      %parallel_loop3A_87 = arith.constant 4096 : i32
      %parallel_loop3A_88 = arith.addi %parallel_loop3A_87, %parallel_loop3A_86 : i32
      %parallel_loop3A_89 = arith.constant 512 : i32
      %parallel_loop3A_90 = arith.divsi %parallel_loop3A_88, %parallel_loop3A_89 : i32
      %parallel_loop3A_91 = arith.constant 0 : i32
      %parallel_loop3A_92 = arith.cmpi sgt, %parallel_loop3A_88, %parallel_loop3A_91 : i32
      %parallel_loop3A_93 = arith.extui %parallel_loop3A_92 : i1 to i32
      %parallel_loop3A_94 = arith.constant 0 : i32
      %parallel_loop3A_95 = arith.cmpi slt, %parallel_loop3A_88, %parallel_loop3A_94 : i32
      %parallel_loop3A_96 = arith.extui %parallel_loop3A_95 : i1 to i32
      %parallel_loop3A_97 = arith.subi %parallel_loop3A_93, %parallel_loop3A_96 : i32
      %parallel_loop3A_98 = arith.constant 0 : i32
      %parallel_loop3A_99 = arith.cmpi sgt, %parallel_loop3A_89, %parallel_loop3A_98 : i32
      %parallel_loop3A_100 = arith.extui %parallel_loop3A_99 : i1 to i32
      %parallel_loop3A_101 = arith.constant 0 : i32
      %parallel_loop3A_102 = arith.cmpi slt, %parallel_loop3A_89, %parallel_loop3A_101 : i32
      %parallel_loop3A_103 = arith.extui %parallel_loop3A_102 : i1 to i32
      %parallel_loop3A_104 = arith.subi %parallel_loop3A_100, %parallel_loop3A_103 : i32
      %parallel_loop3A_105 = arith.cmpi ne, %parallel_loop3A_97, %parallel_loop3A_104 : i32
      %parallel_loop3A_106 = arith.remsi %parallel_loop3A_88, %parallel_loop3A_89 : i32
      %parallel_loop3A_107 = arith.constant 0 : i32
      %parallel_loop3A_108 = arith.cmpi ne, %parallel_loop3A_106, %parallel_loop3A_107 : i32
      %parallel_loop3A_109 = arith.andi %parallel_loop3A_105, %parallel_loop3A_108 : i1
      %parallel_loop3A_110 = arith.constant 1 : i32
      %parallel_loop3A_111 = arith.subi %parallel_loop3A_90, %parallel_loop3A_110 : i32
      %parallel_loop3A_112 = arith.select %parallel_loop3A_109, %parallel_loop3A_111, %parallel_loop3A_90 : i32
      %parallel_loop3A_113 = arith.constant 512 : i32
      %parallel_loop3A_114 = arith.constant 0 : i32
      %parallel_loop3A_115 = arith.cmpi eq, %parallel_loop3A_113, %parallel_loop3A_114 : i32
      %parallel_loop3A_116 = arith.constant 1 : i32
      %parallel_loop3A_117 = arith.select %parallel_loop3A_115, %parallel_loop3A_116, %parallel_loop3A_113 : i32
      %parallel_loop3A_118 = arith.remsi %parallel_loop3A_88, %parallel_loop3A_117 : i32
      %parallel_loop3A_119 = arith.constant 0 : i32
      %parallel_loop3A_120 = arith.cmpi ne, %parallel_loop3A_118, %parallel_loop3A_119 : i32
      %parallel_loop3A_121 = arith.constant 0 : i32
      %parallel_loop3A_122 = arith.cmpi slt, %parallel_loop3A_118, %parallel_loop3A_121 : i32
      %parallel_loop3A_123 = arith.constant 0 : i32
      %parallel_loop3A_124 = arith.cmpi slt, %parallel_loop3A_117, %parallel_loop3A_123 : i32
      %parallel_loop3A_125 = arith.xori %parallel_loop3A_122, %parallel_loop3A_124 : i1
      %parallel_loop3A_126 = arith.andi %parallel_loop3A_125, %parallel_loop3A_120 : i1
      %parallel_loop3A_127 = arith.addi %parallel_loop3A_118, %parallel_loop3A_117 : i32
      %parallel_loop3A_128 = arith.select %parallel_loop3A_126, %parallel_loop3A_127, %parallel_loop3A_118 : i32
      %parallel_loop3A_129 = arith.index_cast %parallel_loop3A_112 : i32 to index
      %parallel_loop3A_130 = arith.index_cast %parallel_loop3A_128 : i32 to index
      %parallel_loop3A_131 = tpu.vector_load %arg6[%parallel_loop3A_129, %parallel_loop3A_130] {strides = array<i32>} : memref<32x512xi32, #tpu.memory_space<vmem>>, vector<16xi32>,
      %parallel_loop3A_132 = arith.constant 0 : i32
      %parallel_loop3A_133 = vector.broadcast %parallel_loop3A_132 : i32 to vector<16xi32>
      %parallel_loop3A_134 = arith.addi %parallel_loop3A_131, %parallel_loop3A_133 : vector<16xi32>
      %parallel_loop3A_135 = tpu.vector_load_idx %arg5[%parallel_loop3A_134] : memref<27648xf32, #tpu.memory_space<vmem>>[vector<16xi32>], vector<16xf32>,
      %parallel_loop3A_136 = arith.constant 512 : i32
      %parallel_loop3A_137 = arith.divsi %parallel_loop3A_86, %parallel_loop3A_136 : i32
      %parallel_loop3A_138 = arith.constant 0 : i32
      %parallel_loop3A_139 = arith.cmpi sgt, %parallel_loop3A_86, %parallel_loop3A_138 : i32
      %parallel_loop3A_140 = arith.extui %parallel_loop3A_139 : i1 to i32
      %parallel_loop3A_141 = arith.constant 0 : i32
      %parallel_loop3A_142 = arith.cmpi slt, %parallel_loop3A_86, %parallel_loop3A_141 : i32
      %parallel_loop3A_143 = arith.extui %parallel_loop3A_142 : i1 to i32
      %parallel_loop3A_144 = arith.subi %parallel_loop3A_140, %parallel_loop3A_143 : i32
      %parallel_loop3A_145 = arith.constant 0 : i32
      %parallel_loop3A_146 = arith.cmpi sgt, %parallel_loop3A_136, %parallel_loop3A_145 : i32
      %parallel_loop3A_147 = arith.extui %parallel_loop3A_146 : i1 to i32
      %parallel_loop3A_148 = arith.constant 0 : i32
      %parallel_loop3A_149 = arith.cmpi slt, %parallel_loop3A_136, %parallel_loop3A_148 : i32
      %parallel_loop3A_150 = arith.extui %parallel_loop3A_149 : i1 to i32
      %parallel_loop3A_151 = arith.subi %parallel_loop3A_147, %parallel_loop3A_150 : i32
      %parallel_loop3A_152 = arith.cmpi ne, %parallel_loop3A_144, %parallel_loop3A_151 : i32
      %parallel_loop3A_153 = arith.remsi %parallel_loop3A_86, %parallel_loop3A_136 : i32
      %parallel_loop3A_154 = arith.constant 0 : i32
      %parallel_loop3A_155 = arith.cmpi ne, %parallel_loop3A_153, %parallel_loop3A_154 : i32
      %parallel_loop3A_156 = arith.andi %parallel_loop3A_152, %parallel_loop3A_155 : i1
      %parallel_loop3A_157 = arith.constant 1 : i32
      %parallel_loop3A_158 = arith.subi %parallel_loop3A_137, %parallel_loop3A_157 : i32
      %parallel_loop3A_159 = arith.select %parallel_loop3A_156, %parallel_loop3A_158, %parallel_loop3A_137 : i32
      %parallel_loop3A_160 = arith.constant 512 : i32
      %parallel_loop3A_161 = arith.constant 0 : i32
      %parallel_loop3A_162 = arith.cmpi eq, %parallel_loop3A_160, %parallel_loop3A_161 : i32
      %parallel_loop3A_163 = arith.constant 1 : i32
      %parallel_loop3A_164 = arith.select %parallel_loop3A_162, %parallel_loop3A_163, %parallel_loop3A_160 : i32
      %parallel_loop3A_165 = arith.remsi %parallel_loop3A_86, %parallel_loop3A_164 : i32
      %parallel_loop3A_166 = arith.constant 0 : i32
      %parallel_loop3A_167 = arith.cmpi ne, %parallel_loop3A_165, %parallel_loop3A_166 : i32
      %parallel_loop3A_168 = arith.constant 0 : i32
      %parallel_loop3A_169 = arith.cmpi slt, %parallel_loop3A_165, %parallel_loop3A_168 : i32
      %parallel_loop3A_170 = arith.constant 0 : i32
      %parallel_loop3A_171 = arith.cmpi slt, %parallel_loop3A_164, %parallel_loop3A_170 : i32
      %parallel_loop3A_172 = arith.xori %parallel_loop3A_169, %parallel_loop3A_171 : i1
      %parallel_loop3A_173 = arith.andi %parallel_loop3A_172, %parallel_loop3A_167 : i1
      %parallel_loop3A_174 = arith.addi %parallel_loop3A_165, %parallel_loop3A_164 : i32
      %parallel_loop3A_175 = arith.select %parallel_loop3A_173, %parallel_loop3A_174, %parallel_loop3A_165 : i32
      %parallel_loop3A_176 = arith.constant 0 : i32
      %parallel_loop3A_177 = arith.index_cast %parallel_loop3A_176 : i32 to index
      %parallel_loop3A_178 = arith.index_cast %parallel_loop3A_159 : i32 to index
      %parallel_loop3A_179 = arith.index_cast %parallel_loop3A_175 : i32 to index
      %parallel_loop3A_180 = tpu.vector_load %arg8[%parallel_loop3A_177, %parallel_loop3A_178, %parallel_loop3A_179] {strides = array<i32>} : memref<8x8x512xf32, #tpu.memory_space<vmem>>, vector<16xf32>,
      tpu.vector_store %arg8[%parallel_loop3A_177, %parallel_loop3A_178, %parallel_loop3A_179], %parallel_loop3A_135 {strides = array<i32>} : memref<8x8x512xf32, #tpu.memory_space<vmem>>, vector<16xf32>,
      %parallel_loop3A_181 = arith.constant 3456 : i32
      %parallel_loop3A_182 = vector.broadcast %parallel_loop3A_181 : i32 to vector<16xi32>
      %parallel_loop3A_183 = arith.addi %parallel_loop3A_131, %parallel_loop3A_182 : vector<16xi32>
      %parallel_loop3A_184 = tpu.vector_load_idx %arg5[%parallel_loop3A_183] : memref<27648xf32, #tpu.memory_space<vmem>>[vector<16xi32>], vector<16xf32>,
      %parallel_loop3A_185 = arith.constant 512 : i32
      %parallel_loop3A_186 = arith.divsi %parallel_loop3A_86, %parallel_loop3A_185 : i32
      %parallel_loop3A_187 = arith.constant 0 : i32
      %parallel_loop3A_188 = arith.cmpi sgt, %parallel_loop3A_86, %parallel_loop3A_187 : i32
      %parallel_loop3A_189 = arith.extui %parallel_loop3A_188 : i1 to i32
      %parallel_loop3A_190 = arith.constant 0 : i32
      %parallel_loop3A_191 = arith.cmpi slt, %parallel_loop3A_86, %parallel_loop3A_190 : i32
      %parallel_loop3A_192 = arith.extui %parallel_loop3A_191 : i1 to i32
      %parallel_loop3A_193 = arith.subi %parallel_loop3A_189, %parallel_loop3A_192 : i32
      %parallel_loop3A_194 = arith.constant 0 : i32
      %parallel_loop3A_195 = arith.cmpi sgt, %parallel_loop3A_185, %parallel_loop3A_194 : i32
      %parallel_loop3A_196 = arith.extui %parallel_loop3A_195 : i1 to i32
      %parallel_loop3A_197 = arith.constant 0 : i32
      %parallel_loop3A_198 = arith.cmpi slt, %parallel_loop3A_185, %parallel_loop3A_197 : i32
      %parallel_loop3A_199 = arith.extui %parallel_loop3A_198 : i1 to i32
      %parallel_loop3A_200 = arith.subi %parallel_loop3A_196, %parallel_loop3A_199 : i32
      %parallel_loop3A_201 = arith.cmpi ne, %parallel_loop3A_193, %parallel_loop3A_200 : i32
      %parallel_loop3A_202 = arith.remsi %parallel_loop3A_86, %parallel_loop3A_185 : i32
      %parallel_loop3A_203 = arith.constant 0 : i32
      %parallel_loop3A_204 = arith.cmpi ne, %parallel_loop3A_202, %parallel_loop3A_203 : i32
      %parallel_loop3A_205 = arith.andi %parallel_loop3A_201, %parallel_loop3A_204 : i1
      %parallel_loop3A_206 = arith.constant 1 : i32
      %parallel_loop3A_207 = arith.subi %parallel_loop3A_186, %parallel_loop3A_206 : i32
      %parallel_loop3A_208 = arith.select %parallel_loop3A_205, %parallel_loop3A_207, %parallel_loop3A_186 : i32
      %parallel_loop3A_209 = arith.constant 512 : i32
      %parallel_loop3A_210 = arith.constant 0 : i32
      %parallel_loop3A_211 = arith.cmpi eq, %parallel_loop3A_209, %parallel_loop3A_210 : i32
      %parallel_loop3A_212 = arith.constant 1 : i32
      %parallel_loop3A_213 = arith.select %parallel_loop3A_211, %parallel_loop3A_212, %parallel_loop3A_209 : i32
      %parallel_loop3A_214 = arith.remsi %parallel_loop3A_86, %parallel_loop3A_213 : i32
      %parallel_loop3A_215 = arith.constant 0 : i32
      %parallel_loop3A_216 = arith.cmpi ne, %parallel_loop3A_214, %parallel_loop3A_215 : i32
      %parallel_loop3A_217 = arith.constant 0 : i32
      %parallel_loop3A_218 = arith.cmpi slt, %parallel_loop3A_214, %parallel_loop3A_217 : i32
      %parallel_loop3A_219 = arith.constant 0 : i32
      %parallel_loop3A_220 = arith.cmpi slt, %parallel_loop3A_213, %parallel_loop3A_219 : i32
      %parallel_loop3A_221 = arith.xori %parallel_loop3A_218, %parallel_loop3A_220 : i1
      %parallel_loop3A_222 = arith.andi %parallel_loop3A_221, %parallel_loop3A_216 : i1
      %parallel_loop3A_223 = arith.addi %parallel_loop3A_214, %parallel_loop3A_213 : i32
      %parallel_loop3A_224 = arith.select %parallel_loop3A_222, %parallel_loop3A_223, %parallel_loop3A_214 : i32
      %parallel_loop3A_225 = arith.constant 1 : i32
      %parallel_loop3A_226 = arith.index_cast %parallel_loop3A_225 : i32 to index
      %parallel_loop3A_227 = arith.index_cast %parallel_loop3A_208 : i32 to index
      %parallel_loop3A_228 = arith.index_cast %parallel_loop3A_224 : i32 to index
      %parallel_loop3A_229 = tpu.vector_load %arg8[%parallel_loop3A_226, %parallel_loop3A_227, %parallel_loop3A_228] {strides = array<i32>} : memref<8x8x512xf32, #tpu.memory_space<vmem>>, vector<16xf32>,
      tpu.vector_store %arg8[%parallel_loop3A_226, %parallel_loop3A_227, %parallel_loop3A_228], %parallel_loop3A_184 {strides = array<i32>} : memref<8x8x512xf32, #tpu.memory_space<vmem>>, vector<16xf32>,
      %parallel_loop3A_230 = arith.constant 6912 : i32
      %parallel_loop3A_231 = vector.broadcast %parallel_loop3A_230 : i32 to vector<16xi32>
      %parallel_loop3A_232 = arith.addi %parallel_loop3A_131, %parallel_loop3A_231 : vector<16xi32>
      %parallel_loop3A_233 = tpu.vector_load_idx %arg5[%parallel_loop3A_232] : memref<27648xf32, #tpu.memory_space<vmem>>[vector<16xi32>], vector<16xf32>,
      %parallel_loop3A_234 = arith.constant 512 : i32
      %parallel_loop3A_235 = arith.divsi %parallel_loop3A_86, %parallel_loop3A_234 : i32
      %parallel_loop3A_236 = arith.constant 0 : i32
      %parallel_loop3A_237 = arith.cmpi sgt, %parallel_loop3A_86, %parallel_loop3A_236 : i32
      %parallel_loop3A_238 = arith.extui %parallel_loop3A_237 : i1 to i32
      %parallel_loop3A_239 = arith.constant 0 : i32
      %parallel_loop3A_240 = arith.cmpi slt, %parallel_loop3A_86, %parallel_loop3A_239 : i32
      %parallel_loop3A_241 = arith.extui %parallel_loop3A_240 : i1 to i32
      %parallel_loop3A_242 = arith.subi %parallel_loop3A_238, %parallel_loop3A_241 : i32
      %parallel_loop3A_243 = arith.constant 0 : i32
      %parallel_loop3A_244 = arith.cmpi sgt, %parallel_loop3A_234, %parallel_loop3A_243 : i32
      %parallel_loop3A_245 = arith.extui %parallel_loop3A_244 : i1 to i32
      %parallel_loop3A_246 = arith.constant 0 : i32
      %parallel_loop3A_247 = arith.cmpi slt, %parallel_loop3A_234, %parallel_loop3A_246 : i32
      %parallel_loop3A_248 = arith.extui %parallel_loop3A_247 : i1 to i32
      %parallel_loop3A_249 = arith.subi %parallel_loop3A_245, %parallel_loop3A_248 : i32
      %parallel_loop3A_250 = arith.cmpi ne, %parallel_loop3A_242, %parallel_loop3A_249 : i32
      %parallel_loop3A_251 = arith.remsi %parallel_loop3A_86, %parallel_loop3A_234 : i32
      %parallel_loop3A_252 = arith.constant 0 : i32
      %parallel_loop3A_253 = arith.cmpi ne, %parallel_loop3A_251, %parallel_loop3A_252 : i32
      %parallel_loop3A_254 = arith.andi %parallel_loop3A_250, %parallel_loop3A_253 : i1
      %parallel_loop3A_255 = arith.constant 1 : i32
      %parallel_loop3A_256 = arith.subi %parallel_loop3A_235, %parallel_loop3A_255 : i32
      %parallel_loop3A_257 = arith.select %parallel_loop3A_254, %parallel_loop3A_256, %parallel_loop3A_235 : i32
      %parallel_loop3A_258 = arith.constant 512 : i32
      %parallel_loop3A_259 = arith.constant 0 : i32
      %parallel_loop3A_260 = arith.cmpi eq, %parallel_loop3A_258, %parallel_loop3A_259 : i32
      %parallel_loop3A_261 = arith.constant 1 : i32
      %parallel_loop3A_262 = arith.select %parallel_loop3A_260, %parallel_loop3A_261, %parallel_loop3A_258 : i32
      %parallel_loop3A_263 = arith.remsi %parallel_loop3A_86, %parallel_loop3A_262 : i32
      %parallel_loop3A_264 = arith.constant 0 : i32
      %parallel_loop3A_265 = arith.cmpi ne, %parallel_loop3A_263, %parallel_loop3A_264 : i32
      %parallel_loop3A_266 = arith.constant 0 : i32
      %parallel_loop3A_267 = arith.cmpi slt, %parallel_loop3A_263, %parallel_loop3A_266 : i32
      %parallel_loop3A_268 = arith.constant 0 : i32
      %parallel_loop3A_269 = arith.cmpi slt, %parallel_loop3A_262, %parallel_loop3A_268 : i32
      %parallel_loop3A_270 = arith.xori %parallel_loop3A_267, %parallel_loop3A_269 : i1
      %parallel_loop3A_271 = arith.andi %parallel_loop3A_270, %parallel_loop3A_265 : i1
      %parallel_loop3A_272 = arith.addi %parallel_loop3A_263, %parallel_loop3A_262 : i32
      %parallel_loop3A_273 = arith.select %parallel_loop3A_271, %parallel_loop3A_272, %parallel_loop3A_263 : i32
      %parallel_loop3A_274 = arith.constant 2 : i32
      %parallel_loop3A_275 = arith.index_cast %parallel_loop3A_274 : i32 to index
      %parallel_loop3A_276 = arith.index_cast %parallel_loop3A_257 : i32 to index
      %parallel_loop3A_277 = arith.index_cast %parallel_loop3A_273 : i32 to index
      %parallel_loop3A_278 = tpu.vector_load %arg8[%parallel_loop3A_275, %parallel_loop3A_276, %parallel_loop3A_277] {strides = array<i32>} : memref<8x8x512xf32, #tpu.memory_space<vmem>>, vector<16xf32>,
      tpu.vector_store %arg8[%parallel_loop3A_275, %parallel_loop3A_276, %parallel_loop3A_277], %parallel_loop3A_233 {strides = array<i32>} : memref<8x8x512xf32, #tpu.memory_space<vmem>>, vector<16xf32>,
      %parallel_loop3A_279 = arith.constant 10368 : i32
      %parallel_loop3A_280 = vector.broadcast %parallel_loop3A_279 : i32 to vector<16xi32>
      %parallel_loop3A_281 = arith.addi %parallel_loop3A_131, %parallel_loop3A_280 : vector<16xi32>
      %parallel_loop3A_282 = tpu.vector_load_idx %arg5[%parallel_loop3A_281] : memref<27648xf32, #tpu.memory_space<vmem>>[vector<16xi32>], vector<16xf32>,
      %parallel_loop3A_283 = arith.constant 512 : i32
      %parallel_loop3A_284 = arith.divsi %parallel_loop3A_86, %parallel_loop3A_283 : i32
      %parallel_loop3A_285 = arith.constant 0 : i32
      %parallel_loop3A_286 = arith.cmpi sgt, %parallel_loop3A_86, %parallel_loop3A_285 : i32
      %parallel_loop3A_287 = arith.extui %parallel_loop3A_286 : i1 to i32
      %parallel_loop3A_288 = arith.constant 0 : i32
      %parallel_loop3A_289 = arith.cmpi slt, %parallel_loop3A_86, %parallel_loop3A_288 : i32
      %parallel_loop3A_290 = arith.extui %parallel_loop3A_289 : i1 to i32
      %parallel_loop3A_291 = arith.subi %parallel_loop3A_287, %parallel_loop3A_290 : i32
      %parallel_loop3A_292 = arith.constant 0 : i32
      %parallel_loop3A_293 = arith.cmpi sgt, %parallel_loop3A_283, %parallel_loop3A_292 : i32
      %parallel_loop3A_294 = arith.extui %parallel_loop3A_293 : i1 to i32
      %parallel_loop3A_295 = arith.constant 0 : i32
      %parallel_loop3A_296 = arith.cmpi slt, %parallel_loop3A_283, %parallel_loop3A_295 : i32
      %parallel_loop3A_297 = arith.extui %parallel_loop3A_296 : i1 to i32
      %parallel_loop3A_298 = arith.subi %parallel_loop3A_294, %parallel_loop3A_297 : i32
      %parallel_loop3A_299 = arith.cmpi ne, %parallel_loop3A_291, %parallel_loop3A_298 : i32
      %parallel_loop3A_300 = arith.remsi %parallel_loop3A_86, %parallel_loop3A_283 : i32
      %parallel_loop3A_301 = arith.constant 0 : i32
      %parallel_loop3A_302 = arith.cmpi ne, %parallel_loop3A_300, %parallel_loop3A_301 : i32
      %parallel_loop3A_303 = arith.andi %parallel_loop3A_299, %parallel_loop3A_302 : i1
      %parallel_loop3A_304 = arith.constant 1 : i32
      %parallel_loop3A_305 = arith.subi %parallel_loop3A_284, %parallel_loop3A_304 : i32
      %parallel_loop3A_306 = arith.select %parallel_loop3A_303, %parallel_loop3A_305, %parallel_loop3A_284 : i32
      %parallel_loop3A_307 = arith.constant 512 : i32
      %parallel_loop3A_308 = arith.constant 0 : i32
      %parallel_loop3A_309 = arith.cmpi eq, %parallel_loop3A_307, %parallel_loop3A_308 : i32
      %parallel_loop3A_310 = arith.constant 1 : i32
      %parallel_loop3A_311 = arith.select %parallel_loop3A_309, %parallel_loop3A_310, %parallel_loop3A_307 : i32
      %parallel_loop3A_312 = arith.remsi %parallel_loop3A_86, %parallel_loop3A_311 : i32
      %parallel_loop3A_313 = arith.constant 0 : i32
      %parallel_loop3A_314 = arith.cmpi ne, %parallel_loop3A_312, %parallel_loop3A_313 : i32
      %parallel_loop3A_315 = arith.constant 0 : i32
      %parallel_loop3A_316 = arith.cmpi slt, %parallel_loop3A_312, %parallel_loop3A_315 : i32
      %parallel_loop3A_317 = arith.constant 0 : i32
      %parallel_loop3A_318 = arith.cmpi slt, %parallel_loop3A_311, %parallel_loop3A_317 : i32
      %parallel_loop3A_319 = arith.xori %parallel_loop3A_316, %parallel_loop3A_318 : i1
      %parallel_loop3A_320 = arith.andi %parallel_loop3A_319, %parallel_loop3A_314 : i1
      %parallel_loop3A_321 = arith.addi %parallel_loop3A_312, %parallel_loop3A_311 : i32
      %parallel_loop3A_322 = arith.select %parallel_loop3A_320, %parallel_loop3A_321, %parallel_loop3A_312 : i32
      %parallel_loop3A_323 = arith.constant 3 : i32
      %parallel_loop3A_324 = arith.index_cast %parallel_loop3A_323 : i32 to index
      %parallel_loop3A_325 = arith.index_cast %parallel_loop3A_306 : i32 to index
      %parallel_loop3A_326 = arith.index_cast %parallel_loop3A_322 : i32 to index
      %parallel_loop3A_327 = tpu.vector_load %arg8[%parallel_loop3A_324, %parallel_loop3A_325, %parallel_loop3A_326] {strides = array<i32>} : memref<8x8x512xf32, #tpu.memory_space<vmem>>, vector<16xf32>,
      tpu.vector_store %arg8[%parallel_loop3A_324, %parallel_loop3A_325, %parallel_loop3A_326], %parallel_loop3A_282 {strides = array<i32>} : memref<8x8x512xf32, #tpu.memory_space<vmem>>, vector<16xf32>,
      %parallel_loop3A_328 = arith.constant 13824 : i32
      %parallel_loop3A_329 = vector.broadcast %parallel_loop3A_328 : i32 to vector<16xi32>
      %parallel_loop3A_330 = arith.addi %parallel_loop3A_131, %parallel_loop3A_329 : vector<16xi32>
      %parallel_loop3A_331 = tpu.vector_load_idx %arg5[%parallel_loop3A_330] : memref<27648xf32, #tpu.memory_space<vmem>>[vector<16xi32>], vector<16xf32>,
      %parallel_loop3A_332 = arith.constant 512 : i32
      %parallel_loop3A_333 = arith.divsi %parallel_loop3A_86, %parallel_loop3A_332 : i32
      %parallel_loop3A_334 = arith.constant 0 : i32
      %parallel_loop3A_335 = arith.cmpi sgt, %parallel_loop3A_86, %parallel_loop3A_334 : i32
      %parallel_loop3A_336 = arith.extui %parallel_loop3A_335 : i1 to i32
      %parallel_loop3A_337 = arith.constant 0 : i32
      %parallel_loop3A_338 = arith.cmpi slt, %parallel_loop3A_86, %parallel_loop3A_337 : i32
      %parallel_loop3A_339 = arith.extui %parallel_loop3A_338 : i1 to i32
      %parallel_loop3A_340 = arith.subi %parallel_loop3A_336, %parallel_loop3A_339 : i32
      %parallel_loop3A_341 = arith.constant 0 : i32
      %parallel_loop3A_342 = arith.cmpi sgt, %parallel_loop3A_332, %parallel_loop3A_341 : i32
      %parallel_loop3A_343 = arith.extui %parallel_loop3A_342 : i1 to i32
      %parallel_loop3A_344 = arith.constant 0 : i32
      %parallel_loop3A_345 = arith.cmpi slt, %parallel_loop3A_332, %parallel_loop3A_344 : i32
      %parallel_loop3A_346 = arith.extui %parallel_loop3A_345 : i1 to i32
      %parallel_loop3A_347 = arith.subi %parallel_loop3A_343, %parallel_loop3A_346 : i32
      %parallel_loop3A_348 = arith.cmpi ne, %parallel_loop3A_340, %parallel_loop3A_347 : i32
      %parallel_loop3A_349 = arith.remsi %parallel_loop3A_86, %parallel_loop3A_332 : i32
      %parallel_loop3A_350 = arith.constant 0 : i32
      %parallel_loop3A_351 = arith.cmpi ne, %parallel_loop3A_349, %parallel_loop3A_350 : i32
      %parallel_loop3A_352 = arith.andi %parallel_loop3A_348, %parallel_loop3A_351 : i1
      %parallel_loop3A_353 = arith.constant 1 : i32
      %parallel_loop3A_354 = arith.subi %parallel_loop3A_333, %parallel_loop3A_353 : i32
      %parallel_loop3A_355 = arith.select %parallel_loop3A_352, %parallel_loop3A_354, %parallel_loop3A_333 : i32
      %parallel_loop3A_356 = arith.constant 512 : i32
      %parallel_loop3A_357 = arith.constant 0 : i32
      %parallel_loop3A_358 = arith.cmpi eq, %parallel_loop3A_356, %parallel_loop3A_357 : i32
      %parallel_loop3A_359 = arith.constant 1 : i32
      %parallel_loop3A_360 = arith.select %parallel_loop3A_358, %parallel_loop3A_359, %parallel_loop3A_356 : i32
      %parallel_loop3A_361 = arith.remsi %parallel_loop3A_86, %parallel_loop3A_360 : i32
      %parallel_loop3A_362 = arith.constant 0 : i32
      %parallel_loop3A_363 = arith.cmpi ne, %parallel_loop3A_361, %parallel_loop3A_362 : i32
      %parallel_loop3A_364 = arith.constant 0 : i32
      %parallel_loop3A_365 = arith.cmpi slt, %parallel_loop3A_361, %parallel_loop3A_364 : i32
      %parallel_loop3A_366 = arith.constant 0 : i32
      %parallel_loop3A_367 = arith.cmpi slt, %parallel_loop3A_360, %parallel_loop3A_366 : i32
      %parallel_loop3A_368 = arith.xori %parallel_loop3A_365, %parallel_loop3A_367 : i1
      %parallel_loop3A_369 = arith.andi %parallel_loop3A_368, %parallel_loop3A_363 : i1
      %parallel_loop3A_370 = arith.addi %parallel_loop3A_361, %parallel_loop3A_360 : i32
      %parallel_loop3A_371 = arith.select %parallel_loop3A_369, %parallel_loop3A_370, %parallel_loop3A_361 : i32
      %parallel_loop3A_372 = arith.constant 4 : i32
      %parallel_loop3A_373 = arith.index_cast %parallel_loop3A_372 : i32 to index
      %parallel_loop3A_374 = arith.index_cast %parallel_loop3A_355 : i32 to index
      %parallel_loop3A_375 = arith.index_cast %parallel_loop3A_371 : i32 to index
      %parallel_loop3A_376 = tpu.vector_load %arg8[%parallel_loop3A_373, %parallel_loop3A_374, %parallel_loop3A_375] {strides = array<i32>} : memref<8x8x512xf32, #tpu.memory_space<vmem>>, vector<16xf32>,
      tpu.vector_store %arg8[%parallel_loop3A_373, %parallel_loop3A_374, %parallel_loop3A_375], %parallel_loop3A_331 {strides = array<i32>} : memref<8x8x512xf32, #tpu.memory_space<vmem>>, vector<16xf32>,
      %parallel_loop3A_377 = arith.constant 17280 : i32
      %parallel_loop3A_378 = vector.broadcast %parallel_loop3A_377 : i32 to vector<16xi32>
      %parallel_loop3A_379 = arith.addi %parallel_loop3A_131, %parallel_loop3A_378 : vector<16xi32>
      %parallel_loop3A_380 = tpu.vector_load_idx %arg5[%parallel_loop3A_379] : memref<27648xf32, #tpu.memory_space<vmem>>[vector<16xi32>], vector<16xf32>,
      %parallel_loop3A_381 = arith.constant 512 : i32
      %parallel_loop3A_382 = arith.divsi %parallel_loop3A_86, %parallel_loop3A_381 : i32
      %parallel_loop3A_383 = arith.constant 0 : i32
      %parallel_loop3A_384 = arith.cmpi sgt, %parallel_loop3A_86, %parallel_loop3A_383 : i32
      %parallel_loop3A_385 = arith.extui %parallel_loop3A_384 : i1 to i32
      %parallel_loop3A_386 = arith.constant 0 : i32
      %parallel_loop3A_387 = arith.cmpi slt, %parallel_loop3A_86, %parallel_loop3A_386 : i32
      %parallel_loop3A_388 = arith.extui %parallel_loop3A_387 : i1 to i32
      %parallel_loop3A_389 = arith.subi %parallel_loop3A_385, %parallel_loop3A_388 : i32
      %parallel_loop3A_390 = arith.constant 0 : i32
      %parallel_loop3A_391 = arith.cmpi sgt, %parallel_loop3A_381, %parallel_loop3A_390 : i32
      %parallel_loop3A_392 = arith.extui %parallel_loop3A_391 : i1 to i32
      %parallel_loop3A_393 = arith.constant 0 : i32
      %parallel_loop3A_394 = arith.cmpi slt, %parallel_loop3A_381, %parallel_loop3A_393 : i32
      %parallel_loop3A_395 = arith.extui %parallel_loop3A_394 : i1 to i32
      %parallel_loop3A_396 = arith.subi %parallel_loop3A_392, %parallel_loop3A_395 : i32
      %parallel_loop3A_397 = arith.cmpi ne, %parallel_loop3A_389, %parallel_loop3A_396 : i32
      %parallel_loop3A_398 = arith.remsi %parallel_loop3A_86, %parallel_loop3A_381 : i32
      %parallel_loop3A_399 = arith.constant 0 : i32
      %parallel_loop3A_400 = arith.cmpi ne, %parallel_loop3A_398, %parallel_loop3A_399 : i32
      %parallel_loop3A_401 = arith.andi %parallel_loop3A_397, %parallel_loop3A_400 : i1
      %parallel_loop3A_402 = arith.constant 1 : i32
      %parallel_loop3A_403 = arith.subi %parallel_loop3A_382, %parallel_loop3A_402 : i32
      %parallel_loop3A_404 = arith.select %parallel_loop3A_401, %parallel_loop3A_403, %parallel_loop3A_382 : i32
      %parallel_loop3A_405 = arith.constant 512 : i32
      %parallel_loop3A_406 = arith.constant 0 : i32
      %parallel_loop3A_407 = arith.cmpi eq, %parallel_loop3A_405, %parallel_loop3A_406 : i32
      %parallel_loop3A_408 = arith.constant 1 : i32
      %parallel_loop3A_409 = arith.select %parallel_loop3A_407, %parallel_loop3A_408, %parallel_loop3A_405 : i32
      %parallel_loop3A_410 = arith.remsi %parallel_loop3A_86, %parallel_loop3A_409 : i32
      %parallel_loop3A_411 = arith.constant 0 : i32
      %parallel_loop3A_412 = arith.cmpi ne, %parallel_loop3A_410, %parallel_loop3A_411 : i32
      %parallel_loop3A_413 = arith.constant 0 : i32
      %parallel_loop3A_414 = arith.cmpi slt, %parallel_loop3A_410, %parallel_loop3A_413 : i32
      %parallel_loop3A_415 = arith.constant 0 : i32
      %parallel_loop3A_416 = arith.cmpi slt, %parallel_loop3A_409, %parallel_loop3A_415 : i32
      %parallel_loop3A_417 = arith.xori %parallel_loop3A_414, %parallel_loop3A_416 : i1
      %parallel_loop3A_418 = arith.andi %parallel_loop3A_417, %parallel_loop3A_412 : i1
      %parallel_loop3A_419 = arith.addi %parallel_loop3A_410, %parallel_loop3A_409 : i32
      %parallel_loop3A_420 = arith.select %parallel_loop3A_418, %parallel_loop3A_419, %parallel_loop3A_410 : i32
      %parallel_loop3A_421 = arith.constant 5 : i32
      %parallel_loop3A_422 = arith.index_cast %parallel_loop3A_421 : i32 to index
      %parallel_loop3A_423 = arith.index_cast %parallel_loop3A_404 : i32 to index
      %parallel_loop3A_424 = arith.index_cast %parallel_loop3A_420 : i32 to index
      %parallel_loop3A_425 = tpu.vector_load %arg8[%parallel_loop3A_422, %parallel_loop3A_423, %parallel_loop3A_424] {strides = array<i32>} : memref<8x8x512xf32, #tpu.memory_space<vmem>>, vector<16xf32>,
      tpu.vector_store %arg8[%parallel_loop3A_422, %parallel_loop3A_423, %parallel_loop3A_424], %parallel_loop3A_380 {strides = array<i32>} : memref<8x8x512xf32, #tpu.memory_space<vmem>>, vector<16xf32>,
      %parallel_loop3A_426 = arith.constant 20736 : i32
      %parallel_loop3A_427 = vector.broadcast %parallel_loop3A_426 : i32 to vector<16xi32>
      %parallel_loop3A_428 = arith.addi %parallel_loop3A_131, %parallel_loop3A_427 : vector<16xi32>
      %parallel_loop3A_429 = tpu.vector_load_idx %arg5[%parallel_loop3A_428] : memref<27648xf32, #tpu.memory_space<vmem>>[vector<16xi32>], vector<16xf32>,
      %parallel_loop3A_430 = arith.constant 512 : i32
      %parallel_loop3A_431 = arith.divsi %parallel_loop3A_86, %parallel_loop3A_430 : i32
      %parallel_loop3A_432 = arith.constant 0 : i32
      %parallel_loop3A_433 = arith.cmpi sgt, %parallel_loop3A_86, %parallel_loop3A_432 : i32
      %parallel_loop3A_434 = arith.extui %parallel_loop3A_433 : i1 to i32
      %parallel_loop3A_435 = arith.constant 0 : i32
      %parallel_loop3A_436 = arith.cmpi slt, %parallel_loop3A_86, %parallel_loop3A_435 : i32
      %parallel_loop3A_437 = arith.extui %parallel_loop3A_436 : i1 to i32
      %parallel_loop3A_438 = arith.subi %parallel_loop3A_434, %parallel_loop3A_437 : i32
      %parallel_loop3A_439 = arith.constant 0 : i32
      %parallel_loop3A_440 = arith.cmpi sgt, %parallel_loop3A_430, %parallel_loop3A_439 : i32
      %parallel_loop3A_441 = arith.extui %parallel_loop3A_440 : i1 to i32
      %parallel_loop3A_442 = arith.constant 0 : i32
      %parallel_loop3A_443 = arith.cmpi slt, %parallel_loop3A_430, %parallel_loop3A_442 : i32
      %parallel_loop3A_444 = arith.extui %parallel_loop3A_443 : i1 to i32
      %parallel_loop3A_445 = arith.subi %parallel_loop3A_441, %parallel_loop3A_444 : i32
      %parallel_loop3A_446 = arith.cmpi ne, %parallel_loop3A_438, %parallel_loop3A_445 : i32
      %parallel_loop3A_447 = arith.remsi %parallel_loop3A_86, %parallel_loop3A_430 : i32
      %parallel_loop3A_448 = arith.constant 0 : i32
      %parallel_loop3A_449 = arith.cmpi ne, %parallel_loop3A_447, %parallel_loop3A_448 : i32
      %parallel_loop3A_450 = arith.andi %parallel_loop3A_446, %parallel_loop3A_449 : i1
      %parallel_loop3A_451 = arith.constant 1 : i32
      %parallel_loop3A_452 = arith.subi %parallel_loop3A_431, %parallel_loop3A_451 : i32
      %parallel_loop3A_453 = arith.select %parallel_loop3A_450, %parallel_loop3A_452, %parallel_loop3A_431 : i32
      %parallel_loop3A_454 = arith.constant 512 : i32
      %parallel_loop3A_455 = arith.constant 0 : i32
      %parallel_loop3A_456 = arith.cmpi eq, %parallel_loop3A_454, %parallel_loop3A_455 : i32
      %parallel_loop3A_457 = arith.constant 1 : i32
      %parallel_loop3A_458 = arith.select %parallel_loop3A_456, %parallel_loop3A_457, %parallel_loop3A_454 : i32
      %parallel_loop3A_459 = arith.remsi %parallel_loop3A_86, %parallel_loop3A_458 : i32
      %parallel_loop3A_460 = arith.constant 0 : i32
      %parallel_loop3A_461 = arith.cmpi ne, %parallel_loop3A_459, %parallel_loop3A_460 : i32
      %parallel_loop3A_462 = arith.constant 0 : i32
      %parallel_loop3A_463 = arith.cmpi slt, %parallel_loop3A_459, %parallel_loop3A_462 : i32
      %parallel_loop3A_464 = arith.constant 0 : i32
      %parallel_loop3A_465 = arith.cmpi slt, %parallel_loop3A_458, %parallel_loop3A_464 : i32
      %parallel_loop3A_466 = arith.xori %parallel_loop3A_463, %parallel_loop3A_465 : i1
      %parallel_loop3A_467 = arith.andi %parallel_loop3A_466, %parallel_loop3A_461 : i1
      %parallel_loop3A_468 = arith.addi %parallel_loop3A_459, %parallel_loop3A_458 : i32
      %parallel_loop3A_469 = arith.select %parallel_loop3A_467, %parallel_loop3A_468, %parallel_loop3A_459 : i32
      %parallel_loop3A_470 = arith.constant 6 : i32
      %parallel_loop3A_471 = arith.index_cast %parallel_loop3A_470 : i32 to index
      %parallel_loop3A_472 = arith.index_cast %parallel_loop3A_453 : i32 to index
      %parallel_loop3A_473 = arith.index_cast %parallel_loop3A_469 : i32 to index
      %parallel_loop3A_474 = tpu.vector_load %arg8[%parallel_loop3A_471, %parallel_loop3A_472, %parallel_loop3A_473] {strides = array<i32>} : memref<8x8x512xf32, #tpu.memory_space<vmem>>, vector<16xf32>,
      tpu.vector_store %arg8[%parallel_loop3A_471, %parallel_loop3A_472, %parallel_loop3A_473], %parallel_loop3A_429 {strides = array<i32>} : memref<8x8x512xf32, #tpu.memory_space<vmem>>, vector<16xf32>,
      %parallel_loop3A_475 = arith.constant 24192 : i32
      %parallel_loop3A_476 = vector.broadcast %parallel_loop3A_475 : i32 to vector<16xi32>
      %parallel_loop3A_477 = arith.addi %parallel_loop3A_131, %parallel_loop3A_476 : vector<16xi32>
      %parallel_loop3A_478 = tpu.vector_load_idx %arg5[%parallel_loop3A_477] : memref<27648xf32, #tpu.memory_space<vmem>>[vector<16xi32>], vector<16xf32>,
      %parallel_loop3A_479 = arith.constant 512 : i32
      %parallel_loop3A_480 = arith.divsi %parallel_loop3A_86, %parallel_loop3A_479 : i32
      %parallel_loop3A_481 = arith.constant 0 : i32
      %parallel_loop3A_482 = arith.cmpi sgt, %parallel_loop3A_86, %parallel_loop3A_481 : i32
      %parallel_loop3A_483 = arith.extui %parallel_loop3A_482 : i1 to i32
      %parallel_loop3A_484 = arith.constant 0 : i32
      %parallel_loop3A_485 = arith.cmpi slt, %parallel_loop3A_86, %parallel_loop3A_484 : i32
      %parallel_loop3A_486 = arith.extui %parallel_loop3A_485 : i1 to i32
      %parallel_loop3A_487 = arith.subi %parallel_loop3A_483, %parallel_loop3A_486 : i32
      %parallel_loop3A_488 = arith.constant 0 : i32
      %parallel_loop3A_489 = arith.cmpi sgt, %parallel_loop3A_479, %parallel_loop3A_488 : i32
      %parallel_loop3A_490 = arith.extui %parallel_loop3A_489 : i1 to i32
      %parallel_loop3A_491 = arith.constant 0 : i32
      %parallel_loop3A_492 = arith.cmpi slt, %parallel_loop3A_479, %parallel_loop3A_491 : i32
      %parallel_loop3A_493 = arith.extui %parallel_loop3A_492 : i1 to i32
      %parallel_loop3A_494 = arith.subi %parallel_loop3A_490, %parallel_loop3A_493 : i32
      %parallel_loop3A_495 = arith.cmpi ne, %parallel_loop3A_487, %parallel_loop3A_494 : i32
      %parallel_loop3A_496 = arith.remsi %parallel_loop3A_86, %parallel_loop3A_479 : i32
      %parallel_loop3A_497 = arith.constant 0 : i32
      %parallel_loop3A_498 = arith.cmpi ne, %parallel_loop3A_496, %parallel_loop3A_497 : i32
      %parallel_loop3A_499 = arith.andi %parallel_loop3A_495, %parallel_loop3A_498 : i1
      %parallel_loop3A_500 = arith.constant 1 : i32
      %parallel_loop3A_501 = arith.subi %parallel_loop3A_480, %parallel_loop3A_500 : i32
      %parallel_loop3A_502 = arith.select %parallel_loop3A_499, %parallel_loop3A_501, %parallel_loop3A_480 : i32
      %parallel_loop3A_503 = arith.constant 512 : i32
      %parallel_loop3A_504 = arith.constant 0 : i32
      %parallel_loop3A_505 = arith.cmpi eq, %parallel_loop3A_503, %parallel_loop3A_504 : i32
      %parallel_loop3A_506 = arith.constant 1 : i32
      %parallel_loop3A_507 = arith.select %parallel_loop3A_505, %parallel_loop3A_506, %parallel_loop3A_503 : i32
      %parallel_loop3A_508 = arith.remsi %parallel_loop3A_86, %parallel_loop3A_507 : i32
      %parallel_loop3A_509 = arith.constant 0 : i32
      %parallel_loop3A_510 = arith.cmpi ne, %parallel_loop3A_508, %parallel_loop3A_509 : i32
      %parallel_loop3A_511 = arith.constant 0 : i32
      %parallel_loop3A_512 = arith.cmpi slt, %parallel_loop3A_508, %parallel_loop3A_511 : i32
      %parallel_loop3A_513 = arith.constant 0 : i32
      %parallel_loop3A_514 = arith.cmpi slt, %parallel_loop3A_507, %parallel_loop3A_513 : i32
      %parallel_loop3A_515 = arith.xori %parallel_loop3A_512, %parallel_loop3A_514 : i1
      %parallel_loop3A_516 = arith.andi %parallel_loop3A_515, %parallel_loop3A_510 : i1
      %parallel_loop3A_517 = arith.addi %parallel_loop3A_508, %parallel_loop3A_507 : i32
      %parallel_loop3A_518 = arith.select %parallel_loop3A_516, %parallel_loop3A_517, %parallel_loop3A_508 : i32
      %parallel_loop3A_519 = arith.constant 7 : i32
      %parallel_loop3A_520 = arith.index_cast %parallel_loop3A_519 : i32 to index
      %parallel_loop3A_521 = arith.index_cast %parallel_loop3A_502 : i32 to index
      %parallel_loop3A_522 = arith.index_cast %parallel_loop3A_518 : i32 to index
      %parallel_loop3A_523 = tpu.vector_load %arg8[%parallel_loop3A_520, %parallel_loop3A_521, %parallel_loop3A_522] {strides = array<i32>} : memref<8x8x512xf32, #tpu.memory_space<vmem>>, vector<16xf32>,
      tpu.vector_store %arg8[%parallel_loop3A_520, %parallel_loop3A_521, %parallel_loop3A_522], %parallel_loop3A_478 {strides = array<i32>} : memref<8x8x512xf32, #tpu.memory_space<vmem>>, vector<16xf32>,
    } {sc.loop_unroll_factor = 8 : i64, sc.parallel_access}
    %add3A_47 = arith.constant 8 : i32
    %add3A_48 = arith.addi %mul3A_34, %add3A_47 : i32
    %dma_start3A_49 = arith.constant 0 : i32
    %dma_start3A_50 = tpu.memref_slice %arg4[%mul3A_18, %add3A_48, %dma_start3A_49] : memref<16x512x512xf32, #tpu.memory_space<hbm>> -> memref<8x8x512xf32, #tpu.memory_space<hbm>>
    %dma_start3A_51 = arith.constant 0 : i32
    %dma_start3A_52 = tpu.memref_slice %arg4[%mul3A_18, %add3A_48, %dma_start3A_51] : memref<16x512x512xf32, #tpu.memory_space<hbm>> -> memref<8x8x512xf32, #tpu.memory_space<hbm>>
    tpu.enqueue_dma source(%arg8 : memref<8x8x512xf32, #tpu.memory_space<vmem>>) target(%dma_start3A_52 : memref<8x8x512xf32, #tpu.memory_space<hbm>>) target_semaphore(%arg10 : memref<!tpu.dma_semaphore, #tpu.memory_space<semaphore_mem>>)
    %dma_wait3A = arith.constant 0 : i32
    %dma_wait3A_53 = tpu.memref_slice %arg4[%mul3A_18, %add3A_40, %dma_wait3A] : memref<16x512x512xf32, #tpu.memory_space<hbm>> -> memref<8x8x512xf32, #tpu.memory_space<hbm>>
    %dma_wait3A_54 = arith.constant 0 : i32
    %dma_wait3A_55 = tpu.memref_slice %arg4[%mul3A_18, %add3A_40, %dma_wait3A_54] : memref<16x512x512xf32, #tpu.memory_space<hbm>> -> memref<8x8x512xf32, #tpu.memory_space<hbm>>
    tpu.wait_dma2 semaphore(%arg9 : memref<!tpu.dma_semaphore, #tpu.memory_space<semaphore_mem>>) src(%arg7 : memref<8x8x512xf32, #tpu.memory_space<vmem>>) dst(%dma_wait3A_55 : memref<8x8x512xf32, #tpu.memory_space<hbm>>)
    %parallel_loop3A_56 = arith.constant 0 : i32
    %parallel_loop3A_57 = arith.constant 4096 : i32
    %parallel_loop3A_58 = arith.constant 16 : i32
    scf.for %parallel_loop3A_86 = %parallel_loop3A_56 to %parallel_loop3A_57 step %parallel_loop3A_58  : i32 {
      %parallel_loop3A_87 = arith.constant 8192 : i32
      %parallel_loop3A_88 = arith.addi %parallel_loop3A_87, %parallel_loop3A_86 : i32
      %parallel_loop3A_89 = arith.constant 512 : i32
      %parallel_loop3A_90 = arith.divsi %parallel_loop3A_88, %parallel_loop3A_89 : i32
      %parallel_loop3A_91 = arith.constant 0 : i32
      %parallel_loop3A_92 = arith.cmpi sgt, %parallel_loop3A_88, %parallel_loop3A_91 : i32
      %parallel_loop3A_93 = arith.extui %parallel_loop3A_92 : i1 to i32
      %parallel_loop3A_94 = arith.constant 0 : i32
      %parallel_loop3A_95 = arith.cmpi slt, %parallel_loop3A_88, %parallel_loop3A_94 : i32
      %parallel_loop3A_96 = arith.extui %parallel_loop3A_95 : i1 to i32
      %parallel_loop3A_97 = arith.subi %parallel_loop3A_93, %parallel_loop3A_96 : i32
      %parallel_loop3A_98 = arith.constant 0 : i32
      %parallel_loop3A_99 = arith.cmpi sgt, %parallel_loop3A_89, %parallel_loop3A_98 : i32
      %parallel_loop3A_100 = arith.extui %parallel_loop3A_99 : i1 to i32
      %parallel_loop3A_101 = arith.constant 0 : i32
      %parallel_loop3A_102 = arith.cmpi slt, %parallel_loop3A_89, %parallel_loop3A_101 : i32
      %parallel_loop3A_103 = arith.extui %parallel_loop3A_102 : i1 to i32
      %parallel_loop3A_104 = arith.subi %parallel_loop3A_100, %parallel_loop3A_103 : i32
      %parallel_loop3A_105 = arith.cmpi ne, %parallel_loop3A_97, %parallel_loop3A_104 : i32
      %parallel_loop3A_106 = arith.remsi %parallel_loop3A_88, %parallel_loop3A_89 : i32
      %parallel_loop3A_107 = arith.constant 0 : i32
      %parallel_loop3A_108 = arith.cmpi ne, %parallel_loop3A_106, %parallel_loop3A_107 : i32
      %parallel_loop3A_109 = arith.andi %parallel_loop3A_105, %parallel_loop3A_108 : i1
      %parallel_loop3A_110 = arith.constant 1 : i32
      %parallel_loop3A_111 = arith.subi %parallel_loop3A_90, %parallel_loop3A_110 : i32
      %parallel_loop3A_112 = arith.select %parallel_loop3A_109, %parallel_loop3A_111, %parallel_loop3A_90 : i32
      %parallel_loop3A_113 = arith.constant 512 : i32
      %parallel_loop3A_114 = arith.constant 0 : i32
      %parallel_loop3A_115 = arith.cmpi eq, %parallel_loop3A_113, %parallel_loop3A_114 : i32
      %parallel_loop3A_116 = arith.constant 1 : i32
      %parallel_loop3A_117 = arith.select %parallel_loop3A_115, %parallel_loop3A_116, %parallel_loop3A_113 : i32
      %parallel_loop3A_118 = arith.remsi %parallel_loop3A_88, %parallel_loop3A_117 : i32
      %parallel_loop3A_119 = arith.constant 0 : i32
      %parallel_loop3A_120 = arith.cmpi ne, %parallel_loop3A_118, %parallel_loop3A_119 : i32
      %parallel_loop3A_121 = arith.constant 0 : i32
      %parallel_loop3A_122 = arith.cmpi slt, %parallel_loop3A_118, %parallel_loop3A_121 : i32
      %parallel_loop3A_123 = arith.constant 0 : i32
      %parallel_loop3A_124 = arith.cmpi slt, %parallel_loop3A_117, %parallel_loop3A_123 : i32
      %parallel_loop3A_125 = arith.xori %parallel_loop3A_122, %parallel_loop3A_124 : i1
      %parallel_loop3A_126 = arith.andi %parallel_loop3A_125, %parallel_loop3A_120 : i1
      %parallel_loop3A_127 = arith.addi %parallel_loop3A_118, %parallel_loop3A_117 : i32
      %parallel_loop3A_128 = arith.select %parallel_loop3A_126, %parallel_loop3A_127, %parallel_loop3A_118 : i32
      %parallel_loop3A_129 = arith.index_cast %parallel_loop3A_112 : i32 to index
      %parallel_loop3A_130 = arith.index_cast %parallel_loop3A_128 : i32 to index
      %parallel_loop3A_131 = tpu.vector_load %arg6[%parallel_loop3A_129, %parallel_loop3A_130] {strides = array<i32>} : memref<32x512xi32, #tpu.memory_space<vmem>>, vector<16xi32>,
      %parallel_loop3A_132 = arith.constant 0 : i32
      %parallel_loop3A_133 = vector.broadcast %parallel_loop3A_132 : i32 to vector<16xi32>
      %parallel_loop3A_134 = arith.addi %parallel_loop3A_131, %parallel_loop3A_133 : vector<16xi32>
      %parallel_loop3A_135 = tpu.vector_load_idx %arg5[%parallel_loop3A_134] : memref<27648xf32, #tpu.memory_space<vmem>>[vector<16xi32>], vector<16xf32>,
      %parallel_loop3A_136 = arith.constant 512 : i32
      %parallel_loop3A_137 = arith.divsi %parallel_loop3A_86, %parallel_loop3A_136 : i32
      %parallel_loop3A_138 = arith.constant 0 : i32
      %parallel_loop3A_139 = arith.cmpi sgt, %parallel_loop3A_86, %parallel_loop3A_138 : i32
      %parallel_loop3A_140 = arith.extui %parallel_loop3A_139 : i1 to i32
      %parallel_loop3A_141 = arith.constant 0 : i32
      %parallel_loop3A_142 = arith.cmpi slt, %parallel_loop3A_86, %parallel_loop3A_141 : i32
      %parallel_loop3A_143 = arith.extui %parallel_loop3A_142 : i1 to i32
      %parallel_loop3A_144 = arith.subi %parallel_loop3A_140, %parallel_loop3A_143 : i32
      %parallel_loop3A_145 = arith.constant 0 : i32
      %parallel_loop3A_146 = arith.cmpi sgt, %parallel_loop3A_136, %parallel_loop3A_145 : i32
      %parallel_loop3A_147 = arith.extui %parallel_loop3A_146 : i1 to i32
      %parallel_loop3A_148 = arith.constant 0 : i32
      %parallel_loop3A_149 = arith.cmpi slt, %parallel_loop3A_136, %parallel_loop3A_148 : i32
      %parallel_loop3A_150 = arith.extui %parallel_loop3A_149 : i1 to i32
      %parallel_loop3A_151 = arith.subi %parallel_loop3A_147, %parallel_loop3A_150 : i32
      %parallel_loop3A_152 = arith.cmpi ne, %parallel_loop3A_144, %parallel_loop3A_151 : i32
      %parallel_loop3A_153 = arith.remsi %parallel_loop3A_86, %parallel_loop3A_136 : i32
      %parallel_loop3A_154 = arith.constant 0 : i32
      %parallel_loop3A_155 = arith.cmpi ne, %parallel_loop3A_153, %parallel_loop3A_154 : i32
      %parallel_loop3A_156 = arith.andi %parallel_loop3A_152, %parallel_loop3A_155 : i1
      %parallel_loop3A_157 = arith.constant 1 : i32
      %parallel_loop3A_158 = arith.subi %parallel_loop3A_137, %parallel_loop3A_157 : i32
      %parallel_loop3A_159 = arith.select %parallel_loop3A_156, %parallel_loop3A_158, %parallel_loop3A_137 : i32
      %parallel_loop3A_160 = arith.constant 512 : i32
      %parallel_loop3A_161 = arith.constant 0 : i32
      %parallel_loop3A_162 = arith.cmpi eq, %parallel_loop3A_160, %parallel_loop3A_161 : i32
      %parallel_loop3A_163 = arith.constant 1 : i32
      %parallel_loop3A_164 = arith.select %parallel_loop3A_162, %parallel_loop3A_163, %parallel_loop3A_160 : i32
      %parallel_loop3A_165 = arith.remsi %parallel_loop3A_86, %parallel_loop3A_164 : i32
      %parallel_loop3A_166 = arith.constant 0 : i32
      %parallel_loop3A_167 = arith.cmpi ne, %parallel_loop3A_165, %parallel_loop3A_166 : i32
      %parallel_loop3A_168 = arith.constant 0 : i32
      %parallel_loop3A_169 = arith.cmpi slt, %parallel_loop3A_165, %parallel_loop3A_168 : i32
      %parallel_loop3A_170 = arith.constant 0 : i32
      %parallel_loop3A_171 = arith.cmpi slt, %parallel_loop3A_164, %parallel_loop3A_170 : i32
      %parallel_loop3A_172 = arith.xori %parallel_loop3A_169, %parallel_loop3A_171 : i1
      %parallel_loop3A_173 = arith.andi %parallel_loop3A_172, %parallel_loop3A_167 : i1
      %parallel_loop3A_174 = arith.addi %parallel_loop3A_165, %parallel_loop3A_164 : i32
      %parallel_loop3A_175 = arith.select %parallel_loop3A_173, %parallel_loop3A_174, %parallel_loop3A_165 : i32
      %parallel_loop3A_176 = arith.constant 0 : i32
      %parallel_loop3A_177 = arith.index_cast %parallel_loop3A_176 : i32 to index
      %parallel_loop3A_178 = arith.index_cast %parallel_loop3A_159 : i32 to index
      %parallel_loop3A_179 = arith.index_cast %parallel_loop3A_175 : i32 to index
      %parallel_loop3A_180 = tpu.vector_load %arg7[%parallel_loop3A_177, %parallel_loop3A_178, %parallel_loop3A_179] {strides = array<i32>} : memref<8x8x512xf32, #tpu.memory_space<vmem>>, vector<16xf32>,
      tpu.vector_store %arg7[%parallel_loop3A_177, %parallel_loop3A_178, %parallel_loop3A_179], %parallel_loop3A_135 {strides = array<i32>} : memref<8x8x512xf32, #tpu.memory_space<vmem>>, vector<16xf32>,
      %parallel_loop3A_181 = arith.constant 3456 : i32
      %parallel_loop3A_182 = vector.broadcast %parallel_loop3A_181 : i32 to vector<16xi32>
      %parallel_loop3A_183 = arith.addi %parallel_loop3A_131, %parallel_loop3A_182 : vector<16xi32>
      %parallel_loop3A_184 = tpu.vector_load_idx %arg5[%parallel_loop3A_183] : memref<27648xf32, #tpu.memory_space<vmem>>[vector<16xi32>], vector<16xf32>,
      %parallel_loop3A_185 = arith.constant 512 : i32
      %parallel_loop3A_186 = arith.divsi %parallel_loop3A_86, %parallel_loop3A_185 : i32
      %parallel_loop3A_187 = arith.constant 0 : i32
      %parallel_loop3A_188 = arith.cmpi sgt, %parallel_loop3A_86, %parallel_loop3A_187 : i32
      %parallel_loop3A_189 = arith.extui %parallel_loop3A_188 : i1 to i32
      %parallel_loop3A_190 = arith.constant 0 : i32
      %parallel_loop3A_191 = arith.cmpi slt, %parallel_loop3A_86, %parallel_loop3A_190 : i32
      %parallel_loop3A_192 = arith.extui %parallel_loop3A_191 : i1 to i32
      %parallel_loop3A_193 = arith.subi %parallel_loop3A_189, %parallel_loop3A_192 : i32
      %parallel_loop3A_194 = arith.constant 0 : i32
      %parallel_loop3A_195 = arith.cmpi sgt, %parallel_loop3A_185, %parallel_loop3A_194 : i32
      %parallel_loop3A_196 = arith.extui %parallel_loop3A_195 : i1 to i32
      %parallel_loop3A_197 = arith.constant 0 : i32
      %parallel_loop3A_198 = arith.cmpi slt, %parallel_loop3A_185, %parallel_loop3A_197 : i32
      %parallel_loop3A_199 = arith.extui %parallel_loop3A_198 : i1 to i32
      %parallel_loop3A_200 = arith.subi %parallel_loop3A_196, %parallel_loop3A_199 : i32
      %parallel_loop3A_201 = arith.cmpi ne, %parallel_loop3A_193, %parallel_loop3A_200 : i32
      %parallel_loop3A_202 = arith.remsi %parallel_loop3A_86, %parallel_loop3A_185 : i32
      %parallel_loop3A_203 = arith.constant 0 : i32
      %parallel_loop3A_204 = arith.cmpi ne, %parallel_loop3A_202, %parallel_loop3A_203 : i32
      %parallel_loop3A_205 = arith.andi %parallel_loop3A_201, %parallel_loop3A_204 : i1
      %parallel_loop3A_206 = arith.constant 1 : i32
      %parallel_loop3A_207 = arith.subi %parallel_loop3A_186, %parallel_loop3A_206 : i32
      %parallel_loop3A_208 = arith.select %parallel_loop3A_205, %parallel_loop3A_207, %parallel_loop3A_186 : i32
      %parallel_loop3A_209 = arith.constant 512 : i32
      %parallel_loop3A_210 = arith.constant 0 : i32
      %parallel_loop3A_211 = arith.cmpi eq, %parallel_loop3A_209, %parallel_loop3A_210 : i32
      %parallel_loop3A_212 = arith.constant 1 : i32
      %parallel_loop3A_213 = arith.select %parallel_loop3A_211, %parallel_loop3A_212, %parallel_loop3A_209 : i32
      %parallel_loop3A_214 = arith.remsi %parallel_loop3A_86, %parallel_loop3A_213 : i32
      %parallel_loop3A_215 = arith.constant 0 : i32
      %parallel_loop3A_216 = arith.cmpi ne, %parallel_loop3A_214, %parallel_loop3A_215 : i32
      %parallel_loop3A_217 = arith.constant 0 : i32
      %parallel_loop3A_218 = arith.cmpi slt, %parallel_loop3A_214, %parallel_loop3A_217 : i32
      %parallel_loop3A_219 = arith.constant 0 : i32
      %parallel_loop3A_220 = arith.cmpi slt, %parallel_loop3A_213, %parallel_loop3A_219 : i32
      %parallel_loop3A_221 = arith.xori %parallel_loop3A_218, %parallel_loop3A_220 : i1
      %parallel_loop3A_222 = arith.andi %parallel_loop3A_221, %parallel_loop3A_216 : i1
      %parallel_loop3A_223 = arith.addi %parallel_loop3A_214, %parallel_loop3A_213 : i32
      %parallel_loop3A_224 = arith.select %parallel_loop3A_222, %parallel_loop3A_223, %parallel_loop3A_214 : i32
      %parallel_loop3A_225 = arith.constant 1 : i32
      %parallel_loop3A_226 = arith.index_cast %parallel_loop3A_225 : i32 to index
      %parallel_loop3A_227 = arith.index_cast %parallel_loop3A_208 : i32 to index
      %parallel_loop3A_228 = arith.index_cast %parallel_loop3A_224 : i32 to index
      %parallel_loop3A_229 = tpu.vector_load %arg7[%parallel_loop3A_226, %parallel_loop3A_227, %parallel_loop3A_228] {strides = array<i32>} : memref<8x8x512xf32, #tpu.memory_space<vmem>>, vector<16xf32>,
      tpu.vector_store %arg7[%parallel_loop3A_226, %parallel_loop3A_227, %parallel_loop3A_228], %parallel_loop3A_184 {strides = array<i32>} : memref<8x8x512xf32, #tpu.memory_space<vmem>>, vector<16xf32>,
      %parallel_loop3A_230 = arith.constant 6912 : i32
      %parallel_loop3A_231 = vector.broadcast %parallel_loop3A_230 : i32 to vector<16xi32>
      %parallel_loop3A_232 = arith.addi %parallel_loop3A_131, %parallel_loop3A_231 : vector<16xi32>
      %parallel_loop3A_233 = tpu.vector_load_idx %arg5[%parallel_loop3A_232] : memref<27648xf32, #tpu.memory_space<vmem>>[vector<16xi32>], vector<16xf32>,
      %parallel_loop3A_234 = arith.constant 512 : i32
      %parallel_loop3A_235 = arith.divsi %parallel_loop3A_86, %parallel_loop3A_234 : i32
      %parallel_loop3A_236 = arith.constant 0 : i32
      %parallel_loop3A_237 = arith.cmpi sgt, %parallel_loop3A_86, %parallel_loop3A_236 : i32
      %parallel_loop3A_238 = arith.extui %parallel_loop3A_237 : i1 to i32
      %parallel_loop3A_239 = arith.constant 0 : i32
      %parallel_loop3A_240 = arith.cmpi slt, %parallel_loop3A_86, %parallel_loop3A_239 : i32
      %parallel_loop3A_241 = arith.extui %parallel_loop3A_240 : i1 to i32
      %parallel_loop3A_242 = arith.subi %parallel_loop3A_238, %parallel_loop3A_241 : i32
      %parallel_loop3A_243 = arith.constant 0 : i32
      %parallel_loop3A_244 = arith.cmpi sgt, %parallel_loop3A_234, %parallel_loop3A_243 : i32
      %parallel_loop3A_245 = arith.extui %parallel_loop3A_244 : i1 to i32
      %parallel_loop3A_246 = arith.constant 0 : i32
      %parallel_loop3A_247 = arith.cmpi slt, %parallel_loop3A_234, %parallel_loop3A_246 : i32
      %parallel_loop3A_248 = arith.extui %parallel_loop3A_247 : i1 to i32
      %parallel_loop3A_249 = arith.subi %parallel_loop3A_245, %parallel_loop3A_248 : i32
      %parallel_loop3A_250 = arith.cmpi ne, %parallel_loop3A_242, %parallel_loop3A_249 : i32
      %parallel_loop3A_251 = arith.remsi %parallel_loop3A_86, %parallel_loop3A_234 : i32
      %parallel_loop3A_252 = arith.constant 0 : i32
      %parallel_loop3A_253 = arith.cmpi ne, %parallel_loop3A_251, %parallel_loop3A_252 : i32
      %parallel_loop3A_254 = arith.andi %parallel_loop3A_250, %parallel_loop3A_253 : i1
      %parallel_loop3A_255 = arith.constant 1 : i32
      %parallel_loop3A_256 = arith.subi %parallel_loop3A_235, %parallel_loop3A_255 : i32
      %parallel_loop3A_257 = arith.select %parallel_loop3A_254, %parallel_loop3A_256, %parallel_loop3A_235 : i32
      %parallel_loop3A_258 = arith.constant 512 : i32
      %parallel_loop3A_259 = arith.constant 0 : i32
      %parallel_loop3A_260 = arith.cmpi eq, %parallel_loop3A_258, %parallel_loop3A_259 : i32
      %parallel_loop3A_261 = arith.constant 1 : i32
      %parallel_loop3A_262 = arith.select %parallel_loop3A_260, %parallel_loop3A_261, %parallel_loop3A_258 : i32
      %parallel_loop3A_263 = arith.remsi %parallel_loop3A_86, %parallel_loop3A_262 : i32
      %parallel_loop3A_264 = arith.constant 0 : i32
      %parallel_loop3A_265 = arith.cmpi ne, %parallel_loop3A_263, %parallel_loop3A_264 : i32
      %parallel_loop3A_266 = arith.constant 0 : i32
      %parallel_loop3A_267 = arith.cmpi slt, %parallel_loop3A_263, %parallel_loop3A_266 : i32
      %parallel_loop3A_268 = arith.constant 0 : i32
      %parallel_loop3A_269 = arith.cmpi slt, %parallel_loop3A_262, %parallel_loop3A_268 : i32
      %parallel_loop3A_270 = arith.xori %parallel_loop3A_267, %parallel_loop3A_269 : i1
      %parallel_loop3A_271 = arith.andi %parallel_loop3A_270, %parallel_loop3A_265 : i1
      %parallel_loop3A_272 = arith.addi %parallel_loop3A_263, %parallel_loop3A_262 : i32
      %parallel_loop3A_273 = arith.select %parallel_loop3A_271, %parallel_loop3A_272, %parallel_loop3A_263 : i32
      %parallel_loop3A_274 = arith.constant 2 : i32
      %parallel_loop3A_275 = arith.index_cast %parallel_loop3A_274 : i32 to index
      %parallel_loop3A_276 = arith.index_cast %parallel_loop3A_257 : i32 to index
      %parallel_loop3A_277 = arith.index_cast %parallel_loop3A_273 : i32 to index
      %parallel_loop3A_278 = tpu.vector_load %arg7[%parallel_loop3A_275, %parallel_loop3A_276, %parallel_loop3A_277] {strides = array<i32>} : memref<8x8x512xf32, #tpu.memory_space<vmem>>, vector<16xf32>,
      tpu.vector_store %arg7[%parallel_loop3A_275, %parallel_loop3A_276, %parallel_loop3A_277], %parallel_loop3A_233 {strides = array<i32>} : memref<8x8x512xf32, #tpu.memory_space<vmem>>, vector<16xf32>,
      %parallel_loop3A_279 = arith.constant 10368 : i32
      %parallel_loop3A_280 = vector.broadcast %parallel_loop3A_279 : i32 to vector<16xi32>
      %parallel_loop3A_281 = arith.addi %parallel_loop3A_131, %parallel_loop3A_280 : vector<16xi32>
      %parallel_loop3A_282 = tpu.vector_load_idx %arg5[%parallel_loop3A_281] : memref<27648xf32, #tpu.memory_space<vmem>>[vector<16xi32>], vector<16xf32>,
      %parallel_loop3A_283 = arith.constant 512 : i32
      %parallel_loop3A_284 = arith.divsi %parallel_loop3A_86, %parallel_loop3A_283 : i32
      %parallel_loop3A_285 = arith.constant 0 : i32
      %parallel_loop3A_286 = arith.cmpi sgt, %parallel_loop3A_86, %parallel_loop3A_285 : i32
      %parallel_loop3A_287 = arith.extui %parallel_loop3A_286 : i1 to i32
      %parallel_loop3A_288 = arith.constant 0 : i32
      %parallel_loop3A_289 = arith.cmpi slt, %parallel_loop3A_86, %parallel_loop3A_288 : i32
      %parallel_loop3A_290 = arith.extui %parallel_loop3A_289 : i1 to i32
      %parallel_loop3A_291 = arith.subi %parallel_loop3A_287, %parallel_loop3A_290 : i32
      %parallel_loop3A_292 = arith.constant 0 : i32
      %parallel_loop3A_293 = arith.cmpi sgt, %parallel_loop3A_283, %parallel_loop3A_292 : i32
      %parallel_loop3A_294 = arith.extui %parallel_loop3A_293 : i1 to i32
      %parallel_loop3A_295 = arith.constant 0 : i32
      %parallel_loop3A_296 = arith.cmpi slt, %parallel_loop3A_283, %parallel_loop3A_295 : i32
      %parallel_loop3A_297 = arith.extui %parallel_loop3A_296 : i1 to i32
      %parallel_loop3A_298 = arith.subi %parallel_loop3A_294, %parallel_loop3A_297 : i32
      %parallel_loop3A_299 = arith.cmpi ne, %parallel_loop3A_291, %parallel_loop3A_298 : i32
      %parallel_loop3A_300 = arith.remsi %parallel_loop3A_86, %parallel_loop3A_283 : i32
      %parallel_loop3A_301 = arith.constant 0 : i32
      %parallel_loop3A_302 = arith.cmpi ne, %parallel_loop3A_300, %parallel_loop3A_301 : i32
      %parallel_loop3A_303 = arith.andi %parallel_loop3A_299, %parallel_loop3A_302 : i1
      %parallel_loop3A_304 = arith.constant 1 : i32
      %parallel_loop3A_305 = arith.subi %parallel_loop3A_284, %parallel_loop3A_304 : i32
      %parallel_loop3A_306 = arith.select %parallel_loop3A_303, %parallel_loop3A_305, %parallel_loop3A_284 : i32
      %parallel_loop3A_307 = arith.constant 512 : i32
      %parallel_loop3A_308 = arith.constant 0 : i32
      %parallel_loop3A_309 = arith.cmpi eq, %parallel_loop3A_307, %parallel_loop3A_308 : i32
      %parallel_loop3A_310 = arith.constant 1 : i32
      %parallel_loop3A_311 = arith.select %parallel_loop3A_309, %parallel_loop3A_310, %parallel_loop3A_307 : i32
      %parallel_loop3A_312 = arith.remsi %parallel_loop3A_86, %parallel_loop3A_311 : i32
      %parallel_loop3A_313 = arith.constant 0 : i32
      %parallel_loop3A_314 = arith.cmpi ne, %parallel_loop3A_312, %parallel_loop3A_313 : i32
      %parallel_loop3A_315 = arith.constant 0 : i32
      %parallel_loop3A_316 = arith.cmpi slt, %parallel_loop3A_312, %parallel_loop3A_315 : i32
      %parallel_loop3A_317 = arith.constant 0 : i32
      %parallel_loop3A_318 = arith.cmpi slt, %parallel_loop3A_311, %parallel_loop3A_317 : i32
      %parallel_loop3A_319 = arith.xori %parallel_loop3A_316, %parallel_loop3A_318 : i1
      %parallel_loop3A_320 = arith.andi %parallel_loop3A_319, %parallel_loop3A_314 : i1
      %parallel_loop3A_321 = arith.addi %parallel_loop3A_312, %parallel_loop3A_311 : i32
      %parallel_loop3A_322 = arith.select %parallel_loop3A_320, %parallel_loop3A_321, %parallel_loop3A_312 : i32
      %parallel_loop3A_323 = arith.constant 3 : i32
      %parallel_loop3A_324 = arith.index_cast %parallel_loop3A_323 : i32 to index
      %parallel_loop3A_325 = arith.index_cast %parallel_loop3A_306 : i32 to index
      %parallel_loop3A_326 = arith.index_cast %parallel_loop3A_322 : i32 to index
      %parallel_loop3A_327 = tpu.vector_load %arg7[%parallel_loop3A_324, %parallel_loop3A_325, %parallel_loop3A_326] {strides = array<i32>} : memref<8x8x512xf32, #tpu.memory_space<vmem>>, vector<16xf32>,
      tpu.vector_store %arg7[%parallel_loop3A_324, %parallel_loop3A_325, %parallel_loop3A_326], %parallel_loop3A_282 {strides = array<i32>} : memref<8x8x512xf32, #tpu.memory_space<vmem>>, vector<16xf32>,
      %parallel_loop3A_328 = arith.constant 13824 : i32
      %parallel_loop3A_329 = vector.broadcast %parallel_loop3A_328 : i32 to vector<16xi32>
      %parallel_loop3A_330 = arith.addi %parallel_loop3A_131, %parallel_loop3A_329 : vector<16xi32>
      %parallel_loop3A_331 = tpu.vector_load_idx %arg5[%parallel_loop3A_330] : memref<27648xf32, #tpu.memory_space<vmem>>[vector<16xi32>], vector<16xf32>,
      %parallel_loop3A_332 = arith.constant 512 : i32
      %parallel_loop3A_333 = arith.divsi %parallel_loop3A_86, %parallel_loop3A_332 : i32
      %parallel_loop3A_334 = arith.constant 0 : i32
      %parallel_loop3A_335 = arith.cmpi sgt, %parallel_loop3A_86, %parallel_loop3A_334 : i32
      %parallel_loop3A_336 = arith.extui %parallel_loop3A_335 : i1 to i32
      %parallel_loop3A_337 = arith.constant 0 : i32
      %parallel_loop3A_338 = arith.cmpi slt, %parallel_loop3A_86, %parallel_loop3A_337 : i32
      %parallel_loop3A_339 = arith.extui %parallel_loop3A_338 : i1 to i32
      %parallel_loop3A_340 = arith.subi %parallel_loop3A_336, %parallel_loop3A_339 : i32
      %parallel_loop3A_341 = arith.constant 0 : i32
      %parallel_loop3A_342 = arith.cmpi sgt, %parallel_loop3A_332, %parallel_loop3A_341 : i32
      %parallel_loop3A_343 = arith.extui %parallel_loop3A_342 : i1 to i32
      %parallel_loop3A_344 = arith.constant 0 : i32
      %parallel_loop3A_345 = arith.cmpi slt, %parallel_loop3A_332, %parallel_loop3A_344 : i32
      %parallel_loop3A_346 = arith.extui %parallel_loop3A_345 : i1 to i32
      %parallel_loop3A_347 = arith.subi %parallel_loop3A_343, %parallel_loop3A_346 : i32
      %parallel_loop3A_348 = arith.cmpi ne, %parallel_loop3A_340, %parallel_loop3A_347 : i32
      %parallel_loop3A_349 = arith.remsi %parallel_loop3A_86, %parallel_loop3A_332 : i32
      %parallel_loop3A_350 = arith.constant 0 : i32
      %parallel_loop3A_351 = arith.cmpi ne, %parallel_loop3A_349, %parallel_loop3A_350 : i32
      %parallel_loop3A_352 = arith.andi %parallel_loop3A_348, %parallel_loop3A_351 : i1
      %parallel_loop3A_353 = arith.constant 1 : i32
      %parallel_loop3A_354 = arith.subi %parallel_loop3A_333, %parallel_loop3A_353 : i32
      %parallel_loop3A_355 = arith.select %parallel_loop3A_352, %parallel_loop3A_354, %parallel_loop3A_333 : i32
      %parallel_loop3A_356 = arith.constant 512 : i32
      %parallel_loop3A_357 = arith.constant 0 : i32
      %parallel_loop3A_358 = arith.cmpi eq, %parallel_loop3A_356, %parallel_loop3A_357 : i32
      %parallel_loop3A_359 = arith.constant 1 : i32
      %parallel_loop3A_360 = arith.select %parallel_loop3A_358, %parallel_loop3A_359, %parallel_loop3A_356 : i32
      %parallel_loop3A_361 = arith.remsi %parallel_loop3A_86, %parallel_loop3A_360 : i32
      %parallel_loop3A_362 = arith.constant 0 : i32
      %parallel_loop3A_363 = arith.cmpi ne, %parallel_loop3A_361, %parallel_loop3A_362 : i32
      %parallel_loop3A_364 = arith.constant 0 : i32
      %parallel_loop3A_365 = arith.cmpi slt, %parallel_loop3A_361, %parallel_loop3A_364 : i32
      %parallel_loop3A_366 = arith.constant 0 : i32
      %parallel_loop3A_367 = arith.cmpi slt, %parallel_loop3A_360, %parallel_loop3A_366 : i32
      %parallel_loop3A_368 = arith.xori %parallel_loop3A_365, %parallel_loop3A_367 : i1
      %parallel_loop3A_369 = arith.andi %parallel_loop3A_368, %parallel_loop3A_363 : i1
      %parallel_loop3A_370 = arith.addi %parallel_loop3A_361, %parallel_loop3A_360 : i32
      %parallel_loop3A_371 = arith.select %parallel_loop3A_369, %parallel_loop3A_370, %parallel_loop3A_361 : i32
      %parallel_loop3A_372 = arith.constant 4 : i32
      %parallel_loop3A_373 = arith.index_cast %parallel_loop3A_372 : i32 to index
      %parallel_loop3A_374 = arith.index_cast %parallel_loop3A_355 : i32 to index
      %parallel_loop3A_375 = arith.index_cast %parallel_loop3A_371 : i32 to index
      %parallel_loop3A_376 = tpu.vector_load %arg7[%parallel_loop3A_373, %parallel_loop3A_374, %parallel_loop3A_375] {strides = array<i32>} : memref<8x8x512xf32, #tpu.memory_space<vmem>>, vector<16xf32>,
      tpu.vector_store %arg7[%parallel_loop3A_373, %parallel_loop3A_374, %parallel_loop3A_375], %parallel_loop3A_331 {strides = array<i32>} : memref<8x8x512xf32, #tpu.memory_space<vmem>>, vector<16xf32>,
      %parallel_loop3A_377 = arith.constant 17280 : i32
      %parallel_loop3A_378 = vector.broadcast %parallel_loop3A_377 : i32 to vector<16xi32>
      %parallel_loop3A_379 = arith.addi %parallel_loop3A_131, %parallel_loop3A_378 : vector<16xi32>
      %parallel_loop3A_380 = tpu.vector_load_idx %arg5[%parallel_loop3A_379] : memref<27648xf32, #tpu.memory_space<vmem>>[vector<16xi32>], vector<16xf32>,
      %parallel_loop3A_381 = arith.constant 512 : i32
      %parallel_loop3A_382 = arith.divsi %parallel_loop3A_86, %parallel_loop3A_381 : i32
      %parallel_loop3A_383 = arith.constant 0 : i32
      %parallel_loop3A_384 = arith.cmpi sgt, %parallel_loop3A_86, %parallel_loop3A_383 : i32
      %parallel_loop3A_385 = arith.extui %parallel_loop3A_384 : i1 to i32
      %parallel_loop3A_386 = arith.constant 0 : i32
      %parallel_loop3A_387 = arith.cmpi slt, %parallel_loop3A_86, %parallel_loop3A_386 : i32
      %parallel_loop3A_388 = arith.extui %parallel_loop3A_387 : i1 to i32
      %parallel_loop3A_389 = arith.subi %parallel_loop3A_385, %parallel_loop3A_388 : i32
      %parallel_loop3A_390 = arith.constant 0 : i32
      %parallel_loop3A_391 = arith.cmpi sgt, %parallel_loop3A_381, %parallel_loop3A_390 : i32
      %parallel_loop3A_392 = arith.extui %parallel_loop3A_391 : i1 to i32
      %parallel_loop3A_393 = arith.constant 0 : i32
      %parallel_loop3A_394 = arith.cmpi slt, %parallel_loop3A_381, %parallel_loop3A_393 : i32
      %parallel_loop3A_395 = arith.extui %parallel_loop3A_394 : i1 to i32
      %parallel_loop3A_396 = arith.subi %parallel_loop3A_392, %parallel_loop3A_395 : i32
      %parallel_loop3A_397 = arith.cmpi ne, %parallel_loop3A_389, %parallel_loop3A_396 : i32
      %parallel_loop3A_398 = arith.remsi %parallel_loop3A_86, %parallel_loop3A_381 : i32
      %parallel_loop3A_399 = arith.constant 0 : i32
      %parallel_loop3A_400 = arith.cmpi ne, %parallel_loop3A_398, %parallel_loop3A_399 : i32
      %parallel_loop3A_401 = arith.andi %parallel_loop3A_397, %parallel_loop3A_400 : i1
      %parallel_loop3A_402 = arith.constant 1 : i32
      %parallel_loop3A_403 = arith.subi %parallel_loop3A_382, %parallel_loop3A_402 : i32
      %parallel_loop3A_404 = arith.select %parallel_loop3A_401, %parallel_loop3A_403, %parallel_loop3A_382 : i32
      %parallel_loop3A_405 = arith.constant 512 : i32
      %parallel_loop3A_406 = arith.constant 0 : i32
      %parallel_loop3A_407 = arith.cmpi eq, %parallel_loop3A_405, %parallel_loop3A_406 : i32
      %parallel_loop3A_408 = arith.constant 1 : i32
      %parallel_loop3A_409 = arith.select %parallel_loop3A_407, %parallel_loop3A_408, %parallel_loop3A_405 : i32
      %parallel_loop3A_410 = arith.remsi %parallel_loop3A_86, %parallel_loop3A_409 : i32
      %parallel_loop3A_411 = arith.constant 0 : i32
      %parallel_loop3A_412 = arith.cmpi ne, %parallel_loop3A_410, %parallel_loop3A_411 : i32
      %parallel_loop3A_413 = arith.constant 0 : i32
      %parallel_loop3A_414 = arith.cmpi slt, %parallel_loop3A_410, %parallel_loop3A_413 : i32
      %parallel_loop3A_415 = arith.constant 0 : i32
      %parallel_loop3A_416 = arith.cmpi slt, %parallel_loop3A_409, %parallel_loop3A_415 : i32
      %parallel_loop3A_417 = arith.xori %parallel_loop3A_414, %parallel_loop3A_416 : i1
      %parallel_loop3A_418 = arith.andi %parallel_loop3A_417, %parallel_loop3A_412 : i1
      %parallel_loop3A_419 = arith.addi %parallel_loop3A_410, %parallel_loop3A_409 : i32
      %parallel_loop3A_420 = arith.select %parallel_loop3A_418, %parallel_loop3A_419, %parallel_loop3A_410 : i32
      %parallel_loop3A_421 = arith.constant 5 : i32
      %parallel_loop3A_422 = arith.index_cast %parallel_loop3A_421 : i32 to index
      %parallel_loop3A_423 = arith.index_cast %parallel_loop3A_404 : i32 to index
      %parallel_loop3A_424 = arith.index_cast %parallel_loop3A_420 : i32 to index
      %parallel_loop3A_425 = tpu.vector_load %arg7[%parallel_loop3A_422, %parallel_loop3A_423, %parallel_loop3A_424] {strides = array<i32>} : memref<8x8x512xf32, #tpu.memory_space<vmem>>, vector<16xf32>,
      tpu.vector_store %arg7[%parallel_loop3A_422, %parallel_loop3A_423, %parallel_loop3A_424], %parallel_loop3A_380 {strides = array<i32>} : memref<8x8x512xf32, #tpu.memory_space<vmem>>, vector<16xf32>,
      %parallel_loop3A_426 = arith.constant 20736 : i32
      %parallel_loop3A_427 = vector.broadcast %parallel_loop3A_426 : i32 to vector<16xi32>
      %parallel_loop3A_428 = arith.addi %parallel_loop3A_131, %parallel_loop3A_427 : vector<16xi32>
      %parallel_loop3A_429 = tpu.vector_load_idx %arg5[%parallel_loop3A_428] : memref<27648xf32, #tpu.memory_space<vmem>>[vector<16xi32>], vector<16xf32>,
      %parallel_loop3A_430 = arith.constant 512 : i32
      %parallel_loop3A_431 = arith.divsi %parallel_loop3A_86, %parallel_loop3A_430 : i32
      %parallel_loop3A_432 = arith.constant 0 : i32
      %parallel_loop3A_433 = arith.cmpi sgt, %parallel_loop3A_86, %parallel_loop3A_432 : i32
      %parallel_loop3A_434 = arith.extui %parallel_loop3A_433 : i1 to i32
      %parallel_loop3A_435 = arith.constant 0 : i32
      %parallel_loop3A_436 = arith.cmpi slt, %parallel_loop3A_86, %parallel_loop3A_435 : i32
      %parallel_loop3A_437 = arith.extui %parallel_loop3A_436 : i1 to i32
      %parallel_loop3A_438 = arith.subi %parallel_loop3A_434, %parallel_loop3A_437 : i32
      %parallel_loop3A_439 = arith.constant 0 : i32
      %parallel_loop3A_440 = arith.cmpi sgt, %parallel_loop3A_430, %parallel_loop3A_439 : i32
      %parallel_loop3A_441 = arith.extui %parallel_loop3A_440 : i1 to i32
      %parallel_loop3A_442 = arith.constant 0 : i32
      %parallel_loop3A_443 = arith.cmpi slt, %parallel_loop3A_430, %parallel_loop3A_442 : i32
      %parallel_loop3A_444 = arith.extui %parallel_loop3A_443 : i1 to i32
      %parallel_loop3A_445 = arith.subi %parallel_loop3A_441, %parallel_loop3A_444 : i32
      %parallel_loop3A_446 = arith.cmpi ne, %parallel_loop3A_438, %parallel_loop3A_445 : i32
      %parallel_loop3A_447 = arith.remsi %parallel_loop3A_86, %parallel_loop3A_430 : i32
      %parallel_loop3A_448 = arith.constant 0 : i32
      %parallel_loop3A_449 = arith.cmpi ne, %parallel_loop3A_447, %parallel_loop3A_448 : i32
      %parallel_loop3A_450 = arith.andi %parallel_loop3A_446, %parallel_loop3A_449 : i1
      %parallel_loop3A_451 = arith.constant 1 : i32
      %parallel_loop3A_452 = arith.subi %parallel_loop3A_431, %parallel_loop3A_451 : i32
      %parallel_loop3A_453 = arith.select %parallel_loop3A_450, %parallel_loop3A_452, %parallel_loop3A_431 : i32
      %parallel_loop3A_454 = arith.constant 512 : i32
      %parallel_loop3A_455 = arith.constant 0 : i32
      %parallel_loop3A_456 = arith.cmpi eq, %parallel_loop3A_454, %parallel_loop3A_455 : i32
      %parallel_loop3A_457 = arith.constant 1 : i32
      %parallel_loop3A_458 = arith.select %parallel_loop3A_456, %parallel_loop3A_457, %parallel_loop3A_454 : i32
      %parallel_loop3A_459 = arith.remsi %parallel_loop3A_86, %parallel_loop3A_458 : i32
      %parallel_loop3A_460 = arith.constant 0 : i32
      %parallel_loop3A_461 = arith.cmpi ne, %parallel_loop3A_459, %parallel_loop3A_460 : i32
      %parallel_loop3A_462 = arith.constant 0 : i32
      %parallel_loop3A_463 = arith.cmpi slt, %parallel_loop3A_459, %parallel_loop3A_462 : i32
      %parallel_loop3A_464 = arith.constant 0 : i32
      %parallel_loop3A_465 = arith.cmpi slt, %parallel_loop3A_458, %parallel_loop3A_464 : i32
      %parallel_loop3A_466 = arith.xori %parallel_loop3A_463, %parallel_loop3A_465 : i1
      %parallel_loop3A_467 = arith.andi %parallel_loop3A_466, %parallel_loop3A_461 : i1
      %parallel_loop3A_468 = arith.addi %parallel_loop3A_459, %parallel_loop3A_458 : i32
      %parallel_loop3A_469 = arith.select %parallel_loop3A_467, %parallel_loop3A_468, %parallel_loop3A_459 : i32
      %parallel_loop3A_470 = arith.constant 6 : i32
      %parallel_loop3A_471 = arith.index_cast %parallel_loop3A_470 : i32 to index
      %parallel_loop3A_472 = arith.index_cast %parallel_loop3A_453 : i32 to index
      %parallel_loop3A_473 = arith.index_cast %parallel_loop3A_469 : i32 to index
      %parallel_loop3A_474 = tpu.vector_load %arg7[%parallel_loop3A_471, %parallel_loop3A_472, %parallel_loop3A_473] {strides = array<i32>} : memref<8x8x512xf32, #tpu.memory_space<vmem>>, vector<16xf32>,
      tpu.vector_store %arg7[%parallel_loop3A_471, %parallel_loop3A_472, %parallel_loop3A_473], %parallel_loop3A_429 {strides = array<i32>} : memref<8x8x512xf32, #tpu.memory_space<vmem>>, vector<16xf32>,
      %parallel_loop3A_475 = arith.constant 24192 : i32
      %parallel_loop3A_476 = vector.broadcast %parallel_loop3A_475 : i32 to vector<16xi32>
      %parallel_loop3A_477 = arith.addi %parallel_loop3A_131, %parallel_loop3A_476 : vector<16xi32>
      %parallel_loop3A_478 = tpu.vector_load_idx %arg5[%parallel_loop3A_477] : memref<27648xf32, #tpu.memory_space<vmem>>[vector<16xi32>], vector<16xf32>,
      %parallel_loop3A_479 = arith.constant 512 : i32
      %parallel_loop3A_480 = arith.divsi %parallel_loop3A_86, %parallel_loop3A_479 : i32
      %parallel_loop3A_481 = arith.constant 0 : i32
      %parallel_loop3A_482 = arith.cmpi sgt, %parallel_loop3A_86, %parallel_loop3A_481 : i32
      %parallel_loop3A_483 = arith.extui %parallel_loop3A_482 : i1 to i32
      %parallel_loop3A_484 = arith.constant 0 : i32
      %parallel_loop3A_485 = arith.cmpi slt, %parallel_loop3A_86, %parallel_loop3A_484 : i32
      %parallel_loop3A_486 = arith.extui %parallel_loop3A_485 : i1 to i32
      %parallel_loop3A_487 = arith.subi %parallel_loop3A_483, %parallel_loop3A_486 : i32
      %parallel_loop3A_488 = arith.constant 0 : i32
      %parallel_loop3A_489 = arith.cmpi sgt, %parallel_loop3A_479, %parallel_loop3A_488 : i32
      %parallel_loop3A_490 = arith.extui %parallel_loop3A_489 : i1 to i32
      %parallel_loop3A_491 = arith.constant 0 : i32
      %parallel_loop3A_492 = arith.cmpi slt, %parallel_loop3A_479, %parallel_loop3A_491 : i32
      %parallel_loop3A_493 = arith.extui %parallel_loop3A_492 : i1 to i32
      %parallel_loop3A_494 = arith.subi %parallel_loop3A_490, %parallel_loop3A_493 : i32
      %parallel_loop3A_495 = arith.cmpi ne, %parallel_loop3A_487, %parallel_loop3A_494 : i32
      %parallel_loop3A_496 = arith.remsi %parallel_loop3A_86, %parallel_loop3A_479 : i32
      %parallel_loop3A_497 = arith.constant 0 : i32
      %parallel_loop3A_498 = arith.cmpi ne, %parallel_loop3A_496, %parallel_loop3A_497 : i32
      %parallel_loop3A_499 = arith.andi %parallel_loop3A_495, %parallel_loop3A_498 : i1
      %parallel_loop3A_500 = arith.constant 1 : i32
      %parallel_loop3A_501 = arith.subi %parallel_loop3A_480, %parallel_loop3A_500 : i32
      %parallel_loop3A_502 = arith.select %parallel_loop3A_499, %parallel_loop3A_501, %parallel_loop3A_480 : i32
      %parallel_loop3A_503 = arith.constant 512 : i32
      %parallel_loop3A_504 = arith.constant 0 : i32
      %parallel_loop3A_505 = arith.cmpi eq, %parallel_loop3A_503, %parallel_loop3A_504 : i32
      %parallel_loop3A_506 = arith.constant 1 : i32
      %parallel_loop3A_507 = arith.select %parallel_loop3A_505, %parallel_loop3A_506, %parallel_loop3A_503 : i32
      %parallel_loop3A_508 = arith.remsi %parallel_loop3A_86, %parallel_loop3A_507 : i32
      %parallel_loop3A_509 = arith.constant 0 : i32
      %parallel_loop3A_510 = arith.cmpi ne, %parallel_loop3A_508, %parallel_loop3A_509 : i32
      %parallel_loop3A_511 = arith.constant 0 : i32
      %parallel_loop3A_512 = arith.cmpi slt, %parallel_loop3A_508, %parallel_loop3A_511 : i32
      %parallel_loop3A_513 = arith.constant 0 : i32
      %parallel_loop3A_514 = arith.cmpi slt, %parallel_loop3A_507, %parallel_loop3A_513 : i32
      %parallel_loop3A_515 = arith.xori %parallel_loop3A_512, %parallel_loop3A_514 : i1
      %parallel_loop3A_516 = arith.andi %parallel_loop3A_515, %parallel_loop3A_510 : i1
      %parallel_loop3A_517 = arith.addi %parallel_loop3A_508, %parallel_loop3A_507 : i32
      %parallel_loop3A_518 = arith.select %parallel_loop3A_516, %parallel_loop3A_517, %parallel_loop3A_508 : i32
      %parallel_loop3A_519 = arith.constant 7 : i32
      %parallel_loop3A_520 = arith.index_cast %parallel_loop3A_519 : i32 to index
      %parallel_loop3A_521 = arith.index_cast %parallel_loop3A_502 : i32 to index
      %parallel_loop3A_522 = arith.index_cast %parallel_loop3A_518 : i32 to index
      %parallel_loop3A_523 = tpu.vector_load %arg7[%parallel_loop3A_520, %parallel_loop3A_521, %parallel_loop3A_522] {strides = array<i32>} : memref<8x8x512xf32, #tpu.memory_space<vmem>>, vector<16xf32>,
      tpu.vector_store %arg7[%parallel_loop3A_520, %parallel_loop3A_521, %parallel_loop3A_522], %parallel_loop3A_478 {strides = array<i32>} : memref<8x8x512xf32, #tpu.memory_space<vmem>>, vector<16xf32>,
    } {sc.loop_unroll_factor = 8 : i64, sc.parallel_access}
    %add3A_59 = arith.constant 16 : i32
    %add3A_60 = arith.addi %mul3A_34, %add3A_59 : i32
    %dma_start3A_61 = arith.constant 0 : i32
    %dma_start3A_62 = tpu.memref_slice %arg4[%mul3A_18, %add3A_60, %dma_start3A_61] : memref<16x512x512xf32, #tpu.memory_space<hbm>> -> memref<8x8x512xf32, #tpu.memory_space<hbm>>
    %dma_start3A_63 = arith.constant 0 : i32
    %dma_start3A_64 = tpu.memref_slice %arg4[%mul3A_18, %add3A_60, %dma_start3A_63] : memref<16x512x512xf32, #tpu.memory_space<hbm>> -> memref<8x8x512xf32, #tpu.memory_space<hbm>>
    tpu.enqueue_dma source(%arg7 : memref<8x8x512xf32, #tpu.memory_space<vmem>>) target(%dma_start3A_64 : memref<8x8x512xf32, #tpu.memory_space<hbm>>) target_semaphore(%arg9 : memref<!tpu.dma_semaphore, #tpu.memory_space<semaphore_mem>>)
    %dma_wait3A_65 = arith.constant 0 : i32
    %dma_wait3A_66 = tpu.memref_slice %arg4[%mul3A_18, %add3A_48, %dma_wait3A_65] : memref<16x512x512xf32, #tpu.memory_space<hbm>> -> memref<8x8x512xf32, #tpu.memory_space<hbm>>
    %dma_wait3A_67 = arith.constant 0 : i32
    %dma_wait3A_68 = tpu.memref_slice %arg4[%mul3A_18, %add3A_48, %dma_wait3A_67] : memref<16x512x512xf32, #tpu.memory_space<hbm>> -> memref<8x8x512xf32, #tpu.memory_space<hbm>>
    tpu.wait_dma2 semaphore(%arg10 : memref<!tpu.dma_semaphore, #tpu.memory_space<semaphore_mem>>) src(%arg8 : memref<8x8x512xf32, #tpu.memory_space<vmem>>) dst(%dma_wait3A_68 : memref<8x8x512xf32, #tpu.memory_space<hbm>>)
    %parallel_loop3A_69 = arith.constant 0 : i32
    %parallel_loop3A_70 = arith.constant 4096 : i32
    %parallel_loop3A_71 = arith.constant 16 : i32
    scf.for %parallel_loop3A_86 = %parallel_loop3A_69 to %parallel_loop3A_70 step %parallel_loop3A_71  : i32 {
      %parallel_loop3A_87 = arith.constant 12288 : i32
      %parallel_loop3A_88 = arith.addi %parallel_loop3A_87, %parallel_loop3A_86 : i32
      %parallel_loop3A_89 = arith.constant 512 : i32
      %parallel_loop3A_90 = arith.divsi %parallel_loop3A_88, %parallel_loop3A_89 : i32
      %parallel_loop3A_91 = arith.constant 0 : i32
      %parallel_loop3A_92 = arith.cmpi sgt, %parallel_loop3A_88, %parallel_loop3A_91 : i32
      %parallel_loop3A_93 = arith.extui %parallel_loop3A_92 : i1 to i32
      %parallel_loop3A_94 = arith.constant 0 : i32
      %parallel_loop3A_95 = arith.cmpi slt, %parallel_loop3A_88, %parallel_loop3A_94 : i32
      %parallel_loop3A_96 = arith.extui %parallel_loop3A_95 : i1 to i32
      %parallel_loop3A_97 = arith.subi %parallel_loop3A_93, %parallel_loop3A_96 : i32
      %parallel_loop3A_98 = arith.constant 0 : i32
      %parallel_loop3A_99 = arith.cmpi sgt, %parallel_loop3A_89, %parallel_loop3A_98 : i32
      %parallel_loop3A_100 = arith.extui %parallel_loop3A_99 : i1 to i32
      %parallel_loop3A_101 = arith.constant 0 : i32
      %parallel_loop3A_102 = arith.cmpi slt, %parallel_loop3A_89, %parallel_loop3A_101 : i32
      %parallel_loop3A_103 = arith.extui %parallel_loop3A_102 : i1 to i32
      %parallel_loop3A_104 = arith.subi %parallel_loop3A_100, %parallel_loop3A_103 : i32
      %parallel_loop3A_105 = arith.cmpi ne, %parallel_loop3A_97, %parallel_loop3A_104 : i32
      %parallel_loop3A_106 = arith.remsi %parallel_loop3A_88, %parallel_loop3A_89 : i32
      %parallel_loop3A_107 = arith.constant 0 : i32
      %parallel_loop3A_108 = arith.cmpi ne, %parallel_loop3A_106, %parallel_loop3A_107 : i32
      %parallel_loop3A_109 = arith.andi %parallel_loop3A_105, %parallel_loop3A_108 : i1
      %parallel_loop3A_110 = arith.constant 1 : i32
      %parallel_loop3A_111 = arith.subi %parallel_loop3A_90, %parallel_loop3A_110 : i32
      %parallel_loop3A_112 = arith.select %parallel_loop3A_109, %parallel_loop3A_111, %parallel_loop3A_90 : i32
      %parallel_loop3A_113 = arith.constant 512 : i32
      %parallel_loop3A_114 = arith.constant 0 : i32
      %parallel_loop3A_115 = arith.cmpi eq, %parallel_loop3A_113, %parallel_loop3A_114 : i32
      %parallel_loop3A_116 = arith.constant 1 : i32
      %parallel_loop3A_117 = arith.select %parallel_loop3A_115, %parallel_loop3A_116, %parallel_loop3A_113 : i32
      %parallel_loop3A_118 = arith.remsi %parallel_loop3A_88, %parallel_loop3A_117 : i32
      %parallel_loop3A_119 = arith.constant 0 : i32
      %parallel_loop3A_120 = arith.cmpi ne, %parallel_loop3A_118, %parallel_loop3A_119 : i32
      %parallel_loop3A_121 = arith.constant 0 : i32
      %parallel_loop3A_122 = arith.cmpi slt, %parallel_loop3A_118, %parallel_loop3A_121 : i32
      %parallel_loop3A_123 = arith.constant 0 : i32
      %parallel_loop3A_124 = arith.cmpi slt, %parallel_loop3A_117, %parallel_loop3A_123 : i32
      %parallel_loop3A_125 = arith.xori %parallel_loop3A_122, %parallel_loop3A_124 : i1
      %parallel_loop3A_126 = arith.andi %parallel_loop3A_125, %parallel_loop3A_120 : i1
      %parallel_loop3A_127 = arith.addi %parallel_loop3A_118, %parallel_loop3A_117 : i32
      %parallel_loop3A_128 = arith.select %parallel_loop3A_126, %parallel_loop3A_127, %parallel_loop3A_118 : i32
      %parallel_loop3A_129 = arith.index_cast %parallel_loop3A_112 : i32 to index
      %parallel_loop3A_130 = arith.index_cast %parallel_loop3A_128 : i32 to index
      %parallel_loop3A_131 = tpu.vector_load %arg6[%parallel_loop3A_129, %parallel_loop3A_130] {strides = array<i32>} : memref<32x512xi32, #tpu.memory_space<vmem>>, vector<16xi32>,
      %parallel_loop3A_132 = arith.constant 0 : i32
      %parallel_loop3A_133 = vector.broadcast %parallel_loop3A_132 : i32 to vector<16xi32>
      %parallel_loop3A_134 = arith.addi %parallel_loop3A_131, %parallel_loop3A_133 : vector<16xi32>
      %parallel_loop3A_135 = tpu.vector_load_idx %arg5[%parallel_loop3A_134] : memref<27648xf32, #tpu.memory_space<vmem>>[vector<16xi32>], vector<16xf32>,
      %parallel_loop3A_136 = arith.constant 512 : i32
      %parallel_loop3A_137 = arith.divsi %parallel_loop3A_86, %parallel_loop3A_136 : i32
      %parallel_loop3A_138 = arith.constant 0 : i32
      %parallel_loop3A_139 = arith.cmpi sgt, %parallel_loop3A_86, %parallel_loop3A_138 : i32
      %parallel_loop3A_140 = arith.extui %parallel_loop3A_139 : i1 to i32
      %parallel_loop3A_141 = arith.constant 0 : i32
      %parallel_loop3A_142 = arith.cmpi slt, %parallel_loop3A_86, %parallel_loop3A_141 : i32
      %parallel_loop3A_143 = arith.extui %parallel_loop3A_142 : i1 to i32
      %parallel_loop3A_144 = arith.subi %parallel_loop3A_140, %parallel_loop3A_143 : i32
      %parallel_loop3A_145 = arith.constant 0 : i32
      %parallel_loop3A_146 = arith.cmpi sgt, %parallel_loop3A_136, %parallel_loop3A_145 : i32
      %parallel_loop3A_147 = arith.extui %parallel_loop3A_146 : i1 to i32
      %parallel_loop3A_148 = arith.constant 0 : i32
      %parallel_loop3A_149 = arith.cmpi slt, %parallel_loop3A_136, %parallel_loop3A_148 : i32
      %parallel_loop3A_150 = arith.extui %parallel_loop3A_149 : i1 to i32
      %parallel_loop3A_151 = arith.subi %parallel_loop3A_147, %parallel_loop3A_150 : i32
      %parallel_loop3A_152 = arith.cmpi ne, %parallel_loop3A_144, %parallel_loop3A_151 : i32
      %parallel_loop3A_153 = arith.remsi %parallel_loop3A_86, %parallel_loop3A_136 : i32
      %parallel_loop3A_154 = arith.constant 0 : i32
      %parallel_loop3A_155 = arith.cmpi ne, %parallel_loop3A_153, %parallel_loop3A_154 : i32
      %parallel_loop3A_156 = arith.andi %parallel_loop3A_152, %parallel_loop3A_155 : i1
      %parallel_loop3A_157 = arith.constant 1 : i32
      %parallel_loop3A_158 = arith.subi %parallel_loop3A_137, %parallel_loop3A_157 : i32
      %parallel_loop3A_159 = arith.select %parallel_loop3A_156, %parallel_loop3A_158, %parallel_loop3A_137 : i32
      %parallel_loop3A_160 = arith.constant 512 : i32
      %parallel_loop3A_161 = arith.constant 0 : i32
      %parallel_loop3A_162 = arith.cmpi eq, %parallel_loop3A_160, %parallel_loop3A_161 : i32
      %parallel_loop3A_163 = arith.constant 1 : i32
      %parallel_loop3A_164 = arith.select %parallel_loop3A_162, %parallel_loop3A_163, %parallel_loop3A_160 : i32
      %parallel_loop3A_165 = arith.remsi %parallel_loop3A_86, %parallel_loop3A_164 : i32
      %parallel_loop3A_166 = arith.constant 0 : i32
      %parallel_loop3A_167 = arith.cmpi ne, %parallel_loop3A_165, %parallel_loop3A_166 : i32
      %parallel_loop3A_168 = arith.constant 0 : i32
      %parallel_loop3A_169 = arith.cmpi slt, %parallel_loop3A_165, %parallel_loop3A_168 : i32
      %parallel_loop3A_170 = arith.constant 0 : i32
      %parallel_loop3A_171 = arith.cmpi slt, %parallel_loop3A_164, %parallel_loop3A_170 : i32
      %parallel_loop3A_172 = arith.xori %parallel_loop3A_169, %parallel_loop3A_171 : i1
      %parallel_loop3A_173 = arith.andi %parallel_loop3A_172, %parallel_loop3A_167 : i1
      %parallel_loop3A_174 = arith.addi %parallel_loop3A_165, %parallel_loop3A_164 : i32
      %parallel_loop3A_175 = arith.select %parallel_loop3A_173, %parallel_loop3A_174, %parallel_loop3A_165 : i32
      %parallel_loop3A_176 = arith.constant 0 : i32
      %parallel_loop3A_177 = arith.index_cast %parallel_loop3A_176 : i32 to index
      %parallel_loop3A_178 = arith.index_cast %parallel_loop3A_159 : i32 to index
      %parallel_loop3A_179 = arith.index_cast %parallel_loop3A_175 : i32 to index
      %parallel_loop3A_180 = tpu.vector_load %arg8[%parallel_loop3A_177, %parallel_loop3A_178, %parallel_loop3A_179] {strides = array<i32>} : memref<8x8x512xf32, #tpu.memory_space<vmem>>, vector<16xf32>,
      tpu.vector_store %arg8[%parallel_loop3A_177, %parallel_loop3A_178, %parallel_loop3A_179], %parallel_loop3A_135 {strides = array<i32>} : memref<8x8x512xf32, #tpu.memory_space<vmem>>, vector<16xf32>,
      %parallel_loop3A_181 = arith.constant 3456 : i32
      %parallel_loop3A_182 = vector.broadcast %parallel_loop3A_181 : i32 to vector<16xi32>
      %parallel_loop3A_183 = arith.addi %parallel_loop3A_131, %parallel_loop3A_182 : vector<16xi32>
      %parallel_loop3A_184 = tpu.vector_load_idx %arg5[%parallel_loop3A_183] : memref<27648xf32, #tpu.memory_space<vmem>>[vector<16xi32>], vector<16xf32>,
      %parallel_loop3A_185 = arith.constant 512 : i32
      %parallel_loop3A_186 = arith.divsi %parallel_loop3A_86, %parallel_loop3A_185 : i32
      %parallel_loop3A_187 = arith.constant 0 : i32
      %parallel_loop3A_188 = arith.cmpi sgt, %parallel_loop3A_86, %parallel_loop3A_187 : i32
      %parallel_loop3A_189 = arith.extui %parallel_loop3A_188 : i1 to i32
      %parallel_loop3A_190 = arith.constant 0 : i32
      %parallel_loop3A_191 = arith.cmpi slt, %parallel_loop3A_86, %parallel_loop3A_190 : i32
      %parallel_loop3A_192 = arith.extui %parallel_loop3A_191 : i1 to i32
      %parallel_loop3A_193 = arith.subi %parallel_loop3A_189, %parallel_loop3A_192 : i32
      %parallel_loop3A_194 = arith.constant 0 : i32
      %parallel_loop3A_195 = arith.cmpi sgt, %parallel_loop3A_185, %parallel_loop3A_194 : i32
      %parallel_loop3A_196 = arith.extui %parallel_loop3A_195 : i1 to i32
      %parallel_loop3A_197 = arith.constant 0 : i32
      %parallel_loop3A_198 = arith.cmpi slt, %parallel_loop3A_185, %parallel_loop3A_197 : i32
      %parallel_loop3A_199 = arith.extui %parallel_loop3A_198 : i1 to i32
      %parallel_loop3A_200 = arith.subi %parallel_loop3A_196, %parallel_loop3A_199 : i32
      %parallel_loop3A_201 = arith.cmpi ne, %parallel_loop3A_193, %parallel_loop3A_200 : i32
      %parallel_loop3A_202 = arith.remsi %parallel_loop3A_86, %parallel_loop3A_185 : i32
      %parallel_loop3A_203 = arith.constant 0 : i32
      %parallel_loop3A_204 = arith.cmpi ne, %parallel_loop3A_202, %parallel_loop3A_203 : i32
      %parallel_loop3A_205 = arith.andi %parallel_loop3A_201, %parallel_loop3A_204 : i1
      %parallel_loop3A_206 = arith.constant 1 : i32
      %parallel_loop3A_207 = arith.subi %parallel_loop3A_186, %parallel_loop3A_206 : i32
      %parallel_loop3A_208 = arith.select %parallel_loop3A_205, %parallel_loop3A_207, %parallel_loop3A_186 : i32
      %parallel_loop3A_209 = arith.constant 512 : i32
      %parallel_loop3A_210 = arith.constant 0 : i32
      %parallel_loop3A_211 = arith.cmpi eq, %parallel_loop3A_209, %parallel_loop3A_210 : i32
      %parallel_loop3A_212 = arith.constant 1 : i32
      %parallel_loop3A_213 = arith.select %parallel_loop3A_211, %parallel_loop3A_212, %parallel_loop3A_209 : i32
      %parallel_loop3A_214 = arith.remsi %parallel_loop3A_86, %parallel_loop3A_213 : i32
      %parallel_loop3A_215 = arith.constant 0 : i32
      %parallel_loop3A_216 = arith.cmpi ne, %parallel_loop3A_214, %parallel_loop3A_215 : i32
      %parallel_loop3A_217 = arith.constant 0 : i32
      %parallel_loop3A_218 = arith.cmpi slt, %parallel_loop3A_214, %parallel_loop3A_217 : i32
      %parallel_loop3A_219 = arith.constant 0 : i32
      %parallel_loop3A_220 = arith.cmpi slt, %parallel_loop3A_213, %parallel_loop3A_219 : i32
      %parallel_loop3A_221 = arith.xori %parallel_loop3A_218, %parallel_loop3A_220 : i1
      %parallel_loop3A_222 = arith.andi %parallel_loop3A_221, %parallel_loop3A_216 : i1
      %parallel_loop3A_223 = arith.addi %parallel_loop3A_214, %parallel_loop3A_213 : i32
      %parallel_loop3A_224 = arith.select %parallel_loop3A_222, %parallel_loop3A_223, %parallel_loop3A_214 : i32
      %parallel_loop3A_225 = arith.constant 1 : i32
      %parallel_loop3A_226 = arith.index_cast %parallel_loop3A_225 : i32 to index
      %parallel_loop3A_227 = arith.index_cast %parallel_loop3A_208 : i32 to index
      %parallel_loop3A_228 = arith.index_cast %parallel_loop3A_224 : i32 to index
      %parallel_loop3A_229 = tpu.vector_load %arg8[%parallel_loop3A_226, %parallel_loop3A_227, %parallel_loop3A_228] {strides = array<i32>} : memref<8x8x512xf32, #tpu.memory_space<vmem>>, vector<16xf32>,
      tpu.vector_store %arg8[%parallel_loop3A_226, %parallel_loop3A_227, %parallel_loop3A_228], %parallel_loop3A_184 {strides = array<i32>} : memref<8x8x512xf32, #tpu.memory_space<vmem>>, vector<16xf32>,
      %parallel_loop3A_230 = arith.constant 6912 : i32
      %parallel_loop3A_231 = vector.broadcast %parallel_loop3A_230 : i32 to vector<16xi32>
      %parallel_loop3A_232 = arith.addi %parallel_loop3A_131, %parallel_loop3A_231 : vector<16xi32>
      %parallel_loop3A_233 = tpu.vector_load_idx %arg5[%parallel_loop3A_232] : memref<27648xf32, #tpu.memory_space<vmem>>[vector<16xi32>], vector<16xf32>,
      %parallel_loop3A_234 = arith.constant 512 : i32
      %parallel_loop3A_235 = arith.divsi %parallel_loop3A_86, %parallel_loop3A_234 : i32
      %parallel_loop3A_236 = arith.constant 0 : i32
      %parallel_loop3A_237 = arith.cmpi sgt, %parallel_loop3A_86, %parallel_loop3A_236 : i32
      %parallel_loop3A_238 = arith.extui %parallel_loop3A_237 : i1 to i32
      %parallel_loop3A_239 = arith.constant 0 : i32
      %parallel_loop3A_240 = arith.cmpi slt, %parallel_loop3A_86, %parallel_loop3A_239 : i32
      %parallel_loop3A_241 = arith.extui %parallel_loop3A_240 : i1 to i32
      %parallel_loop3A_242 = arith.subi %parallel_loop3A_238, %parallel_loop3A_241 : i32
      %parallel_loop3A_243 = arith.constant 0 : i32
      %parallel_loop3A_244 = arith.cmpi sgt, %parallel_loop3A_234, %parallel_loop3A_243 : i32
      %parallel_loop3A_245 = arith.extui %parallel_loop3A_244 : i1 to i32
      %parallel_loop3A_246 = arith.constant 0 : i32
      %parallel_loop3A_247 = arith.cmpi slt, %parallel_loop3A_234, %parallel_loop3A_246 : i32
      %parallel_loop3A_248 = arith.extui %parallel_loop3A_247 : i1 to i32
      %parallel_loop3A_249 = arith.subi %parallel_loop3A_245, %parallel_loop3A_248 : i32
      %parallel_loop3A_250 = arith.cmpi ne, %parallel_loop3A_242, %parallel_loop3A_249 : i32
      %parallel_loop3A_251 = arith.remsi %parallel_loop3A_86, %parallel_loop3A_234 : i32
      %parallel_loop3A_252 = arith.constant 0 : i32
      %parallel_loop3A_253 = arith.cmpi ne, %parallel_loop3A_251, %parallel_loop3A_252 : i32
      %parallel_loop3A_254 = arith.andi %parallel_loop3A_250, %parallel_loop3A_253 : i1
      %parallel_loop3A_255 = arith.constant 1 : i32
      %parallel_loop3A_256 = arith.subi %parallel_loop3A_235, %parallel_loop3A_255 : i32
      %parallel_loop3A_257 = arith.select %parallel_loop3A_254, %parallel_loop3A_256, %parallel_loop3A_235 : i32
      %parallel_loop3A_258 = arith.constant 512 : i32
      %parallel_loop3A_259 = arith.constant 0 : i32
      %parallel_loop3A_260 = arith.cmpi eq, %parallel_loop3A_258, %parallel_loop3A_259 : i32
      %parallel_loop3A_261 = arith.constant 1 : i32
      %parallel_loop3A_262 = arith.select %parallel_loop3A_260, %parallel_loop3A_261, %parallel_loop3A_258 : i32
      %parallel_loop3A_263 = arith.remsi %parallel_loop3A_86, %parallel_loop3A_262 : i32
      %parallel_loop3A_264 = arith.constant 0 : i32
      %parallel_loop3A_265 = arith.cmpi ne, %parallel_loop3A_263, %parallel_loop3A_264 : i32
      %parallel_loop3A_266 = arith.constant 0 : i32
      %parallel_loop3A_267 = arith.cmpi slt, %parallel_loop3A_263, %parallel_loop3A_266 : i32
      %parallel_loop3A_268 = arith.constant 0 : i32
      %parallel_loop3A_269 = arith.cmpi slt, %parallel_loop3A_262, %parallel_loop3A_268 : i32
      %parallel_loop3A_270 = arith.xori %parallel_loop3A_267, %parallel_loop3A_269 : i1
      %parallel_loop3A_271 = arith.andi %parallel_loop3A_270, %parallel_loop3A_265 : i1
      %parallel_loop3A_272 = arith.addi %parallel_loop3A_263, %parallel_loop3A_262 : i32
      %parallel_loop3A_273 = arith.select %parallel_loop3A_271, %parallel_loop3A_272, %parallel_loop3A_263 : i32
      %parallel_loop3A_274 = arith.constant 2 : i32
      %parallel_loop3A_275 = arith.index_cast %parallel_loop3A_274 : i32 to index
      %parallel_loop3A_276 = arith.index_cast %parallel_loop3A_257 : i32 to index
      %parallel_loop3A_277 = arith.index_cast %parallel_loop3A_273 : i32 to index
      %parallel_loop3A_278 = tpu.vector_load %arg8[%parallel_loop3A_275, %parallel_loop3A_276, %parallel_loop3A_277] {strides = array<i32>} : memref<8x8x512xf32, #tpu.memory_space<vmem>>, vector<16xf32>,
      tpu.vector_store %arg8[%parallel_loop3A_275, %parallel_loop3A_276, %parallel_loop3A_277], %parallel_loop3A_233 {strides = array<i32>} : memref<8x8x512xf32, #tpu.memory_space<vmem>>, vector<16xf32>,
      %parallel_loop3A_279 = arith.constant 10368 : i32
      %parallel_loop3A_280 = vector.broadcast %parallel_loop3A_279 : i32 to vector<16xi32>
      %parallel_loop3A_281 = arith.addi %parallel_loop3A_131, %parallel_loop3A_280 : vector<16xi32>
      %parallel_loop3A_282 = tpu.vector_load_idx %arg5[%parallel_loop3A_281] : memref<27648xf32, #tpu.memory_space<vmem>>[vector<16xi32>], vector<16xf32>,
      %parallel_loop3A_283 = arith.constant 512 : i32
      %parallel_loop3A_284 = arith.divsi %parallel_loop3A_86, %parallel_loop3A_283 : i32
      %parallel_loop3A_285 = arith.constant 0 : i32
      %parallel_loop3A_286 = arith.cmpi sgt, %parallel_loop3A_86, %parallel_loop3A_285 : i32
      %parallel_loop3A_287 = arith.extui %parallel_loop3A_286 : i1 to i32
      %parallel_loop3A_288 = arith.constant 0 : i32
      %parallel_loop3A_289 = arith.cmpi slt, %parallel_loop3A_86, %parallel_loop3A_288 : i32
      %parallel_loop3A_290 = arith.extui %parallel_loop3A_289 : i1 to i32
      %parallel_loop3A_291 = arith.subi %parallel_loop3A_287, %parallel_loop3A_290 : i32
      %parallel_loop3A_292 = arith.constant 0 : i32
      %parallel_loop3A_293 = arith.cmpi sgt, %parallel_loop3A_283, %parallel_loop3A_292 : i32
      %parallel_loop3A_294 = arith.extui %parallel_loop3A_293 : i1 to i32
      %parallel_loop3A_295 = arith.constant 0 : i32
      %parallel_loop3A_296 = arith.cmpi slt, %parallel_loop3A_283, %parallel_loop3A_295 : i32
      %parallel_loop3A_297 = arith.extui %parallel_loop3A_296 : i1 to i32
      %parallel_loop3A_298 = arith.subi %parallel_loop3A_294, %parallel_loop3A_297 : i32
      %parallel_loop3A_299 = arith.cmpi ne, %parallel_loop3A_291, %parallel_loop3A_298 : i32
      %parallel_loop3A_300 = arith.remsi %parallel_loop3A_86, %parallel_loop3A_283 : i32
      %parallel_loop3A_301 = arith.constant 0 : i32
      %parallel_loop3A_302 = arith.cmpi ne, %parallel_loop3A_300, %parallel_loop3A_301 : i32
      %parallel_loop3A_303 = arith.andi %parallel_loop3A_299, %parallel_loop3A_302 : i1
      %parallel_loop3A_304 = arith.constant 1 : i32
      %parallel_loop3A_305 = arith.subi %parallel_loop3A_284, %parallel_loop3A_304 : i32
      %parallel_loop3A_306 = arith.select %parallel_loop3A_303, %parallel_loop3A_305, %parallel_loop3A_284 : i32
      %parallel_loop3A_307 = arith.constant 512 : i32
      %parallel_loop3A_308 = arith.constant 0 : i32
      %parallel_loop3A_309 = arith.cmpi eq, %parallel_loop3A_307, %parallel_loop3A_308 : i32
      %parallel_loop3A_310 = arith.constant 1 : i32
      %parallel_loop3A_311 = arith.select %parallel_loop3A_309, %parallel_loop3A_310, %parallel_loop3A_307 : i32
      %parallel_loop3A_312 = arith.remsi %parallel_loop3A_86, %parallel_loop3A_311 : i32
      %parallel_loop3A_313 = arith.constant 0 : i32
      %parallel_loop3A_314 = arith.cmpi ne, %parallel_loop3A_312, %parallel_loop3A_313 : i32
      %parallel_loop3A_315 = arith.constant 0 : i32
      %parallel_loop3A_316 = arith.cmpi slt, %parallel_loop3A_312, %parallel_loop3A_315 : i32
      %parallel_loop3A_317 = arith.constant 0 : i32
      %parallel_loop3A_318 = arith.cmpi slt, %parallel_loop3A_311, %parallel_loop3A_317 : i32
      %parallel_loop3A_319 = arith.xori %parallel_loop3A_316, %parallel_loop3A_318 : i1
      %parallel_loop3A_320 = arith.andi %parallel_loop3A_319, %parallel_loop3A_314 : i1
      %parallel_loop3A_321 = arith.addi %parallel_loop3A_312, %parallel_loop3A_311 : i32
      %parallel_loop3A_322 = arith.select %parallel_loop3A_320, %parallel_loop3A_321, %parallel_loop3A_312 : i32
      %parallel_loop3A_323 = arith.constant 3 : i32
      %parallel_loop3A_324 = arith.index_cast %parallel_loop3A_323 : i32 to index
      %parallel_loop3A_325 = arith.index_cast %parallel_loop3A_306 : i32 to index
      %parallel_loop3A_326 = arith.index_cast %parallel_loop3A_322 : i32 to index
      %parallel_loop3A_327 = tpu.vector_load %arg8[%parallel_loop3A_324, %parallel_loop3A_325, %parallel_loop3A_326] {strides = array<i32>} : memref<8x8x512xf32, #tpu.memory_space<vmem>>, vector<16xf32>,
      tpu.vector_store %arg8[%parallel_loop3A_324, %parallel_loop3A_325, %parallel_loop3A_326], %parallel_loop3A_282 {strides = array<i32>} : memref<8x8x512xf32, #tpu.memory_space<vmem>>, vector<16xf32>,
      %parallel_loop3A_328 = arith.constant 13824 : i32
      %parallel_loop3A_329 = vector.broadcast %parallel_loop3A_328 : i32 to vector<16xi32>
      %parallel_loop3A_330 = arith.addi %parallel_loop3A_131, %parallel_loop3A_329 : vector<16xi32>
      %parallel_loop3A_331 = tpu.vector_load_idx %arg5[%parallel_loop3A_330] : memref<27648xf32, #tpu.memory_space<vmem>>[vector<16xi32>], vector<16xf32>,
      %parallel_loop3A_332 = arith.constant 512 : i32
      %parallel_loop3A_333 = arith.divsi %parallel_loop3A_86, %parallel_loop3A_332 : i32
      %parallel_loop3A_334 = arith.constant 0 : i32
      %parallel_loop3A_335 = arith.cmpi sgt, %parallel_loop3A_86, %parallel_loop3A_334 : i32
      %parallel_loop3A_336 = arith.extui %parallel_loop3A_335 : i1 to i32
      %parallel_loop3A_337 = arith.constant 0 : i32
      %parallel_loop3A_338 = arith.cmpi slt, %parallel_loop3A_86, %parallel_loop3A_337 : i32
      %parallel_loop3A_339 = arith.extui %parallel_loop3A_338 : i1 to i32
      %parallel_loop3A_340 = arith.subi %parallel_loop3A_336, %parallel_loop3A_339 : i32
      %parallel_loop3A_341 = arith.constant 0 : i32
      %parallel_loop3A_342 = arith.cmpi sgt, %parallel_loop3A_332, %parallel_loop3A_341 : i32
      %parallel_loop3A_343 = arith.extui %parallel_loop3A_342 : i1 to i32
      %parallel_loop3A_344 = arith.constant 0 : i32
      %parallel_loop3A_345 = arith.cmpi slt, %parallel_loop3A_332, %parallel_loop3A_344 : i32
      %parallel_loop3A_346 = arith.extui %parallel_loop3A_345 : i1 to i32
      %parallel_loop3A_347 = arith.subi %parallel_loop3A_343, %parallel_loop3A_346 : i32
      %parallel_loop3A_348 = arith.cmpi ne, %parallel_loop3A_340, %parallel_loop3A_347 : i32
      %parallel_loop3A_349 = arith.remsi %parallel_loop3A_86, %parallel_loop3A_332 : i32
      %parallel_loop3A_350 = arith.constant 0 : i32
      %parallel_loop3A_351 = arith.cmpi ne, %parallel_loop3A_349, %parallel_loop3A_350 : i32
      %parallel_loop3A_352 = arith.andi %parallel_loop3A_348, %parallel_loop3A_351 : i1
      %parallel_loop3A_353 = arith.constant 1 : i32
      %parallel_loop3A_354 = arith.subi %parallel_loop3A_333, %parallel_loop3A_353 : i32
      %parallel_loop3A_355 = arith.select %parallel_loop3A_352, %parallel_loop3A_354, %parallel_loop3A_333 : i32
      %parallel_loop3A_356 = arith.constant 512 : i32
      %parallel_loop3A_357 = arith.constant 0 : i32
      %parallel_loop3A_358 = arith.cmpi eq, %parallel_loop3A_356, %parallel_loop3A_357 : i32
      %parallel_loop3A_359 = arith.constant 1 : i32
      %parallel_loop3A_360 = arith.select %parallel_loop3A_358, %parallel_loop3A_359, %parallel_loop3A_356 : i32
      %parallel_loop3A_361 = arith.remsi %parallel_loop3A_86, %parallel_loop3A_360 : i32
      %parallel_loop3A_362 = arith.constant 0 : i32
      %parallel_loop3A_363 = arith.cmpi ne, %parallel_loop3A_361, %parallel_loop3A_362 : i32
      %parallel_loop3A_364 = arith.constant 0 : i32
      %parallel_loop3A_365 = arith.cmpi slt, %parallel_loop3A_361, %parallel_loop3A_364 : i32
      %parallel_loop3A_366 = arith.constant 0 : i32
      %parallel_loop3A_367 = arith.cmpi slt, %parallel_loop3A_360, %parallel_loop3A_366 : i32
      %parallel_loop3A_368 = arith.xori %parallel_loop3A_365, %parallel_loop3A_367 : i1
      %parallel_loop3A_369 = arith.andi %parallel_loop3A_368, %parallel_loop3A_363 : i1
      %parallel_loop3A_370 = arith.addi %parallel_loop3A_361, %parallel_loop3A_360 : i32
      %parallel_loop3A_371 = arith.select %parallel_loop3A_369, %parallel_loop3A_370, %parallel_loop3A_361 : i32
      %parallel_loop3A_372 = arith.constant 4 : i32
      %parallel_loop3A_373 = arith.index_cast %parallel_loop3A_372 : i32 to index
      %parallel_loop3A_374 = arith.index_cast %parallel_loop3A_355 : i32 to index
      %parallel_loop3A_375 = arith.index_cast %parallel_loop3A_371 : i32 to index
      %parallel_loop3A_376 = tpu.vector_load %arg8[%parallel_loop3A_373, %parallel_loop3A_374, %parallel_loop3A_375] {strides = array<i32>} : memref<8x8x512xf32, #tpu.memory_space<vmem>>, vector<16xf32>,
      tpu.vector_store %arg8[%parallel_loop3A_373, %parallel_loop3A_374, %parallel_loop3A_375], %parallel_loop3A_331 {strides = array<i32>} : memref<8x8x512xf32, #tpu.memory_space<vmem>>, vector<16xf32>,
      %parallel_loop3A_377 = arith.constant 17280 : i32
      %parallel_loop3A_378 = vector.broadcast %parallel_loop3A_377 : i32 to vector<16xi32>
      %parallel_loop3A_379 = arith.addi %parallel_loop3A_131, %parallel_loop3A_378 : vector<16xi32>
      %parallel_loop3A_380 = tpu.vector_load_idx %arg5[%parallel_loop3A_379] : memref<27648xf32, #tpu.memory_space<vmem>>[vector<16xi32>], vector<16xf32>,
      %parallel_loop3A_381 = arith.constant 512 : i32
      %parallel_loop3A_382 = arith.divsi %parallel_loop3A_86, %parallel_loop3A_381 : i32
      %parallel_loop3A_383 = arith.constant 0 : i32
      %parallel_loop3A_384 = arith.cmpi sgt, %parallel_loop3A_86, %parallel_loop3A_383 : i32
      %parallel_loop3A_385 = arith.extui %parallel_loop3A_384 : i1 to i32
      %parallel_loop3A_386 = arith.constant 0 : i32
      %parallel_loop3A_387 = arith.cmpi slt, %parallel_loop3A_86, %parallel_loop3A_386 : i32
      %parallel_loop3A_388 = arith.extui %parallel_loop3A_387 : i1 to i32
      %parallel_loop3A_389 = arith.subi %parallel_loop3A_385, %parallel_loop3A_388 : i32
      %parallel_loop3A_390 = arith.constant 0 : i32
      %parallel_loop3A_391 = arith.cmpi sgt, %parallel_loop3A_381, %parallel_loop3A_390 : i32
      %parallel_loop3A_392 = arith.extui %parallel_loop3A_391 : i1 to i32
      %parallel_loop3A_393 = arith.constant 0 : i32
      %parallel_loop3A_394 = arith.cmpi slt, %parallel_loop3A_381, %parallel_loop3A_393 : i32
      %parallel_loop3A_395 = arith.extui %parallel_loop3A_394 : i1 to i32
      %parallel_loop3A_396 = arith.subi %parallel_loop3A_392, %parallel_loop3A_395 : i32
      %parallel_loop3A_397 = arith.cmpi ne, %parallel_loop3A_389, %parallel_loop3A_396 : i32
      %parallel_loop3A_398 = arith.remsi %parallel_loop3A_86, %parallel_loop3A_381 : i32
      %parallel_loop3A_399 = arith.constant 0 : i32
      %parallel_loop3A_400 = arith.cmpi ne, %parallel_loop3A_398, %parallel_loop3A_399 : i32
      %parallel_loop3A_401 = arith.andi %parallel_loop3A_397, %parallel_loop3A_400 : i1
      %parallel_loop3A_402 = arith.constant 1 : i32
      %parallel_loop3A_403 = arith.subi %parallel_loop3A_382, %parallel_loop3A_402 : i32
      %parallel_loop3A_404 = arith.select %parallel_loop3A_401, %parallel_loop3A_403, %parallel_loop3A_382 : i32
      %parallel_loop3A_405 = arith.constant 512 : i32
      %parallel_loop3A_406 = arith.constant 0 : i32
      %parallel_loop3A_407 = arith.cmpi eq, %parallel_loop3A_405, %parallel_loop3A_406 : i32
      %parallel_loop3A_408 = arith.constant 1 : i32
      %parallel_loop3A_409 = arith.select %parallel_loop3A_407, %parallel_loop3A_408, %parallel_loop3A_405 : i32
      %parallel_loop3A_410 = arith.remsi %parallel_loop3A_86, %parallel_loop3A_409 : i32
      %parallel_loop3A_411 = arith.constant 0 : i32
      %parallel_loop3A_412 = arith.cmpi ne, %parallel_loop3A_410, %parallel_loop3A_411 : i32
      %parallel_loop3A_413 = arith.constant 0 : i32
      %parallel_loop3A_414 = arith.cmpi slt, %parallel_loop3A_410, %parallel_loop3A_413 : i32
      %parallel_loop3A_415 = arith.constant 0 : i32
      %parallel_loop3A_416 = arith.cmpi slt, %parallel_loop3A_409, %parallel_loop3A_415 : i32
      %parallel_loop3A_417 = arith.xori %parallel_loop3A_414, %parallel_loop3A_416 : i1
      %parallel_loop3A_418 = arith.andi %parallel_loop3A_417, %parallel_loop3A_412 : i1
      %parallel_loop3A_419 = arith.addi %parallel_loop3A_410, %parallel_loop3A_409 : i32
      %parallel_loop3A_420 = arith.select %parallel_loop3A_418, %parallel_loop3A_419, %parallel_loop3A_410 : i32
      %parallel_loop3A_421 = arith.constant 5 : i32
      %parallel_loop3A_422 = arith.index_cast %parallel_loop3A_421 : i32 to index
      %parallel_loop3A_423 = arith.index_cast %parallel_loop3A_404 : i32 to index
      %parallel_loop3A_424 = arith.index_cast %parallel_loop3A_420 : i32 to index
      %parallel_loop3A_425 = tpu.vector_load %arg8[%parallel_loop3A_422, %parallel_loop3A_423, %parallel_loop3A_424] {strides = array<i32>} : memref<8x8x512xf32, #tpu.memory_space<vmem>>, vector<16xf32>,
      tpu.vector_store %arg8[%parallel_loop3A_422, %parallel_loop3A_423, %parallel_loop3A_424], %parallel_loop3A_380 {strides = array<i32>} : memref<8x8x512xf32, #tpu.memory_space<vmem>>, vector<16xf32>,
      %parallel_loop3A_426 = arith.constant 20736 : i32
      %parallel_loop3A_427 = vector.broadcast %parallel_loop3A_426 : i32 to vector<16xi32>
      %parallel_loop3A_428 = arith.addi %parallel_loop3A_131, %parallel_loop3A_427 : vector<16xi32>
      %parallel_loop3A_429 = tpu.vector_load_idx %arg5[%parallel_loop3A_428] : memref<27648xf32, #tpu.memory_space<vmem>>[vector<16xi32>], vector<16xf32>,
      %parallel_loop3A_430 = arith.constant 512 : i32
      %parallel_loop3A_431 = arith.divsi %parallel_loop3A_86, %parallel_loop3A_430 : i32
      %parallel_loop3A_432 = arith.constant 0 : i32
      %parallel_loop3A_433 = arith.cmpi sgt, %parallel_loop3A_86, %parallel_loop3A_432 : i32
      %parallel_loop3A_434 = arith.extui %parallel_loop3A_433 : i1 to i32
      %parallel_loop3A_435 = arith.constant 0 : i32
      %parallel_loop3A_436 = arith.cmpi slt, %parallel_loop3A_86, %parallel_loop3A_435 : i32
      %parallel_loop3A_437 = arith.extui %parallel_loop3A_436 : i1 to i32
      %parallel_loop3A_438 = arith.subi %parallel_loop3A_434, %parallel_loop3A_437 : i32
      %parallel_loop3A_439 = arith.constant 0 : i32
      %parallel_loop3A_440 = arith.cmpi sgt, %parallel_loop3A_430, %parallel_loop3A_439 : i32
      %parallel_loop3A_441 = arith.extui %parallel_loop3A_440 : i1 to i32
      %parallel_loop3A_442 = arith.constant 0 : i32
      %parallel_loop3A_443 = arith.cmpi slt, %parallel_loop3A_430, %parallel_loop3A_442 : i32
      %parallel_loop3A_444 = arith.extui %parallel_loop3A_443 : i1 to i32
      %parallel_loop3A_445 = arith.subi %parallel_loop3A_441, %parallel_loop3A_444 : i32
      %parallel_loop3A_446 = arith.cmpi ne, %parallel_loop3A_438, %parallel_loop3A_445 : i32
      %parallel_loop3A_447 = arith.remsi %parallel_loop3A_86, %parallel_loop3A_430 : i32
      %parallel_loop3A_448 = arith.constant 0 : i32
      %parallel_loop3A_449 = arith.cmpi ne, %parallel_loop3A_447, %parallel_loop3A_448 : i32
      %parallel_loop3A_450 = arith.andi %parallel_loop3A_446, %parallel_loop3A_449 : i1
      %parallel_loop3A_451 = arith.constant 1 : i32
      %parallel_loop3A_452 = arith.subi %parallel_loop3A_431, %parallel_loop3A_451 : i32
      %parallel_loop3A_453 = arith.select %parallel_loop3A_450, %parallel_loop3A_452, %parallel_loop3A_431 : i32
      %parallel_loop3A_454 = arith.constant 512 : i32
      %parallel_loop3A_455 = arith.constant 0 : i32
      %parallel_loop3A_456 = arith.cmpi eq, %parallel_loop3A_454, %parallel_loop3A_455 : i32
      %parallel_loop3A_457 = arith.constant 1 : i32
      %parallel_loop3A_458 = arith.select %parallel_loop3A_456, %parallel_loop3A_457, %parallel_loop3A_454 : i32
      %parallel_loop3A_459 = arith.remsi %parallel_loop3A_86, %parallel_loop3A_458 : i32
      %parallel_loop3A_460 = arith.constant 0 : i32
      %parallel_loop3A_461 = arith.cmpi ne, %parallel_loop3A_459, %parallel_loop3A_460 : i32
      %parallel_loop3A_462 = arith.constant 0 : i32
      %parallel_loop3A_463 = arith.cmpi slt, %parallel_loop3A_459, %parallel_loop3A_462 : i32
      %parallel_loop3A_464 = arith.constant 0 : i32
      %parallel_loop3A_465 = arith.cmpi slt, %parallel_loop3A_458, %parallel_loop3A_464 : i32
      %parallel_loop3A_466 = arith.xori %parallel_loop3A_463, %parallel_loop3A_465 : i1
      %parallel_loop3A_467 = arith.andi %parallel_loop3A_466, %parallel_loop3A_461 : i1
      %parallel_loop3A_468 = arith.addi %parallel_loop3A_459, %parallel_loop3A_458 : i32
      %parallel_loop3A_469 = arith.select %parallel_loop3A_467, %parallel_loop3A_468, %parallel_loop3A_459 : i32
      %parallel_loop3A_470 = arith.constant 6 : i32
      %parallel_loop3A_471 = arith.index_cast %parallel_loop3A_470 : i32 to index
      %parallel_loop3A_472 = arith.index_cast %parallel_loop3A_453 : i32 to index
      %parallel_loop3A_473 = arith.index_cast %parallel_loop3A_469 : i32 to index
      %parallel_loop3A_474 = tpu.vector_load %arg8[%parallel_loop3A_471, %parallel_loop3A_472, %parallel_loop3A_473] {strides = array<i32>} : memref<8x8x512xf32, #tpu.memory_space<vmem>>, vector<16xf32>,
      tpu.vector_store %arg8[%parallel_loop3A_471, %parallel_loop3A_472, %parallel_loop3A_473], %parallel_loop3A_429 {strides = array<i32>} : memref<8x8x512xf32, #tpu.memory_space<vmem>>, vector<16xf32>,
      %parallel_loop3A_475 = arith.constant 24192 : i32
      %parallel_loop3A_476 = vector.broadcast %parallel_loop3A_475 : i32 to vector<16xi32>
      %parallel_loop3A_477 = arith.addi %parallel_loop3A_131, %parallel_loop3A_476 : vector<16xi32>
      %parallel_loop3A_478 = tpu.vector_load_idx %arg5[%parallel_loop3A_477] : memref<27648xf32, #tpu.memory_space<vmem>>[vector<16xi32>], vector<16xf32>,
      %parallel_loop3A_479 = arith.constant 512 : i32
      %parallel_loop3A_480 = arith.divsi %parallel_loop3A_86, %parallel_loop3A_479 : i32
      %parallel_loop3A_481 = arith.constant 0 : i32
      %parallel_loop3A_482 = arith.cmpi sgt, %parallel_loop3A_86, %parallel_loop3A_481 : i32
      %parallel_loop3A_483 = arith.extui %parallel_loop3A_482 : i1 to i32
      %parallel_loop3A_484 = arith.constant 0 : i32
      %parallel_loop3A_485 = arith.cmpi slt, %parallel_loop3A_86, %parallel_loop3A_484 : i32
      %parallel_loop3A_486 = arith.extui %parallel_loop3A_485 : i1 to i32
      %parallel_loop3A_487 = arith.subi %parallel_loop3A_483, %parallel_loop3A_486 : i32
      %parallel_loop3A_488 = arith.constant 0 : i32
      %parallel_loop3A_489 = arith.cmpi sgt, %parallel_loop3A_479, %parallel_loop3A_488 : i32
      %parallel_loop3A_490 = arith.extui %parallel_loop3A_489 : i1 to i32
      %parallel_loop3A_491 = arith.constant 0 : i32
      %parallel_loop3A_492 = arith.cmpi slt, %parallel_loop3A_479, %parallel_loop3A_491 : i32
      %parallel_loop3A_493 = arith.extui %parallel_loop3A_492 : i1 to i32
      %parallel_loop3A_494 = arith.subi %parallel_loop3A_490, %parallel_loop3A_493 : i32
      %parallel_loop3A_495 = arith.cmpi ne, %parallel_loop3A_487, %parallel_loop3A_494 : i32
      %parallel_loop3A_496 = arith.remsi %parallel_loop3A_86, %parallel_loop3A_479 : i32
      %parallel_loop3A_497 = arith.constant 0 : i32
      %parallel_loop3A_498 = arith.cmpi ne, %parallel_loop3A_496, %parallel_loop3A_497 : i32
      %parallel_loop3A_499 = arith.andi %parallel_loop3A_495, %parallel_loop3A_498 : i1
      %parallel_loop3A_500 = arith.constant 1 : i32
      %parallel_loop3A_501 = arith.subi %parallel_loop3A_480, %parallel_loop3A_500 : i32
      %parallel_loop3A_502 = arith.select %parallel_loop3A_499, %parallel_loop3A_501, %parallel_loop3A_480 : i32
      %parallel_loop3A_503 = arith.constant 512 : i32
      %parallel_loop3A_504 = arith.constant 0 : i32
      %parallel_loop3A_505 = arith.cmpi eq, %parallel_loop3A_503, %parallel_loop3A_504 : i32
      %parallel_loop3A_506 = arith.constant 1 : i32
      %parallel_loop3A_507 = arith.select %parallel_loop3A_505, %parallel_loop3A_506, %parallel_loop3A_503 : i32
      %parallel_loop3A_508 = arith.remsi %parallel_loop3A_86, %parallel_loop3A_507 : i32
      %parallel_loop3A_509 = arith.constant 0 : i32
      %parallel_loop3A_510 = arith.cmpi ne, %parallel_loop3A_508, %parallel_loop3A_509 : i32
      %parallel_loop3A_511 = arith.constant 0 : i32
      %parallel_loop3A_512 = arith.cmpi slt, %parallel_loop3A_508, %parallel_loop3A_511 : i32
      %parallel_loop3A_513 = arith.constant 0 : i32
      %parallel_loop3A_514 = arith.cmpi slt, %parallel_loop3A_507, %parallel_loop3A_513 : i32
      %parallel_loop3A_515 = arith.xori %parallel_loop3A_512, %parallel_loop3A_514 : i1
      %parallel_loop3A_516 = arith.andi %parallel_loop3A_515, %parallel_loop3A_510 : i1
      %parallel_loop3A_517 = arith.addi %parallel_loop3A_508, %parallel_loop3A_507 : i32
      %parallel_loop3A_518 = arith.select %parallel_loop3A_516, %parallel_loop3A_517, %parallel_loop3A_508 : i32
      %parallel_loop3A_519 = arith.constant 7 : i32
      %parallel_loop3A_520 = arith.index_cast %parallel_loop3A_519 : i32 to index
      %parallel_loop3A_521 = arith.index_cast %parallel_loop3A_502 : i32 to index
      %parallel_loop3A_522 = arith.index_cast %parallel_loop3A_518 : i32 to index
      %parallel_loop3A_523 = tpu.vector_load %arg8[%parallel_loop3A_520, %parallel_loop3A_521, %parallel_loop3A_522] {strides = array<i32>} : memref<8x8x512xf32, #tpu.memory_space<vmem>>, vector<16xf32>,
      tpu.vector_store %arg8[%parallel_loop3A_520, %parallel_loop3A_521, %parallel_loop3A_522], %parallel_loop3A_478 {strides = array<i32>} : memref<8x8x512xf32, #tpu.memory_space<vmem>>, vector<16xf32>,
    } {sc.loop_unroll_factor = 8 : i64, sc.parallel_access}
    %add3A_72 = arith.constant 24 : i32
    %add3A_73 = arith.addi %mul3A_34, %add3A_72 : i32
    %dma_start3A_74 = arith.constant 0 : i32
    %dma_start3A_75 = tpu.memref_slice %arg4[%mul3A_18, %add3A_73, %dma_start3A_74] : memref<16x512x512xf32, #tpu.memory_space<hbm>> -> memref<8x8x512xf32, #tpu.memory_space<hbm>>
    %dma_start3A_76 = arith.constant 0 : i32
    %dma_start3A_77 = tpu.memref_slice %arg4[%mul3A_18, %add3A_73, %dma_start3A_76] : memref<16x512x512xf32, #tpu.memory_space<hbm>> -> memref<8x8x512xf32, #tpu.memory_space<hbm>>
    tpu.enqueue_dma source(%arg8 : memref<8x8x512xf32, #tpu.memory_space<vmem>>) target(%dma_start3A_77 : memref<8x8x512xf32, #tpu.memory_space<hbm>>) target_semaphore(%arg10 : memref<!tpu.dma_semaphore, #tpu.memory_space<semaphore_mem>>)
    %dma_wait3A_78 = arith.constant 0 : i32
    %dma_wait3A_79 = tpu.memref_slice %arg4[%mul3A_18, %add3A_60, %dma_wait3A_78] : memref<16x512x512xf32, #tpu.memory_space<hbm>> -> memref<8x8x512xf32, #tpu.memory_space<hbm>>
    %dma_wait3A_80 = arith.constant 0 : i32
    %dma_wait3A_81 = tpu.memref_slice %arg4[%mul3A_18, %add3A_60, %dma_wait3A_80] : memref<16x512x512xf32, #tpu.memory_space<hbm>> -> memref<8x8x512xf32, #tpu.memory_space<hbm>>
    tpu.wait_dma2 semaphore(%arg9 : memref<!tpu.dma_semaphore, #tpu.memory_space<semaphore_mem>>) src(%arg7 : memref<8x8x512xf32, #tpu.memory_space<vmem>>) dst(%dma_wait3A_81 : memref<8x8x512xf32, #tpu.memory_space<hbm>>)
    %dma_wait3A_82 = arith.constant 0 : i32
    %dma_wait3A_83 = tpu.memref_slice %arg4[%mul3A_18, %add3A_73, %dma_wait3A_82] : memref<16x512x512xf32, #tpu.memory_space<hbm>> -> memref<8x8x512xf32, #tpu.memory_space<hbm>>
    %dma_wait3A_84 = arith.constant 0 : i32
    %dma_wait3A_85 = tpu.memref_slice %arg4[%mul3A_18, %add3A_73, %dma_wait3A_84] : memref<16x512x512xf32, #tpu.memory_space<hbm>> -> memref<8x8x512xf32, #tpu.memory_space<hbm>>
    tpu.wait_dma2 semaphore(%arg10 : memref<!tpu.dma_semaphore, #tpu.memory_space<semaphore_mem>>) src(%arg8 : memref<8x8x512xf32, #tpu.memory_space<vmem>>) dst(%dma_wait3A_85 : memref<8x8x512xf32, #tpu.memory_space<hbm>>)
    return
  }
}

module attributes {stable_mosaic.version = 14 : i64} {
  func.func @_mlp_body(%arg0: memref<8x3456xf32, #tpu.memory_space<vmem>>, %arg1: memref<512x8xf32, #tpu.memory_space<vmem>>, %arg2: memref<512x1xf32, #tpu.memory_space<vmem>>, %arg3: memref<16x512xf32, #tpu.memory_space<vmem>>, %arg4: memref<16x3456xf32, #tpu.memory_space<vmem>>) attributes {dimension_semantics = [], scalar_prefetch = 0 : i64, scratch_operands = 0 : i64, tpu.core_type = #tpu.core_type<tc>} {
    %get3A = arith.constant 0 : index
    %get3A_0 = arith.constant 0 : index
    %get3A_1 = vector.load %arg1[%get3A, %get3A_0] : memref<512x8xf32, #tpu.memory_space<vmem>>, vector<512x8xf32>
    %get3A_2 = arith.constant 0 : index
    %get3A_3 = arith.constant 0 : index
    %get3A_4 = vector.load %arg0[%get3A_2, %get3A_3] : memref<8x3456xf32, #tpu.memory_space<vmem>>, vector<8x3456xf32>
    %dot_general3A = arith.constant dense<0.000000e+00> : vector<512x3456xf32>
    %dot_general3A_5 = tpu.matmul %get3A_1, %get3A_4, %dot_general3A {dimension_numbers = #tpu.dot_dimension_numbers<[1], [0], [0], [1], [0, 0, 1, 1], [], []>, transpose_lhs_hint = false} : vector<512x8xf32>, vector<8x3456xf32>, vector<512x3456xf32> -> vector<512x3456xf32>
    %get3A_6 = arith.constant 0 : index
    %get3A_7 = arith.constant 0 : index
    %get3A_8 = vector.load %arg2[%get3A_6, %get3A_7] : memref<512x1xf32, #tpu.memory_space<vmem>>, vector<512x1xf32>
    %add3A = vector.broadcast %get3A_8 : vector<512x1xf32> to vector<512x3456xf32>
    %add3A_9 = arith.addf %dot_general3A_5, %add3A : vector<512x3456xf32>
    %max3A = arith.constant 0.000000e+00 : f32
    %max3A_10 = vector.broadcast %max3A : f32 to vector<512x3456xf32>
    %max3A_11 = arith.maximumf %add3A_9, %max3A_10 : vector<512x3456xf32>
    %get3A_12 = arith.constant 0 : index
    %get3A_13 = arith.constant 0 : index
    %get3A_14 = vector.load %arg3[%get3A_12, %get3A_13] : memref<16x512xf32, #tpu.memory_space<vmem>>, vector<16x512xf32>
    %dot_general3A_15 = arith.constant dense<0.000000e+00> : vector<16x3456xf32>
    %dot_general3A_16 = tpu.matmul %get3A_14, %max3A_11, %dot_general3A_15 {dimension_numbers = #tpu.dot_dimension_numbers<[1], [0], [0], [1], [0, 0, 1, 1], [], []>, transpose_lhs_hint = false} : vector<16x512xf32>, vector<512x3456xf32>, vector<16x3456xf32> -> vector<16x3456xf32>
    %neg3A = arith.constant 0.000000e+00 : f32
    %neg3A_17 = vector.broadcast %neg3A : f32 to vector<16x3456xf32>
    %neg3A_18 = arith.subf %neg3A_17, %dot_general3A_16 : vector<16x3456xf32>
    %exp3A = math.exp %neg3A_18 : vector<16x3456xf32>
    %add3A_19 = arith.constant 1.000000e+00 : f32
    %add3A_20 = vector.broadcast %add3A_19 : f32 to vector<16x3456xf32>
    %add3A_21 = arith.addf %add3A_20, %exp3A : vector<16x3456xf32>
    %div3A = arith.constant 1.600000e+01 : f32
    %div3A_22 = vector.broadcast %div3A : f32 to vector<16x3456xf32>
    %div3A_23 = arith.divf %div3A_22, %add3A_21 : vector<16x3456xf32>
    %swap3A = arith.constant 0 : index
    %swap3A_24 = arith.constant 0 : index
    %swap3A_25 = vector.load %arg4[%swap3A, %swap3A_24] : memref<16x3456xf32, #tpu.memory_space<vmem>>, vector<16x3456xf32>
    tpu.vector_store %arg4[%swap3A, %swap3A_24], %div3A_23 {strides = array<i32>} : memref<16x3456xf32, #tpu.memory_space<vmem>>, vector<16x3456xf32>,
    return
  }
}

module attributes {stable_mosaic.version = 14 : i64} {
  func.func @_add_body(%arg0: i32, %arg1: i32, %arg2: memref<1x8x512x512xf32, #tpu.memory_space<vmem>>, %arg3: memref<8x512x512xf32, #tpu.memory_space<vmem>>, %arg4: memref<1x8x512x512xf32, #tpu.memory_space<vmem>>) attributes {dimension_semantics = [#tpu.dimension_semantics<arbitrary>, #tpu.dimension_semantics<arbitrary>], iteration_bounds = array<i64: 2, 16>, scalar_prefetch = 0 : i64, scratch_operands = 0 : i64, tpu.core_type = #tpu.core_type<tc>, window_params = [{transform_indices = @transform_0, window_bounds = array<i64: 1, 8, 512, 512>}, {transform_indices = @transform_1, window_bounds = array<i64: 8, 512, 512>}, {transform_indices = @transform_2, window_bounds = array<i64: 1, 8, 512, 512>}]} {
    %get3A = arith.constant 0 : index
    %get3A_0 = arith.constant 0 : index
    %get3A_1 = arith.constant 0 : index
    %get3A_2 = arith.constant 0 : index
    %get3A_3 = vector.load %arg2[%get3A, %get3A_0, %get3A_1, %get3A_2] : memref<1x8x512x512xf32, #tpu.memory_space<vmem>>, vector<1x8x512x512xf32>
    %get3A_4 = arith.constant 0 : index
    %get3A_5 = arith.constant 0 : index
    %get3A_6 = arith.constant 0 : index
    %get3A_7 = vector.load %arg3[%get3A_4, %get3A_5, %get3A_6] : memref<8x512x512xf32, #tpu.memory_space<vmem>>, vector<8x512x512xf32>
    %broadcast_in_dim3A = vector.shape_cast %get3A_7 : vector<8x512x512xf32> to vector<1x8x512x512xf32>
    %add3A = arith.addf %get3A_3, %broadcast_in_dim3A : vector<1x8x512x512xf32>
    %swap3A = arith.constant 0 : index
    %swap3A_8 = arith.constant 0 : index
    %swap3A_9 = arith.constant 0 : index
    %swap3A_10 = arith.constant 0 : index
    %swap3A_11 = vector.load %arg4[%swap3A, %swap3A_8, %swap3A_9, %swap3A_10] : memref<1x8x512x512xf32, #tpu.memory_space<vmem>>, vector<1x8x512x512xf32>
    tpu.vector_store %arg4[%swap3A, %swap3A_8, %swap3A_9, %swap3A_10], %add3A {strides = array<i32>} : memref<1x8x512x512xf32, #tpu.memory_space<vmem>>, vector<1x8x512x512xf32>,
    return
  }
  func.func @transform_0(%arg0: i32, %arg1: i32) -> (i32, i32, i32, i32) {
    %c0_i32 = arith.constant 0 : i32
    %c0_i32_0 = arith.constant 0 : i32
    %c0_i32_1 = arith.constant 0 : i32
    return %arg1, %arg0, %c0_i32, %c0_i32_0 : i32, i32, i32, i32
  }
  func.func @transform_1(%arg0: i32, %arg1: i32) -> (i32, i32, i32) {
    %c0_i32 = arith.constant 0 : i32
    %c0_i32_0 = arith.constant 0 : i32
    %c0_i32_1 = arith.constant 0 : i32
    return %arg0, %c0_i32, %c0_i32_0 : i32, i32, i32
  }
  func.func @transform_2(%arg0: i32, %arg1: i32) -> (i32, i32, i32, i32) {
    %c0_i32 = arith.constant 0 : i32
    %c0_i32_0 = arith.constant 0 : i32
    %c0_i32_1 = arith.constant 0 : i32
    return %arg1, %arg0, %c0_i32, %c0_i32_0 : i32, i32, i32, i32
  }
}

</mosaic_0001>

<sc_bundles>
// kernel: kernel.5.cloned.1.call-start
scs
__scs_entry_jumppad:
0x0: {  	(pc) =	sbr.rel $0x88, $3  }
0x1: {  	(tag) =	ssettag $0x0;
	lr =	simm.s32 $0x1  }
0x2: {  	[smem:$0x3F9B] =	sst lr;
	_ =	strace $0xD0000000  }
0x3: {  	_ = 	snop  }
0x4: {  	_ = 	snop  }
0x5: {  	_ = 	snop  }
0x6: {  	_ = 	snop  }
0x7: {  	_ = 	snop  }
__scs_overlays_trampoline_lowered:
0x8: {  	[smem:$0x3FAA] =	sst s0  }
0x9: {  	[smem:$0x3FAB] =	sst s1  }
0xa: {  	[smem:$0x3FAC] =	sst s2  }
0xb: {  	[smem:$0x3FAD] =	sst s3  }
0xc: {  	[smem:$0x3FAE] =	sst s4  }
0xd: {  	[smem:$0x3FAF] =	sst s5  }
0xe: {  	[smem:$0x3FB0] =	sst s6  }
0xf: {  	[smem:$0x3FB1] =	sst s7  }
0x10: {  	[smem:$0x3FB2] =	sst s8  }
0x11: {  	[smem:$0x3FB3] =	sst s9;
	s0 =	simm.s32 @!p0 $0x0  }
0x12: {  	s1 =	sld [smem:$0x3F99];
	s0 =	simm.s32 @p0 $0x1  }
0x13: {  	[smem:$0x3FB4] =	sst s0;
	s0 =	simm.s32 @!p1 $0x0  }
0x14: {  	s2 =	sld [smem:$0x3F98];
	s0 =	simm.s32 @p1 $0x1  }
0x15: {  	[smem:$0x3FB5] =	sst s0;
	s0 =	simm.s32 @!p2 $0x0  }
0x16: {  	s3 =	sld [smem:$0x3FDB];
	s0 =	simm.s32 @p2 $0x1  }
0x17: {  	s4 =	simm.s32 $0x1BF5;
	[smem:$0x3FB7] =	sst s0  }
0x18: {  	s0 =	sld [smem:$0x3F9A];
	_ =	swait.ge [sflag:s4], $0x0  }
0x19: {  	s7 =	sld [smem:$0x3F9B]  }
0x1a: {  	s8 =	sadd.s32 $0xFFFFE003, lr  }
0x1b: {  	s9 =	sadd.s32 $0xFFFFFEF7, lr;
	s5 =	simm.s32 $0xFFFFFFFF;
	p2 =	slt.u32 s8, $0xFFFFF086  }
0x1c: {  	p1 =	slt.u32 s9, $0xF7A;
	s5 =	simm.s32 @!p2 $0x0  }
0x1d: {  	s5 =	simm.s32 @p1 $0x1;
	p0 =	seq.s32 s7, s2  }
0x1e: {  	s7 =	smul.u32 @!p0 $0xF7A, s2;
	p2 =	seq.s32 @!p0 s5, $0x0  }
0x1f: {  	s9 =	smul.u32 $0xF7A, s1;
	s8 =	simm.s32 @!p0 $0x1BF5;
	p2 =	por !p2, p0  }
0x20: {  	[sflag:s8] =	ssyncset.s32 @!p0 $0xFFFFF086;
	s6 =	sadd.s32 @!p0 s3, s7;
	s7 =	simm.s32 @!p0 $0x108  }
0x21: {  	s3 =	sadd.s32 s3, s9;
	s6 =	sadd.s32 @!p0 $0x88, s6;
	s7 =	simm.s32 @p2 $0x1082  }
0x22: {  	[simem:s7], [sflag:s8] =	dma.local @!p0 [hbm:s6], $0xF7A  }
0x23: {  	s9 =	sor.u32 $0xD0000000, s2;
	s6 =	simm.s32 $0x108;
	_ =	swait.ge @!p0 [sflag:s8], $0x0  }
0x24: {  	s3 =	sadd.s32 $0x88, s3;
	s6 =	simm.s32 @!p1 $0x1082;
	[sflag:s4] =	ssyncset.s32 $0xFFFFF086  }
0x25: {  	[simem:s6], [sflag:s4] =	dma.local [hbm:s3], $0xF7A  }
0x26: {  	[smem:$0x3F9B] =	sst s1;
	(tag) =	ssettag s2;
	_ =	strace s9  }
0x27: {  	s1 =	sld [smem:$0x3FAB]  }
0x28: {  	s2 =	sld [smem:$0x3FAC]  }
0x29: {  	s4 =	sld [smem:$0x3FAE]  }
0x2a: {  	p0 =	seq.s32 s5, $0x0;
	s5 =	sld [smem:$0x3FAF]  }
0x2b: {  	s6 =	sld [smem:$0x3FB0]  }
0x2c: {  	s7 =	sld [smem:$0x3FB1]  }
0x2d: {  	s3 =	simm.s32 $0x108;
	s8 =	sld [smem:$0x3FB2]  }
0x2e: {  	s3 =	simm.s32 @!p0 $0x1082;
	s9 =	sld [smem:$0x3FB3]  }
0x2f: {  	lr =	sadd.s32 s0, s3;
	s0 =	sld [smem:$0x3FAA]  }
0x30: {  	s3 =	sld [smem:$0x3FAD]  }
0x31: {  	[smem:$0x3FB6] =	sst s10  }
0x32: {  	s10 =	sld [smem:$0x3FB4];
	_ =	sdelay $0x3  }
0x33: {  	p0 =	seq.s32 s10, $0x1;
	s10 =	sld [smem:$0x3FB6];
	_ =	sdelay $0x3  }
0x34: {  	[smem:$0x3FB6] =	sst s10  }
0x35: {  	s10 =	sld [smem:$0x3FB5];
	_ =	sdelay $0x3  }
0x36: {  	p1 =	seq.s32 s10, $0x1;
	s10 =	sld [smem:$0x3FB6];
	_ =	sdelay $0x3  }
0x37: {  	[smem:$0x3FB6] =	sst s10  }
0x38: {  	s10 =	sld [smem:$0x3FB7]  }
0x39: {  	_ = 	snop;
	(pc) =	sbr.ind lr, $3  }
0x3a: {  	_ = 	snop  }
0x3b: {  	_ = 	snop  }
0x3c: {  	p2 =	seq.s32 s10, $0x1;
	s10 =	sld [smem:$0x3FB6]  }
0x3d: {  	_ =	shalt  }
0x3e: {  	_ =	shalt  }
0x3f: {  	_ =	shalt  }
0x40: {  	_ =	shalt  }
0x41: {  	_ =	shalt  }
0x42: {  	_ =	shalt  }
0x43: {  	_ =	shalt  }
0x44: {  	_ =	shalt  }
0x45: {  	_ =	shalt  }
0x46: {  	_ =	shalt  }
0x47: {  	_ =	shalt  }
0x48: {  	_ =	shalt  }
0x49: {  	_ =	shalt  }
0x4a: {  	_ =	shalt  }
0x4b: {  	_ =	shalt  }
0x4c: {  	_ =	shalt  }
0x4d: {  	_ =	shalt  }
0x4e: {  	_ =	shalt  }
0x4f: {  	_ =	shalt  }
0x50: {  	_ =	shalt  }
0x51: {  	_ =	shalt  }
0x52: {  	_ =	shalt  }
0x53: {  	_ =	shalt  }
0x54: {  	_ =	shalt  }
0x55: {  	_ =	shalt  }
0x56: {  	_ =	shalt  }
0x57: {  	_ =	shalt  }
0x58: {  	_ =	shalt  }
0x59: {  	_ =	shalt  }
0x5a: {  	_ =	shalt  }
0x5b: {  	_ =	shalt  }
0x5c: {  	_ =	shalt  }
0x5d: {  	_ =	shalt  }
0x5e: {  	_ =	shalt  }
0x5f: {  	_ =	shalt  }
0x60: {  	_ =	shalt  }
0x61: {  	_ =	shalt  }
0x62: {  	_ =	shalt  }
0x63: {  	_ =	shalt  }
0x64: {  	_ =	shalt  }
0x65: {  	_ =	shalt  }
0x66: {  	_ =	shalt  }
0x67: {  	_ =	shalt  }
0x68: {  	_ =	shalt  }
0x69: {  	_ =	shalt  }
0x6a: {  	_ =	shalt  }
0x6b: {  	_ =	shalt  }
0x6c: {  	_ =	shalt  }
0x6d: {  	_ =	shalt  }
0x6e: {  	_ =	shalt  }
0x6f: {  	_ =	shalt  }
0x70: {  	_ =	shalt  }
0x71: {  	_ =	shalt  }
0x72: {  	_ =	shalt  }
0x73: {  	_ =	shalt  }
0x74: {  	_ =	shalt  }
0x75: {  	_ =	shalt  }
0x76: {  	_ =	shalt  }
0x77: {  	_ =	shalt  }
0x78: {  	_ =	shalt  }
0x79: {  	_ =	shalt  }
0x7a: {  	_ =	shalt  }
0x7b: {  	_ =	shalt  }
0x7c: {  	_ =	shalt  }
0x7d: {  	_ =	shalt  }
0x7e: {  	_ =	shalt  }
0x7f: {  	_ =	shalt  }
0x80: {  	_ =	shalt  }
0x81: {  	_ =	shalt  }
0x82: {  	_ =	shalt  }
0x83: {  	_ =	shalt  }
0x84: {  	_ =	shalt  }
0x85: {  	_ =	shalt  }
0x86: {  	_ =	shalt  }
0x87: {  	_ =	shalt  }
.Lfunc_end0:
.L_simem_size_0:
called_computation_lowered:
.L_overlay_start_0:
0x88: {  	s2 =	sld [smem:$0x3FD9]  }
0x89: {  	s3 =	sld [smem:$0x3FFE];
	_ =	sdelay $0x1  }
0x8a: {  	s1 =	srdreg.scid  }
0x8b: {  	s0 =	sand.u32 $0x1, s1  }
0x8c: {  	s17 =	sshll.u32 s0, $0xA;
	s2 =	sadd.s32 s3, s2  }
0x8d: {  	s2 =	sadd.s32 s2, s17  }
0x8e: {  	[smem:$0x3FC2] =	sst s2  }
0x8f: {  	_ = 	snop  }
0x90: {  	s2 =	sld [smem:$0x3FC4]  }
0x91: {  	s18 =	sld [smem:$0x3FD0];
	(tm) =	ssettm $0x1  }
0x92: {  	s4 =	sld [smem:$0x3FFB];
	_ =	sdelay $0x3  }
0x93: {  	_ =	strace s4  }
0x94: {  	s4 =	sld [smem:$0x3FFC];
	_ =	sdelay $0x3  }
0x95: {  	_ =	strace s4  }
0x96: {  	s4 =	sld [smem:$0x3FFD];
	_ =	sdelay $0x3  }
0x97: {  	_ =	strace s4  }
0x98: {  	_ =	strace $0x8FFFFFFF  }
0x99: {  	s19 =	sld [smem:$0x3FDB];
	_ =	sdelay $0x1  }
0x9a: {  	s5 =	simm.s32 $_scs_section_size  }
0x9b: {  	s6 =	simm.s32 $_size__tile_overlayer_lowered;
	s7 =	simm.s32 $_tile_overlayer_lowered  }
0x9c: {  	s22 =	simm.s32 $0x1BFF;
	s21 =	sshll.u32 s7, $0x1;
	s4 =	sadd.s32 s5, s19  }
0x9d: {  	s8 =	simm.s32 $0x0;
	s20 =	sshll.u32 s6, $0x1;
	s6 =	sadd.s32 s21, s4  }
0x9e: {  	[timem:s8], [sflag:s22] =	dma.local [hbm:s6], s20  }
0x9f: {  	_ =	swait.ge [sflag:s22], s20  }
0xa0: {  	s5 =	ssub.s32 $0x0, s20;
	[sflag:s22] =	ssyncset.done $0x0  }
0xa1: {  	[sflag:s22] =	ssyncadd.s32 s5;
	_ =	sdelay $0x1  }
0xa2: {  	s23 =	simm.s32 $0x1B8B  }
0xa3: {  	_ =	swait.ge [sflag:s23], $0x1  }
0xa4: {  	[sflag:s23] =	ssyncset.done $0x0  }
0xa5: {  	s25 =	simm.s32 $0x1B8E;
	s24 =	sld [smem:$0x3FFE];
	[sflag:s23] =	ssyncadd.s32 $0xFFFFFFFF  }
0xa6: {  	s26 =	simm.s32 $execute0_lowered;
	[smem:$0x3FD2] =	sst s25  }
0xa7: {  	s6 =	sshll.u32 s26, $0x1;
	_ =	strace $0x80000046;
	[dreg:$0x1] =	wrdreg $0xFFFFFFFF  }
0xa8: {  	s28 =	simm.s32 $_size_execute0_lowered;
	s4 =	sadd.s32 s4, s6;
	[dreg:$0x0] =	wrdreg $0x0  }
0xa9: {  	s6 =	sshll.u32 s28, $0x1;
	[dreg:$0x2] =	wrdreg s4  }
0xaa: {  	[dreg:$0x3] =	wrdreg s6  }
0xab: {  	[dreg:$0x4] =	wrdreg $0xC0  }
0xac: {  	_ =	task [dreg:s8], $0x5FFFF  }
0xad: {  	[dreg:$0x1] =	wrdreg $0xFFFFFFFF  }
0xae: {  	[dreg:$0x0] =	wrdreg $0x60  }
0xaf: {  	[dreg:$0x2] =	wrdreg s24  }
0xb0: {  	[dreg:$0x3] =	wrdreg s2  }
0xb1: {  	[dreg:$0x4] =	wrdreg s18  }
0xb2: {  	[dreg:$0x5] =	wrdreg $0x9  }
0xb3: {  	_ =	task.clear_ibuf [dreg:s8], $0x6FFFF;
	_ =	strace $0x90000046  }
0xb4: {  	s29 =	simm.s32 $0x9;
	_ =	strace $0x80000048  }
0xb5: {  	_ =	swait.ge [sflag:s29], $0x1  }
0xb6: {  	[sflag:s29] =	ssyncadd.s32 $0xFFFFFFFF  }
0xb7: {  	_ =	strace $0x90000048  }
0xb8: {  	_ =	sfence  }
0xb9: {  	s30 =	sld [smem:$0x0];
	_ =	sdelay $0x2  }
0xba: {  	s31 =	sshll.u32 s1, $0xD;
	s1 =	sshrl.u32 s1, $0x2  }
0xbb: {  	s3 =	sand.u32 $0x4000, s31;
	s1 =	sadd.s32 s1, s30  }
0xbc: {  	s0 =	sor.u32 s3, s0;
	s1 =	sshll.u32 s1, $0x11  }
0xbd: {  	s0 =	sor.u32 s1, s0  }
0xbe: {  	s0 =	sadd.s32 $0x8F2B, s0  }
0xbf: {  	[sflag:s0] =	ssyncadd.remote.s32 $0x1  }
0xc0: {  	_ =	sfence.sel $0xFFFF  }
0xc1: {  	[dreg:$0x0] =	wrdreg $0xFFFFFFFF;
	(pc) =	sbr.abs _section_cstart, $3  }
0xc2: {  	[dreg:$0x1] =	wrdreg $0xFFFFFFFF  }
0xc3: {  	_ =	task.clear_ibuf [dreg:s8], $0x2FFFF;
	_ =	strace $0x9FFFFFFF  }
0xc4: {  	(tm) =	ssettm $0x7FFFFFFF  }
0xc5: {  	_ =	shalt  }
tec
execute0_lowered:
.L_overlay_start_1:
0x0: {  	(tag) =	ssettag $0x1  }
0x1: {  	s3 =	rddreg [dreg:$0x0]  }
0x2: {  	s5 =	rddreg [dreg:$0x1]  }
0x3: {  	s4 =	rddreg [dreg:$0x2]  }
0x4: {  	s0 =	rddreg [dreg:$0x3];
	s1 =	stileid.u32  }
0x5: {  	s2 =	simm.s32 $0x0;
	s6 =	srdreg.scid;
	s11 =	simm.s32 $0x6C00  }
0x6: {  	s12 =	simm.s32 $0x1000;
	s13 =	simm.s32 $0x40000;
	s14 =	simm.s32 $0xAC00  }
0x7: {  	s15 =	simm.s32 $0x12C00;
	s16 =	simm.s32 $0x1;
	s17 =	simm.s32 $0x2  }
0x8: {  	s18 =	simm.s32 $0x0;
	s7 =	sshll.u32 s1, $0x1;
	s8 =	sshrl.u32 s1, $0x3  }
0x9: {  	s6 =	sand.u32 $0x1, s6;
	[smem:$0x7FF] =	sst s2;
	s7 =	sand.u32 $0xE, s7  }
0xa: {  	s9 =	smul.u32 $0xD80, s8;
	s8 =	sshll.u32 s8, $0x12;
	s7 =	sor.u32 s6, s7  }
0xb: {  	_ =	strace $0x80000047;
	s6 =	ssub.s32 $0x2, s6;
	s7 =	sshll.u32 s7, $0xB  }
0xc: {  	s10 =	sshrl.u32 s6, $0x1;
	s9 =	sadd.s32 s9, s3;
	s8 =	sor.u32 s8, s7  }
0xd: {  	s10 =	ssub.s32 s6, s10;
	s5 =	sadd.s32 s5, s7;
	s3 =	sadd.s32 s4, s8  }
0xe: {  	s4 =	sadd.s32 $0x800, s9;
	s9 =	smax.u32 s10, $0x1;
	s10 =	simm.s32 $0x3  }
0xf: {  	s6 =	sadd.s32 $0x200, s3;
	s7 =	sadd.s32 $0x400, s3;
	s8 =	sadd.s32 $0x600, s3  }
.LBB2_1:
0x10: {  	[tilespmem:s2], [sflag:$0x3] =	stream.linear.gather [hbm4b:s4+s2], $0x6C00, $0x38;
	[tilespmem:$0x1AC00] =	vst v63  }
0x11: {  	_ =	swait.ge [sflag:s10], $0x6C00  }
0x12: {  	[sflag:s10] =	ssyncset.done $0x0  }
0x13: {  	s19 =	sand.u32 $0x3, s2;
	[sflag:s10] =	ssyncadd.s32 $0xFFFF9400  }
0x14: {  	[tilespmem:s11], [sflag:$0x3] =	stream.linear.gather [hbm4b:s5+s2], $0x4000, $0x38;
	[tilespmem:$0x1AC00] =	vst v63  }
0x15: {  	s19 =	sshll.u32 s19, $0xA;
	_ =	swait.ge [sflag:s10], $0x4000  }
0x16: {  	s19 =	sadd.s32 $0x0, s19;
	[sflag:s10] =	ssyncset.done $0x0  }
0x17: {  	s20 =	sor.u32 $0x70, s19;
	[sflag:s10] =	ssyncadd.s32 $0xFFFFC000  }
0x18: {  	s19 =	sor.u32 $0x60, s19;
	v0 =	vld [tilespmem:s20+$0x6C00]  }
0x19: {  	v2 =	vld [tilespmem:s19+$0x6C00];
	_ =	sdelay $0x6  }
0x1a: {  	v1 =	vld.idx.msk [tilespmem:v0+s2+$0x0], $0xffff  }
0x1b: {  	v3 =	vadd.s32 $0xD80, v0;
	v4 =	vld.idx.msk [tilespmem:v2+s2+$0x0], $0xffff  }
0x1c: {  	v5 =	vadd.s32 $0xD80, v2;
	_ =	sdelay $0x2  }
0x1d: {  	[tilespmem:s20+$0xAC00] =	vst v1  }
0x1e: {  	s30 =	sand.u32 $0xC00, s2;
	s31 =	sand.u32 $0x380, s2;
	[tilespmem:s19+$0xAC00] =	vst v4;
	v1 =	vld.idx.msk [tilespmem:v3+s2+$0x0], $0xffff  }
0x1f: {  	s19 =	sor.u32 s31, s30;
	v4 =	vld.idx.msk [tilespmem:v5+s2+$0x0], $0xffff  }
0x20: {  	v6 =	vld [tilespmem:s19+$0x6C10]  }
0x21: {  	v7 =	vld [tilespmem:s19+$0x6C20]  }
0x22: {  	v3 =	vadd.s32 $0x1B00, v0;
	v23 =	vld [tilespmem:s19+$0x6C30]  }
0x23: {  	v25 =	vld [tilespmem:s19+$0x6C40];
	_ =	sdelay $0x1  }
0x24: {  	v5 =	vld [tilespmem:s19+$0x6C00];
	[tilespmem:s19+$0xBC70] =	vst v1  }
0x25: {  	[tilespmem:s19+$0xBC60] =	vst v4;
	v4 =	vld [tilespmem:s19+$0x6C50]  }
0x26: {  	v1 =	vld.idx.msk [tilespmem:v3+s2+$0x0], $0xffff;
	v3 =	vadd.s32 $0x1B00, v2  }
0x27: {  	v8 =	vadd.s32 $0x2880, v0;
	v9 =	vld.idx.msk [tilespmem:v6+s2+$0x0], $0xffff  }
0x28: {  	v12 =	vld.idx.msk [tilespmem:v7+s2+$0x0], $0xffff  }
0x29: {  	v13 =	vadd.s32 $0xD80, v6;
	v14 =	vld.idx.msk [tilespmem:v23+s2+$0x0], $0xffff  }
0x2a: {  	v15 =	vadd.s32 $0xD80, v7;
	v16 =	vld.idx.msk [tilespmem:v25+s2+$0x0], $0xffff  }
0x2b: {  	v3 =	vld.idx.msk [tilespmem:v3+s2+$0x0], $0xffff;
	[tilespmem:s19+$0xCC70] =	vst v1  }
0x2c: {  	v1 =	vld.idx.msk [tilespmem:v8+s2+$0x0], $0xffff;
	[tilespmem:s19+$0xAC10] =	vst v9  }
0x2d: {  	v10 =	vadd.s32 $0x3600, v0;
	v8 =	vld.idx.msk [tilespmem:v5+s2+$0x0], $0xffff;
	[tilespmem:s19+$0xAC20] =	vst v12  }
0x2e: {  	v11 =	vadd.s32 $0xD80, v5;
	[tilespmem:s19+$0xAC30] =	vst v14;
	v9 =	vld.idx.msk [tilespmem:v13+s2+$0x0], $0xffff  }
0x2f: {  	v14 =	vadd.s32 $0x1B00, v6;
	[tilespmem:s19+$0xAC40] =	vst v16;
	v15 =	vld.idx.msk [tilespmem:v15+s2+$0x0], $0xffff  }
0x30: {  	v16 =	vadd.s32 $0x1B00, v7;
	[tilespmem:s19+$0xCC60] =	vst v3  }
0x31: {  	v17 =	vld.idx.msk [tilespmem:v4+s2+$0x0], $0xffff;
	v3 =	vadd.s32 $0xD80, v23;
	[tilespmem:s19+$0xDC70] =	vst v1  }
0x32: {  	v1 =	vadd.s32 $0xD80, v25;
	[tilespmem:s19+$0xAC00] =	vst v8;
	v8 =	vld.idx.msk [tilespmem:v10+s2+$0x0], $0xffff  }
0x33: {  	v10 =	vadd.s32 $0xD80, v4;
	v11 =	vld.idx.msk [tilespmem:v11+s2+$0x0], $0xffff;
	[tilespmem:s19+$0xBC10] =	vst v9  }
0x34: {  	v12 =	vadd.s32 $0x4380, v0;
	[tilespmem:s19+$0xBC20] =	vst v15;
	v9 =	vld.idx.msk [tilespmem:v14+s2+$0x0], $0xffff  }
0x35: {  	v13 =	vadd.s32 $0x1B00, v5;
	v16 =	vld.idx.msk [tilespmem:v16+s2+$0x0], $0xffff  }
0x36: {  	[tilespmem:s19+$0xAC50] =	vst v17;
	v15 =	vadd.s32 $0x2880, v2;
	v3 =	vld.idx.msk [tilespmem:v3+s2+$0x0], $0xffff  }
0x37: {  	v17 =	vadd.s32 $0x1B00, v23;
	v1 =	vld.idx.msk [tilespmem:v1+s2+$0x0], $0xffff;
	[tilespmem:s19+$0xEC70] =	vst v8  }
0x38: {  	v10 =	vld.idx.msk [tilespmem:v10+s2+$0x0], $0xffff;
	v8 =	vadd.s32 $0x1B00, v25;
	[tilespmem:s19+$0xBC00] =	vst v11  }
0x39: {  	v11 =	vld.idx.msk [tilespmem:v12+s2+$0x0], $0xffff;
	v12 =	vadd.s32 $0x1B00, v4;
	[tilespmem:s19+$0xCC10] =	vst v9  }
0x3a: {  	v14 =	vadd.s32 $0x5100, v0;
	v13 =	vld.idx.msk [tilespmem:v13+s2+$0x0], $0xffff;
	[tilespmem:s19+$0xCC20] =	vst v16  }
0x3b: {  	v9 =	vld.idx.msk [tilespmem:v15+s2+$0x0], $0xffff;
	[tilespmem:s19+$0xBC30] =	vst v3;
	v3 =	vadd.s32 $0x2880, v5  }
0x3c: {  	v16 =	vadd.s32 $0x3600, v2;
	v17 =	vld.idx.msk [tilespmem:v17+s2+$0x0], $0xffff;
	[tilespmem:s19+$0xBC40] =	vst v1  }
0x3d: {  	v1 =	vadd.s32 $0x2880, v6;
	v8 =	vld.idx.msk [tilespmem:v8+s2+$0x0], $0xffff;
	[tilespmem:s19+$0xBC50] =	vst v10  }
0x3e: {  	v10 =	vadd.s32 $0x2880, v7;
	v12 =	vld.idx.msk [tilespmem:v12+s2+$0x0], $0xffff;
	[tilespmem:s19+$0xFC70] =	vst v11  }
0x3f: {  	v11 =	vadd.s32 $0x2880, v23;
	[tilespmem:s19+$0xCC00] =	vst v13;
	v13 =	vld.idx.msk [tilespmem:v14+s2+$0x0], $0xffff  }
0x40: {  	v14 =	vadd.s32 $0x2880, v25;
	[tilespmem:s19+$0xDC60] =	vst v9;
	v3 =	vld.idx.msk [tilespmem:v3+s2+$0x0], $0xffff  }
0x41: {  	v0 =	vadd.s32 $0x5E80, v0;
	v26 =	vld.idx.msk [tilespmem:v16+s2+$0x0], $0xffff  }
0x42: {  	v15 =	vadd.s32 $0x2880, v4;
	v1 =	vld.idx.msk [tilespmem:v1+s2+$0x0], $0xffff;
	[tilespmem:s19+$0xCC30] =	vst v17  }
0x43: {  	v10 =	vld.idx.msk [tilespmem:v10+s2+$0x0], $0xffff;
	[tilespmem:s19+$0xCC40] =	vst v8;
	v8 =	vadd.s32 $0x3600, v5  }
0x44: {  	s24 =	sadd.s32 $0xAC00, s19;
	v11 =	vld.idx.msk [tilespmem:v11+s2+$0x0], $0xffff;
	[tilespmem:s19+$0xCC50] =	vst v12;
	v12 =	vadd.s32 $0x3600, v6  }
0x45: {  	v14 =	vld.idx.msk [tilespmem:v14+s2+$0x0], $0xffff;
	[tilespmem:s24+$0x6070] =	vst v13;
	v13 =	vadd.s32 $0x3600, v7  }
0x46: {  	v17 =	vadd.s32 $0x3600, v23;
	v9 =	vld.idx.msk [tilespmem:v0+s2+$0x0], $0xffff;
	[tilespmem:s19+$0xDC00] =	vst v3  }
0x47: {  	v3 =	vld.idx.msk [tilespmem:v15+s2+$0x0], $0xffff;
	v15 =	vadd.s32 $0x3600, v25;
	[tilespmem:s19+$0xEC60] =	vst v26  }
0x48: {  	v28 =	vadd.s32 $0x4380, v2;
	[tilespmem:s19+$0xDC10] =	vst v1;
	v27 =	vld.idx.msk [tilespmem:v8+s2+$0x0], $0xffff  }
0x49: {  	v30 =	vadd.s32 $0x4380, v5;
	v22 =	vadd.s32 $0x4380, v6;
	v24 =	vadd.s32 $0x3600, v4;
	[tilespmem:s19+$0xDC20] =	vst v10;
	v29 =	vld.idx.msk [tilespmem:v12+s2+$0x0], $0xffff  }
0x4a: {  	v21 =	vadd.s32 $0x4380, v7;
	v19 =	vadd.s32 $0x4380, v23;
	v20 =	vadd.s32 $0x4380, v25;
	[tilespmem:s19+$0xDC30] =	vst v11;
	v10 =	vld.idx.msk [tilespmem:v13+s2+$0x0], $0xffff  }
0x4b: {  	v18 =	vadd.s32 $0x4380, v4;
	v16 =	vadd.s32 $0x5100, v7;
	v0 =	vadd.s32 $0x5E80, v2;
	[tilespmem:s19+$0xDC40] =	vst v14;
	v11 =	vld.idx.msk [tilespmem:v17+s2+$0x0], $0xffff  }
0x4c: {  	v1 =	vadd.s32 $0x5100, v2;
	v2 =	vadd.s32 $0x5100, v5;
	v8 =	vadd.s32 $0x5E80, v5;
	[tilespmem:s24+$0x7070] =	vst v9;
	v17 =	vld.idx.msk [tilespmem:v15+s2+$0x0], $0xffff  }
0x4d: {  	v5 =	vadd.s32 $0x5E80, v25;
	v12 =	vadd.s32 $0x5100, v25;
	v14 =	vadd.s32 $0x5100, v6;
	[tilespmem:s19+$0xDC50] =	vst v3;
	v3 =	vld.idx.msk [tilespmem:v28+s2+$0x0], $0xffff  }
0x4e: {  	s21 =	simm.s32 $0x1;
	v13 =	vadd.s32 $0x5100, v4;
	v4 =	vadd.s32 $0x5E80, v4;
	v15 =	vadd.s32 $0x5100, v23;
	v24 =	vld.idx.msk [tilespmem:v24+s2+$0x0], $0xffff;
	[tilespmem:s19+$0xEC00] =	vst v27  }
0x4f: {  	s22 =	simm.s32 $0x0;
	s23 =	simm.s32 $0x0;
	s20 =	simm.s32 $0x0;
	v9 =	vadd.s32 $0x5E80, v6;
	v6 =	vadd.s32 $0x5E80, v7;
	v7 =	vadd.s32 $0x5E80, v23;
	v23 =	vld.idx.msk [tilespmem:v30+s2+$0x0], $0xffff;
	[tilespmem:s19+$0xEC10] =	vst v29  }
.LBB2_2:
0x50: {  	s25 =	sand.u32 $0x3, s21;
	s20 =	sadd.s32 $0x80, s20;
	v22 =	vld.idx.msk [tilespmem:v22+s2+$0x0], $0xffff;
	[tilespmem:s19+$0xEC20] =	vst v10  }
0x51: {  	s22 =	sadd.s32 $0x20, s22;
	s25 =	sshll.u32 s25, $0xA;
	p0 =	slt.u32 s20, $0xF80;
	v21 =	vld.idx.msk [tilespmem:v21+s2+$0x0], $0xffff;
	[tilespmem:s19+$0xEC30] =	vst v11  }
0x52: {  	s25 =	sadd.s32 s25, s22;
	v11 =	vld.idx.msk [tilespmem:v19+s2+$0x0], $0xffff;
	[tilespmem:s19+$0xEC40] =	vst v17  }
0x53: {  	s26 =	sor.u32 $0x60, s25;
	s25 =	sor.u32 $0x70, s25;
	v17 =	vld.idx.msk [tilespmem:v20+s2+$0x0], $0xffff;
	[tilespmem:s19+$0xEC50] =	vst v24  }
0x54: {  	v10 =	vld [tilespmem:s25+$0x6C00];
	[tilespmem:s19+$0xFC60] =	vst v3  }
0x55: {  	v19 =	vld [tilespmem:s26+$0x6C00];
	[tilespmem:s19+$0xFC00] =	vst v23  }
0x56: {  	[tilespmem:s19+$0xFC10] =	vst v22;
	v18 =	vld.idx.msk [tilespmem:v18+s2+$0x0], $0xffff  }
0x57: {  	[tilespmem:s19+$0xFC20] =	vst v21;
	v20 =	vld.idx.msk [tilespmem:v1+s2+$0x0], $0xffff  }
0x58: {  	v2 =	vld.idx.msk [tilespmem:v2+s2+$0x0], $0xffff;
	[tilespmem:s19+$0xFC30] =	vst v11  }
0x59: {  	v14 =	vld.idx.msk [tilespmem:v14+s2+$0x0], $0xffff;
	[tilespmem:s19+$0xFC40] =	vst v17  }
0x5a: {  	v21 =	vadd.s32 $0xD80, v19;
	v22 =	vadd.s32 $0x1B00, v19;
	v17 =	vadd.s32 $0x2880, v19;
	v16 =	vld.idx.msk [tilespmem:v16+s2+$0x0], $0xffff  }
0x5b: {  	v11 =	vadd.s32 $0x3600, v19;
	v3 =	vadd.s32 $0x4380, v19;
	v1 =	vadd.s32 $0x5100, v19;
	v15 =	vld.idx.msk [tilespmem:v15+s2+$0x0], $0xffff  }
0x5c: {  	v23 =	vadd.s32 $0x5E80, v19;
	v24 =	vld.idx.msk [tilespmem:v10+s2+$0x0], $0xffff;
	[tilespmem:s19+$0xFC50] =	vst v18  }
0x5d: {  	v18 =	vld.idx.msk [tilespmem:v19+s2+$0x0], $0xffff;
	[tilespmem:s24+$0x6060] =	vst v20  }
0x5e: {  	v19 =	vadd.s32 $0xD80, v10;
	[tilespmem:s19+$0x10C00] =	vst v2;
	v2 =	vld.idx.msk [tilespmem:v12+s2+$0x0], $0xffff  }
0x5f: {  	[tilespmem:s24+$0x6010] =	vst v14;
	v12 =	vld.idx.msk [tilespmem:v13+s2+$0x0], $0xffff  }
0x60: {  	[tilespmem:s24+$0x6020] =	vst v16;
	v13 =	vld.idx.msk [tilespmem:v0+s2+$0x0], $0xffff;
	v0 =	vmov v23  }
0x61: {  	v8 =	vld.idx.msk [tilespmem:v8+s2+$0x0], $0xffff;
	[tilespmem:s24+$0x6030] =	vst v15  }
0x62: {  	[tilespmem:s25+$0xAC00] =	vst v24;
	v9 =	vld.idx.msk [tilespmem:v9+s2+$0x0], $0xffff  }
0x63: {  	[tilespmem:s26+$0xAC00] =	vst v18;
	v14 =	vld.idx.msk [tilespmem:v19+s2+$0x0], $0xffff  }
0x64: {  	v15 =	vld.idx.msk [tilespmem:v21+s2+$0x0], $0xffff;
	[tilespmem:s24+$0x6040] =	vst v2  }
0x65: {  	v2 =	vadd.s32 $0x1B00, v10;
	v6 =	vld.idx.msk [tilespmem:v6+s2+$0x0], $0xffff;
	[tilespmem:s24+$0x6050] =	vst v12  }
0x66: {  	s23 =	sadd.s32 $0x400, s23;
	v7 =	vld.idx.msk [tilespmem:v7+s2+$0x0], $0xffff;
	[tilespmem:s24+$0x7060] =	vst v13  }
0x67: {  	s25 =	sand.u32 $0xC00, s23;
	s26 =	sand.u32 $0x380, s22;
	[tilespmem:s19+$0x11C00] =	vst v8;
	v5 =	vld.idx.msk [tilespmem:v5+s2+$0x0], $0xffff  }
0x68: {  	s19 =	sor.u32 s26, s25;
	[tilespmem:s24+$0x7010] =	vst v9;
	v4 =	vld.idx.msk [tilespmem:v4+s2+$0x0], $0xffff  }
0x69: {  	v8 =	vld [tilespmem:s19+$0x6C00];
	[tilespmem:s19+$0xBC70] =	vst v14  }
0x6a: {  	[tilespmem:s19+$0xBC60] =	vst v15;
	v9 =	vld.idx.msk [tilespmem:v2+s2+$0x0], $0xffff  }
0x6b: {  	v25 =	vld [tilespmem:s19+$0x6C10];
	[tilespmem:s24+$0x7020] =	vst v6  }
0x6c: {  	v12 =	vadd.s32 $0x2880, v10;
	v6 =	vld [tilespmem:s19+$0x6C20];
	[tilespmem:s24+$0x7030] =	vst v7  }
0x6d: {  	v7 =	vld [tilespmem:s19+$0x6C30];
	[tilespmem:s24+$0x7040] =	vst v5  }
0x6e: {  	v5 =	vadd.s32 $0xD80, v8;
	v26 =	vadd.s32 $0x1B00, v8;
	v27 =	vadd.s32 $0x2880, v8;
	v28 =	vld [tilespmem:s19+$0x6C40];
	[tilespmem:s24+$0x7050] =	vst v4  }
0x6f: {  	v24 =	vadd.s32 $0x3600, v8;
	v23 =	vadd.s32 $0x4380, v8;
	v2 =	vadd.s32 $0x5100, v8;
	v4 =	vld [tilespmem:s19+$0x6C50]  }
0x70: {  	v13 =	vadd.s32 $0xD80, v25;
	v29 =	vadd.s32 $0x1B00, v25;
	v30 =	vadd.s32 $0x2880, v25;
	v14 =	vld.idx.msk [tilespmem:v22+s2+$0x0], $0xffff;
	[tilespmem:s19+$0xCC70] =	vst v9  }
0x71: {  	v31 =	vadd.s32 $0xD80, v6;
	v32 =	vadd.s32 $0x1B00, v6;
	v33 =	vadd.s32 $0x2880, v6;
	v9 =	vld.idx.msk [tilespmem:v12+s2+$0x0], $0xffff  }
0x72: {  	v12 =	vld.idx.msk [tilespmem:v8+s2+$0x0], $0xffff;
	v34 =	vadd.s32 $0xD80, v7;
	v35 =	vadd.s32 $0x1B00, v7;
	v36 =	vadd.s32 $0x2880, v7  }
0x73: {  	v16 =	vadd.s32 $0x3600, v10;
	v15 =	vld.idx.msk [tilespmem:v25+s2+$0x0], $0xffff;
	v37 =	vadd.s32 $0xD80, v28;
	v38 =	vadd.s32 $0x1B00, v28  }
0x74: {  	v40 =	vadd.s32 $0x2880, v28;
	v39 =	vld.idx.msk [tilespmem:v6+s2+$0x0], $0xffff;
	v41 =	vadd.s32 $0xD80, v4;
	v42 =	vadd.s32 $0x1B00, v4  }
0x75: {  	v43 =	vadd.s32 $0x3600, v25;
	v44 =	vadd.s32 $0x3600, v6;
	v46 =	vadd.s32 $0x2880, v4;
	v45 =	vld.idx.msk [tilespmem:v7+s2+$0x0], $0xffff  }
0x76: {  	v47 =	vadd.s32 $0x3600, v7;
	v49 =	vadd.s32 $0x3600, v28;
	v50 =	vadd.s32 $0x3600, v4;
	v48 =	vld.idx.msk [tilespmem:v28+s2+$0x0], $0xffff;
	[tilespmem:s19+$0xCC60] =	vst v14  }
0x77: {  	v22 =	vadd.s32 $0x4380, v25;
	v21 =	vadd.s32 $0x4380, v6;
	v19 =	vadd.s32 $0x4380, v7;
	v51 =	vld.idx.msk [tilespmem:v4+s2+$0x0], $0xffff;
	[tilespmem:s19+$0xDC70] =	vst v9  }
0x78: {  	v20 =	vadd.s32 $0x4380, v28;
	v18 =	vadd.s32 $0x4380, v4;
	v14 =	vadd.s32 $0x5100, v25;
	[tilespmem:s19+$0xAC00] =	vst v12;
	v52 =	vld.idx.msk [tilespmem:v16+s2+$0x0], $0xffff  }
0x79: {  	v16 =	vadd.s32 $0x5100, v6;
	v12 =	vadd.s32 $0x5100, v28;
	v53 =	vld.idx.msk [tilespmem:v5+s2+$0x0], $0xffff;
	[tilespmem:s19+$0xAC10] =	vst v15;
	v15 =	vadd.s32 $0x5100, v7  }
0x7a: {  	v8 =	vadd.s32 $0x5E80, v8;
	v54 =	vld.idx.msk [tilespmem:v13+s2+$0x0], $0xffff;
	[tilespmem:s19+$0xAC20] =	vst v39;
	v13 =	vadd.s32 $0x5100, v4;
	v39 =	vadd.s32 $0x4380, v10  }
0x7b: {  	v9 =	vadd.s32 $0x5E80, v25;
	v6 =	vadd.s32 $0x5E80, v6;
	v7 =	vadd.s32 $0x5E80, v7;
	v25 =	vld.idx.msk [tilespmem:v31+s2+$0x0], $0xffff;
	[tilespmem:s19+$0xAC30] =	vst v45  }
0x7c: {  	v5 =	vadd.s32 $0x5E80, v28;
	v4 =	vadd.s32 $0x5E80, v4;
	v31 =	vld.idx.msk [tilespmem:v34+s2+$0x0], $0xffff;
	[tilespmem:s19+$0xAC40] =	vst v48  }
0x7d: {  	v28 =	vld.idx.msk [tilespmem:v37+s2+$0x0], $0xffff;
	[tilespmem:s19+$0xAC50] =	vst v51  }
0x7e: {  	v34 =	vld.idx.msk [tilespmem:v41+s2+$0x0], $0xffff;
	[tilespmem:s19+$0xEC70] =	vst v52  }
0x7f: {  	[tilespmem:s19+$0xBC00] =	vst v53;
	v37 =	vld.idx.msk [tilespmem:v39+s2+$0x0], $0xffff  }
0x80: {  	v26 =	vld.idx.msk [tilespmem:v26+s2+$0x0], $0xffff;
	[tilespmem:s19+$0xBC10] =	vst v54  }
0x81: {  	v29 =	vld.idx.msk [tilespmem:v29+s2+$0x0], $0xffff;
	[tilespmem:s19+$0xBC20] =	vst v25;
	v25 =	vadd.s32 $0x5100, v10  }
0x82: {  	v32 =	vld.idx.msk [tilespmem:v32+s2+$0x0], $0xffff;
	[tilespmem:s19+$0xBC30] =	vst v31  }
0x83: {  	v31 =	vld.idx.msk [tilespmem:v35+s2+$0x0], $0xffff;
	[tilespmem:s19+$0xBC40] =	vst v28  }
0x84: {  	v28 =	vld.idx.msk [tilespmem:v38+s2+$0x0], $0xffff;
	[tilespmem:s19+$0xBC50] =	vst v34  }
0x85: {  	v34 =	vld.idx.msk [tilespmem:v42+s2+$0x0], $0xffff;
	[tilespmem:s19+$0xFC70] =	vst v37  }
0x86: {  	[tilespmem:s19+$0xCC00] =	vst v26;
	v25 =	vld.idx.msk [tilespmem:v25+s2+$0x0], $0xffff  }
0x87: {  	[tilespmem:s19+$0xCC10] =	vst v29;
	v17 =	vld.idx.msk [tilespmem:v17+s2+$0x0], $0xffff  }
0x88: {  	v10 =	vadd.s32 $0x5E80, v10;
	v26 =	vld.idx.msk [tilespmem:v27+s2+$0x0], $0xffff;
	[tilespmem:s19+$0xCC20] =	vst v32  }
0x89: {  	v27 =	vld.idx.msk [tilespmem:v30+s2+$0x0], $0xffff;
	[tilespmem:s19+$0xCC30] =	vst v31  }
0x8a: {  	v29 =	vld.idx.msk [tilespmem:v33+s2+$0x0], $0xffff;
	[tilespmem:s19+$0xCC40] =	vst v28  }
0x8b: {  	s24 =	sadd.s32 $0xAC00, s19;
	v28 =	vld.idx.msk [tilespmem:v36+s2+$0x0], $0xffff;
	[tilespmem:s19+$0xCC50] =	vst v34  }
0x8c: {  	v30 =	vld.idx.msk [tilespmem:v40+s2+$0x0], $0xffff;
	[tilespmem:s24+$0x6070] =	vst v25  }
0x8d: {  	[tilespmem:s19+$0xDC60] =	vst v17;
	v17 =	vld.idx.msk [tilespmem:v10+s2+$0x0], $0xffff  }
0x8e: {  	[tilespmem:s19+$0xDC00] =	vst v26;
	v25 =	vld.idx.msk [tilespmem:v46+s2+$0x0], $0xffff  }
0x8f: {  	[tilespmem:s19+$0xDC10] =	vst v27;
	v26 =	vld.idx.msk [tilespmem:v11+s2+$0x0], $0xffff  }
0x90: {  	v27 =	vld.idx.msk [tilespmem:v24+s2+$0x0], $0xffff;
	[tilespmem:s19+$0xDC20] =	vst v29  }
0x91: {  	v29 =	vld.idx.msk [tilespmem:v43+s2+$0x0], $0xffff;
	[tilespmem:s19+$0xDC30] =	vst v28  }
0x92: {  	v10 =	vld.idx.msk [tilespmem:v44+s2+$0x0], $0xffff;
	[tilespmem:s19+$0xDC40] =	vst v30  }
.Ltmp0:
0x93: {  	v11 =	vld.idx.msk [tilespmem:v47+s2+$0x0], $0xffff;
	[tilespmem:s24+$0x7070] =	vst v17;
	(pc) =	sbr.rel @p0 .LBB2_2-.Ltmp0, $4  }
0x94: {  	v17 =	vld.idx.msk [tilespmem:v49+s2+$0x0], $0xffff;
	[tilespmem:s19+$0xDC50] =	vst v25  }
0x95: {  	v24 =	vld.idx.msk [tilespmem:v50+s2+$0x0], $0xffff;
	[tilespmem:s19+$0xEC60] =	vst v26  }
0x96: {  	[tilespmem:s19+$0xEC00] =	vst v27;
	v3 =	vld.idx.msk [tilespmem:v3+s2+$0x0], $0xffff  }
0x97: {  	s21 =	sadd.s32 $0x1, s21;
	v23 =	vld.idx.msk [tilespmem:v23+s2+$0x0], $0xffff;
	[tilespmem:s19+$0xEC10] =	vst v29  }
0x98: {  	_ =	sdelay $0x2  }
0x99: {  	[tilespmem:s19+$0xEC20] =	vst v10  }
0x9a: {  	v10 =	vld.idx.msk [tilespmem:v22+s2+$0x0], $0xffff;
	[tilespmem:s19+$0xEC30] =	vst v11  }
0x9b: {  	v11 =	vld.idx.msk [tilespmem:v21+s2+$0x0], $0xffff;
	[tilespmem:s19+$0xEC40] =	vst v17  }
0x9c: {  	v58 =	vld.idx.msk [tilespmem:v19+s2+$0x0], $0xffff;
	[tilespmem:s19+$0xEC50] =	vst v24  }
0x9d: {  	v59 =	vld.idx.msk [tilespmem:v20+s2+$0x0], $0xffff;
	[tilespmem:s19+$0xFC60] =	vst v3  }
0x9e: {  	v3 =	vld.idx.msk [tilespmem:v18+s2+$0x0], $0xffff;
	[tilespmem:s19+$0xFC00] =	vst v23  }
0x9f: {  	v1 =	vld.idx.msk [tilespmem:v1+s2+$0x0], $0xffff;
	[tilespmem:s19+$0xFC10] =	vst v10  }
0xa0: {  	v2 =	vld.idx.msk [tilespmem:v2+s2+$0x0], $0xffff;
	[tilespmem:s19+$0xFC20] =	vst v11  }
0xa1: {  	[tilespmem:s19+$0xFC30] =	vst v58;
	v10 =	vld.idx.msk [tilespmem:v14+s2+$0x0], $0xffff  }
0xa2: {  	[tilespmem:s19+$0xFC40] =	vst v59;
	v11 =	vld.idx.msk [tilespmem:v16+s2+$0x0], $0xffff  }
0xa3: {  	v60 =	vld.idx.msk [tilespmem:v15+s2+$0x0], $0xffff;
	[tilespmem:s19+$0xFC50] =	vst v3  }
0xa4: {  	[tilespmem:s24+$0x6060] =	vst v1;
	v1 =	vld.idx.msk [tilespmem:v12+s2+$0x0], $0xffff  }
0xa5: {  	[tilespmem:s19+$0x10C00] =	vst v2;
	v2 =	vld.idx.msk [tilespmem:v13+s2+$0x0], $0xffff  }
0xa6: {  	v0 =	vld.idx.msk [tilespmem:v0+s2+$0x0], $0xffff;
	[tilespmem:s24+$0x6010] =	vst v10  }
0xa7: {  	v3 =	vld.idx.msk [tilespmem:v8+s2+$0x0], $0xffff;
	[tilespmem:s24+$0x6020] =	vst v11  }
0xa8: {  	[tilespmem:s24+$0x6030] =	vst v60;
	v8 =	vld.idx.msk [tilespmem:v9+s2+$0x0], $0xffff  }
0xa9: {  	[tilespmem:s24+$0x6040] =	vst v1;
	v1 =	vld.idx.msk [tilespmem:v6+s2+$0x0], $0xffff  }
0xaa: {  	[tilespmem:s24+$0x6050] =	vst v2;
	v2 =	vld.idx.msk [tilespmem:v7+s2+$0x0], $0xffff  }
0xab: {  	[tilespmem:s24+$0x7060] =	vst v0;
	v0 =	vld.idx.msk [tilespmem:v5+s2+$0x0], $0xffff  }
0xac: {  	[tilespmem:s19+$0x11C00] =	vst v3;
	v3 =	vld.idx.msk [tilespmem:v4+s2+$0x0], $0xffff  }
0xad: {  	[tilespmem:s24+$0x7010] =	vst v8  }
0xae: {  	[tilespmem:s24+$0x7020] =	vst v1  }
0xaf: {  	s31 =	simm.s32 $0x0;
	[tilespmem:s24+$0x7030] =	vst v2  }
0xb0: {  	s20 =	sand.u32 $0xC00, s31;
	s19 =	sand.u32 $0x380, s31;
	[tilespmem:s24+$0x7040] =	vst v0  }
0xb1: {  	s19 =	sor.u32 s19, s20;
	[tilespmem:s24+$0x7050] =	vst v3  }
0xb2: {  	[hbm4b:s3+s12] =	stream.strided.scatter [tilespmem:s14], [sflag:$0x1], $0x8000, s13, s12, $0x38;
	[tilespmem:$0x1AC00] =	vst v63  }
0xb3: {  	v7 =	vld [tilespmem:s19+$0x7C70]  }
0xb4: {  	v6 =	vld [tilespmem:s19+$0x7C00]  }
0xb5: {  	v5 =	vld [tilespmem:s19+$0x7C10]  }
0xb6: {  	v4 =	vld [tilespmem:s19+$0x7C20]  }
0xb7: {  	v3 =	vld [tilespmem:s19+$0x7C30]  }
0xb8: {  	v2 =	vld [tilespmem:s19+$0x7C40]  }
0xb9: {  	v0 =	vld [tilespmem:s19+$0x7C50]  }
0xba: {  	v1 =	vld [tilespmem:s19+$0x7C60]  }
0xbb: {  	v8 =	vld.idx.msk [tilespmem:v7+s2+$0x0], $0xffff  }
0xbc: {  	v9 =	vld.idx.msk [tilespmem:v6+s2+$0x0], $0xffff  }
0xbd: {  	v10 =	vld.idx.msk [tilespmem:v5+s2+$0x0], $0xffff  }
0xbe: {  	v11 =	vadd.s32 $0xD80, v7;
	v61 =	vld.idx.msk [tilespmem:v4+s2+$0x0], $0xffff  }
0xbf: {  	v62 =	vadd.s32 $0xD80, v6;
	v14 =	vld.idx.msk [tilespmem:v3+s2+$0x0], $0xffff  }
0xc0: {  	s20 =	sadd.s32 $0x12C00, s19;
	v63 =	vadd.s32 $0xD80, v5;
	v21 =	vld.idx.msk [tilespmem:v2+s2+$0x0], $0xffff  }
0xc1: {  	v22 =	vadd.s32 $0xD80, v4;
	v23 =	vld.idx.msk [tilespmem:v0+s2+$0x0], $0xffff;
	[tilespmem:s20+$0x70] =	vst v8  }
0xc2: {  	v25 =	vadd.s32 $0xD80, v0;
	[tilespmem:s20+$0x10] =	vst v10;
	v10 =	vld.idx.msk [tilespmem:v1+s2+$0x0], $0xffff  }
0xc3: {  	v8 =	vadd.s32 $0xD80, v3;
	[tilespmem:s19+$0x12C00] =	vst v9;
	v9 =	vld.idx.msk [tilespmem:v11+s2+$0x0], $0xffff  }
0xc4: {  	[tilespmem:s20+$0x20] =	vst v61;
	v11 =	vadd.s32 $0xD80, v2;
	v13 =	vld.idx.msk [tilespmem:v62+s2+$0x0], $0xffff  }
0xc5: {  	v26 =	vadd.s32 $0xD80, v1;
	[tilespmem:s20+$0x30] =	vst v14;
	v15 =	vld.idx.msk [tilespmem:v63+s2+$0x0], $0xffff  }
0xc6: {  	v24 =	vadd.s32 $0x1B00, v7;
	[tilespmem:s20+$0x50] =	vst v23;
	v17 =	vld.idx.msk [tilespmem:v22+s2+$0x0], $0xffff  }
0xc7: {  	v27 =	vadd.s32 $0x1B00, v6;
	[tilespmem:s20+$0x40] =	vst v21;
	v30 =	vld.idx.msk [tilespmem:v25+s2+$0x0], $0xffff  }
0xc8: {  	v28 =	vadd.s32 $0x1B00, v5;
	v8 =	vld.idx.msk [tilespmem:v8+s2+$0x0], $0xffff;
	[tilespmem:s20+$0x60] =	vst v10  }
0xc9: {  	v33 =	vadd.s32 $0x1B00, v0;
	v11 =	vld.idx.msk [tilespmem:v11+s2+$0x0], $0xffff;
	[tilespmem:s20+$0x1070] =	vst v9  }
0xca: {  	v9 =	vadd.s32 $0x1B00, v4;
	[tilespmem:s19+$0x13C00] =	vst v13;
	v14 =	vld.idx.msk [tilespmem:v26+s2+$0x0], $0xffff  }
0xcb: {  	v29 =	vadd.s32 $0x1B00, v3;
	[tilespmem:s20+$0x1010] =	vst v15;
	v10 =	vld.idx.msk [tilespmem:v24+s2+$0x0], $0xffff  }
0xcc: {  	v32 =	vadd.s32 $0x1B00, v2;
	[tilespmem:s20+$0x1020] =	vst v17;
	v16 =	vld.idx.msk [tilespmem:v27+s2+$0x0], $0xffff  }
0xcd: {  	v31 =	vadd.s32 $0x2880, v7;
	[tilespmem:s20+$0x1050] =	vst v30;
	v18 =	vld.idx.msk [tilespmem:v28+s2+$0x0], $0xffff  }
0xce: {  	v36 =	vld.idx.msk [tilespmem:v33+s2+$0x0], $0xffff;
	[tilespmem:s20+$0x1030] =	vst v8;
	v8 =	vadd.s32 $0x1B00, v1  }
0xcf: {  	v9 =	vld.idx.msk [tilespmem:v9+s2+$0x0], $0xffff;
	[tilespmem:s20+$0x1040] =	vst v11;
	v11 =	vadd.s32 $0x2880, v6  }
0xd0: {  	v12 =	vld.idx.msk [tilespmem:v29+s2+$0x0], $0xffff;
	[tilespmem:s20+$0x2070] =	vst v10;
	v10 =	vadd.s32 $0x2880, v5  }
0xd1: {  	v35 =	vadd.s32 $0x2880, v4;
	[tilespmem:s20+$0x1060] =	vst v14;
	v19 =	vld.idx.msk [tilespmem:v32+s2+$0x0], $0xffff  }
0xd2: {  	v38 =	vadd.s32 $0x2880, v3;
	[tilespmem:s19+$0x14C00] =	vst v16;
	v34 =	vld.idx.msk [tilespmem:v31+s2+$0x0], $0xffff  }
0xd3: {  	v39 =	vadd.s32 $0x2880, v2;
	[tilespmem:s20+$0x2010] =	vst v18;
	v8 =	vld.idx.msk [tilespmem:v8+s2+$0x0], $0xffff  }
0xd4: {  	v37 =	vadd.s32 $0x3600, v7;
	[tilespmem:s20+$0x2050] =	vst v36;
	v11 =	vld.idx.msk [tilespmem:v11+s2+$0x0], $0xffff  }
0xd5: {  	[tilespmem:s20+$0x2020] =	vst v9;
	v9 =	vadd.s32 $0x2880, v0;
	v10 =	vld.idx.msk [tilespmem:v10+s2+$0x0], $0xffff  }
0xd6: {  	v40 =	vadd.s32 $0x2880, v1;
	[tilespmem:s20+$0x2030] =	vst v12;
	v15 =	vld.idx.msk [tilespmem:v35+s2+$0x0], $0xffff  }
0xd7: {  	v41 =	vadd.s32 $0x3600, v6;
	[tilespmem:s20+$0x2040] =	vst v19;
	v17 =	vld.idx.msk [tilespmem:v38+s2+$0x0], $0xffff  }
0xd8: {  	v42 =	vadd.s32 $0x3600, v5;
	[tilespmem:s20+$0x3070] =	vst v34;
	v43 =	vld.idx.msk [tilespmem:v39+s2+$0x0], $0xffff  }
0xd9: {  	v44 =	vadd.s32 $0x3600, v4;
	v16 =	vld.idx.msk [tilespmem:v37+s2+$0x0], $0xffff;
	[tilespmem:s20+$0x2060] =	vst v8  }
0xda: {  	v45 =	vadd.s32 $0x3600, v2;
	[tilespmem:s19+$0x15C00] =	vst v11;
	v9 =	vld.idx.msk [tilespmem:v9+s2+$0x0], $0xffff  }
0xdb: {  	v8 =	vadd.s32 $0x4380, v7;
	[tilespmem:s20+$0x3010] =	vst v10;
	v10 =	vld.idx.msk [tilespmem:v40+s2+$0x0], $0xffff  }
0xdc: {  	v11 =	vadd.s32 $0x3600, v3;
	v13 =	vld.idx.msk [tilespmem:v41+s2+$0x0], $0xffff;
	[tilespmem:s20+$0x3020] =	vst v15  }
0xdd: {  	v46 =	vadd.s32 $0x3600, v0;
	[tilespmem:s20+$0x3030] =	vst v17;
	v19 =	vld.idx.msk [tilespmem:v42+s2+$0x0], $0xffff  }
0xde: {  	v47 =	vadd.s32 $0x3600, v1;
	v18 =	vld.idx.msk [tilespmem:v44+s2+$0x0], $0xffff;
	[tilespmem:s20+$0x3040] =	vst v43  }
0xdf: {  	v48 =	vadd.s32 $0x4380, v6;
	[tilespmem:s20+$0x4070] =	vst v16;
	v12 =	vld.idx.msk [tilespmem:v45+s2+$0x0], $0xffff  }
0xe0: {  	v49 =	vadd.s32 $0x4380, v5;
	v8 =	vld.idx.msk [tilespmem:v8+s2+$0x0], $0xffff;
	[tilespmem:s20+$0x3050] =	vst v9  }
0xe1: {  	v52 =	vadd.s32 $0x4380, v2;
	v11 =	vld.idx.msk [tilespmem:v11+s2+$0x0], $0xffff;
	[tilespmem:s20+$0x3060] =	vst v10  }
0xe2: {  	v9 =	vadd.s32 $0x5100, v7;
	[tilespmem:s19+$0x16C00] =	vst v13;
	v50 =	vld.idx.msk [tilespmem:v46+s2+$0x0], $0xffff  }
0xe3: {  	v10 =	vadd.s32 $0x4380, v4;
	[tilespmem:s20+$0x4010] =	vst v19;
	v16 =	vld.idx.msk [tilespmem:v47+s2+$0x0], $0xffff  }
0xe4: {  	v51 =	vadd.s32 $0x4380, v3;
	v17 =	vld.idx.msk [tilespmem:v48+s2+$0x0], $0xffff;
	[tilespmem:s20+$0x4020] =	vst v18  }
0xe5: {  	v53 =	vadd.s32 $0x4380, v1;
	v14 =	vld.idx.msk [tilespmem:v49+s2+$0x0], $0xffff;
	[tilespmem:s20+$0x4040] =	vst v12  }
0xe6: {  	[tilespmem:s20+$0x5070] =	vst v8;
	v8 =	vadd.s32 $0x4380, v0;
	v56 =	vld.idx.msk [tilespmem:v52+s2+$0x0], $0xffff  }
0xe7: {  	v55 =	vadd.s32 $0x5100, v5;
	v9 =	vld.idx.msk [tilespmem:v9+s2+$0x0], $0xffff;
	[tilespmem:s20+$0x4030] =	vst v11  }
0xe8: {  	v11 =	vadd.s32 $0x5100, v6;
	v10 =	vld.idx.msk [tilespmem:v10+s2+$0x0], $0xffff;
	[tilespmem:s20+$0x4050] =	vst v50  }
0xe9: {  	v7 =	vadd.s32 $0x5E80, v7;
	v54 =	vld.idx.msk [tilespmem:v51+s2+$0x0], $0xffff;
	[tilespmem:s20+$0x4060] =	vst v16  }
0xea: {  	v57 =	vadd.s32 $0x5100, v4;
	[tilespmem:s19+$0x17C00] =	vst v17;
	v18 =	vld.idx.msk [tilespmem:v53+s2+$0x0], $0xffff  }
0xeb: {  	v58 =	vadd.s32 $0x5100, v3;
	[tilespmem:s20+$0x5010] =	vst v14;
	v8 =	vld.idx.msk [tilespmem:v8+s2+$0x0], $0xffff  }
0xec: {  	v13 =	vld.idx.msk [tilespmem:v55+s2+$0x0], $0xffff;
	[tilespmem:s20+$0x6070] =	vst v9;
	v9 =	vadd.s32 $0x5100, v2  }
0xed: {  	v59 =	vadd.s32 $0x5100, v0;
	[tilespmem:s20+$0x5040] =	vst v56;
	v11 =	vld.idx.msk [tilespmem:v11+s2+$0x0], $0xffff  }
0xee: {  	v5 =	vadd.s32 $0x5E80, v5;
	v7 =	vld.idx.msk [tilespmem:v7+s2+$0x0], $0xffff;
	[tilespmem:s20+$0x5020] =	vst v10  }
0xef: {  	v10 =	vadd.s32 $0x5100, v1;
	[tilespmem:s20+$0x5030] =	vst v54;
	v60 =	vld.idx.msk [tilespmem:v57+s2+$0x0], $0xffff  }
0xf0: {  	v6 =	vadd.s32 $0x5E80, v6;
	v61 =	vld.idx.msk [tilespmem:v58+s2+$0x0], $0xffff;
	[tilespmem:s20+$0x5060] =	vst v18  }
0xf1: {  	v62 =	vadd.s32 $0x5E80, v4;
	[tilespmem:s20+$0x5050] =	vst v8;
	v63 =	vld.idx.msk [tilespmem:v9+s2+$0x0], $0xffff  }
0xf2: {  	v3 =	vadd.s32 $0x5E80, v3;
	[tilespmem:s20+$0x6010] =	vst v13;
	v14 =	vld.idx.msk [tilespmem:v59+s2+$0x0], $0xffff  }
0xf3: {  	v4 =	vld.idx.msk [tilespmem:v5+s2+$0x0], $0xffff;
	[tilespmem:s20+$0x7070] =	vst v7;
	v7 =	vadd.s32 $0x5E80, v2  }
0xf4: {  	[tilespmem:s19+$0x18C00] =	vst v11;
	v9 =	vld.idx.msk [tilespmem:v10+s2+$0x0], $0xffff;
	v2 =	vadd.s32 $0x5E80, v0  }
0xf5: {  	v1 =	vadd.s32 $0x5E80, v1;
	v8 =	vld.idx.msk [tilespmem:v6+s2+$0x0], $0xffff;
	[tilespmem:s20+$0x6020] =	vst v60  }
0xf6: {  	[tilespmem:s20+$0x6030] =	vst v61;
	v6 =	vld.idx.msk [tilespmem:v62+s2+$0x0], $0xffff  }
0xf7: {  	v3 =	vld.idx.msk [tilespmem:v3+s2+$0x0], $0xffff;
	[tilespmem:s20+$0x6040] =	vst v63  }
0xf8: {  	s21 =	simm.s32 $0x0;
	s22 =	simm.s32 $0x400;
	s23 =	simm.s32 $0x20;
	[tilespmem:s20+$0x6050] =	vst v14;
	v5 =	vld.idx.msk [tilespmem:v7+s2+$0x0], $0xffff  }
.LBB2_4:
0xf9: {  	s24 =	sand.u32 $0xC00, s22;
	s25 =	sand.u32 $0x380, s23;
	s21 =	sadd.s32 $0x80, s21;
	v2 =	vld.idx.msk [tilespmem:v2+s2+$0x0], $0xffff;
	[tilespmem:s20+$0x6060] =	vst v9  }
0xfa: {  	p0 =	slt.u32 s21, $0xF80;
	[tilespmem:s19+$0x19C00] =	vst v8;
	s19 =	sor.u32 s25, s24;
	v1 =	vld.idx.msk [tilespmem:v1+s2+$0x0], $0xffff  }
0xfb: {  	v0 =	vld [tilespmem:s19+$0x7C70];
	[tilespmem:s20+$0x7010] =	vst v4  }
0xfc: {  	v4 =	vld [tilespmem:s19+$0x7C00];
	[tilespmem:s20+$0x7020] =	vst v6  }
0xfd: {  	v6 =	vld [tilespmem:s19+$0x7C10];
	[tilespmem:s20+$0x7030] =	vst v3  }
0xfe: {  	v3 =	vld [tilespmem:s19+$0x7C20];
	[tilespmem:s20+$0x7040] =	vst v5  }
0xff: {  	v5 =	vld [tilespmem:s19+$0x7C30];
	[tilespmem:s20+$0x7050] =	vst v2  }
0x100: {  	v2 =	vld [tilespmem:s19+$0x7C40];
	[tilespmem:s20+$0x7060] =	vst v1  }
0x101: {  	v1 =	vadd.s32 $0xD80, v4;
	v22 =	vadd.s32 $0x1B00, v4;
	v23 =	vadd.s32 $0x2880, v4;
	v24 =	vld [tilespmem:s19+$0x7C50]  }
0x102: {  	v7 =	vadd.s32 $0xD80, v6;
	v25 =	vadd.s32 $0x1B00, v6;
	v26 =	vadd.s32 $0x2880, v6;
	v27 =	vld [tilespmem:s19+$0x7C60]  }
0x103: {  	v8 =	vadd.s32 $0xD80, v3;
	v28 =	vadd.s32 $0x1B00, v3;
	v29 =	vadd.s32 $0x2880, v3;
	v9 =	vld.idx.msk [tilespmem:v0+s2+$0x0], $0xffff  }
0x104: {  	v10 =	vld.idx.msk [tilespmem:v4+s2+$0x0], $0xffff;
	v13 =	vadd.s32 $0xD80, v5;
	v30 =	vadd.s32 $0x1B00, v5;
	v31 =	vadd.s32 $0x2880, v5  }
0x105: {  	v12 =	vadd.s32 $0xD80, v0;
	v11 =	vld.idx.msk [tilespmem:v6+s2+$0x0], $0xffff;
	v32 =	vadd.s32 $0xD80, v2;
	v33 =	vadd.s32 $0x1B00, v2  }
0x106: {  	v34 =	vadd.s32 $0x2880, v2;
	v14 =	vld.idx.msk [tilespmem:v3+s2+$0x0], $0xffff;
	v35 =	vadd.s32 $0xD80, v24;
	v36 =	vadd.s32 $0x1B00, v24  }
0x107: {  	v37 =	vadd.s32 $0x2880, v24;
	v19 =	vld.idx.msk [tilespmem:v5+s2+$0x0], $0xffff;
	v38 =	vadd.s32 $0xD80, v27;
	v39 =	vadd.s32 $0x1B00, v27  }
0x108: {  	s20 =	sadd.s32 $0x12C00, s19;
	v40 =	vadd.s32 $0x3600, v4;
	v41 =	vadd.s32 $0x3600, v6;
	v43 =	vadd.s32 $0x2880, v27;
	v42 =	vld.idx.msk [tilespmem:v2+s2+$0x0], $0xffff  }
0x109: {  	v44 =	vadd.s32 $0x3600, v3;
	v45 =	vadd.s32 $0x3600, v5;
	v46 =	vadd.s32 $0x3600, v2;
	v47 =	vld.idx.msk [tilespmem:v24+s2+$0x0], $0xffff;
	[tilespmem:s20+$0x70] =	vst v9  }
0x10a: {  	v20 =	vadd.s32 $0x4380, v4;
	v48 =	vadd.s32 $0x3600, v24;
	v49 =	vadd.s32 $0x3600, v27;
	[tilespmem:s19+$0x12C00] =	vst v10;
	v50 =	vld.idx.msk [tilespmem:v12+s2+$0x0], $0xffff  }
0x10b: {  	v21 =	vadd.s32 $0x4380, v6;
	v18 =	vadd.s32 $0x4380, v3;
	v16 =	vadd.s32 $0x4380, v5;
	[tilespmem:s20+$0x10] =	vst v11;
	v51 =	vld.idx.msk [tilespmem:v27+s2+$0x0], $0xffff  }
0x10c: {  	v53 =	vadd.s32 $0x1B00, v0;
	v17 =	vadd.s32 $0x4380, v2;
	v15 =	vadd.s32 $0x4380, v24;
	v52 =	vld.idx.msk [tilespmem:v1+s2+$0x0], $0xffff;
	[tilespmem:s20+$0x20] =	vst v14  }
0x10d: {  	v12 =	vadd.s32 $0x5100, v4;
	v10 =	vadd.s32 $0x5100, v6;
	v54 =	vld.idx.msk [tilespmem:v7+s2+$0x0], $0xffff;
	[tilespmem:s20+$0x30] =	vst v19;
	v19 =	vadd.s32 $0x4380, v27  }
0x10e: {  	v9 =	vadd.s32 $0x5100, v2;
	v11 =	vadd.s32 $0x5100, v5;
	v14 =	vadd.s32 $0x5100, v3;
	v55 =	vld.idx.msk [tilespmem:v8+s2+$0x0], $0xffff;
	[tilespmem:s20+$0x40] =	vst v42  }
0x10f: {  	v4 =	vadd.s32 $0x5E80, v4;
	v8 =	vadd.s32 $0x5100, v27;
	v42 =	vld.idx.msk [tilespmem:v13+s2+$0x0], $0xffff;
	[tilespmem:s20+$0x50] =	vst v47;
	v13 =	vadd.s32 $0x5100, v24  }
0x110: {  	v7 =	vadd.s32 $0x5E80, v6;
	v6 =	vadd.s32 $0x5E80, v3;
	v3 =	vadd.s32 $0x5E80, v5;
	v32 =	vld.idx.msk [tilespmem:v32+s2+$0x0], $0xffff;
	[tilespmem:s20+$0x1070] =	vst v50  }
0x111: {  	v1 =	vadd.s32 $0x5E80, v27;
	v5 =	vadd.s32 $0x5E80, v2;
	v2 =	vadd.s32 $0x5E80, v24;
	[tilespmem:s20+$0x60] =	vst v51;
	v24 =	vld.idx.msk [tilespmem:v53+s2+$0x0], $0xffff  }
0x112: {  	[tilespmem:s19+$0x13C00] =	vst v52;
	v27 =	vld.idx.msk [tilespmem:v35+s2+$0x0], $0xffff  }
0x113: {  	[tilespmem:s20+$0x1010] =	vst v54;
	v35 =	vld.idx.msk [tilespmem:v38+s2+$0x0], $0xffff;
	v38 =	vadd.s32 $0x2880, v0  }
0x114: {  	v22 =	vld.idx.msk [tilespmem:v22+s2+$0x0], $0xffff;
	[tilespmem:s20+$0x1020] =	vst v55  }
0x115: {  	v25 =	vld.idx.msk [tilespmem:v25+s2+$0x0], $0xffff;
	[tilespmem:s20+$0x1030] =	vst v42  }
0x116: {  	v28 =	vld.idx.msk [tilespmem:v28+s2+$0x0], $0xffff;
	[tilespmem:s20+$0x1040] =	vst v32  }
0x117: {  	v30 =	vld.idx.msk [tilespmem:v30+s2+$0x0], $0xffff;
	[tilespmem:s20+$0x2070] =	vst v24  }
0x118: {  	[tilespmem:s20+$0x1050] =	vst v27;
	v24 =	vld.idx.msk [tilespmem:v38+s2+$0x0], $0xffff  }
0x119: {  	v27 =	vld.idx.msk [tilespmem:v33+s2+$0x0], $0xffff;
	[tilespmem:s20+$0x1060] =	vst v35  }
0x11a: {  	v32 =	vadd.s32 $0x3600, v0;
	[tilespmem:s19+$0x14C00] =	vst v22;
	v22 =	vld.idx.msk [tilespmem:v36+s2+$0x0], $0xffff  }
0x11b: {  	[tilespmem:s20+$0x2010] =	vst v25;
	v25 =	vld.idx.msk [tilespmem:v39+s2+$0x0], $0xffff  }
0x11c: {  	v23 =	vld.idx.msk [tilespmem:v23+s2+$0x0], $0xffff;
	[tilespmem:s20+$0x2020] =	vst v28  }
0x11d: {  	v26 =	vld.idx.msk [tilespmem:v26+s2+$0x0], $0xffff;
	[tilespmem:s20+$0x2030] =	vst v30  }
0x11e: {  	v28 =	vld.idx.msk [tilespmem:v29+s2+$0x0], $0xffff;
	[tilespmem:s20+$0x3070] =	vst v24  }
0x11f: {  	[tilespmem:s20+$0x2040] =	vst v27;
	v24 =	vld.idx.msk [tilespmem:v32+s2+$0x0], $0xffff  }
0x120: {  	v27 =	vld.idx.msk [tilespmem:v31+s2+$0x0], $0xffff;
	[tilespmem:s20+$0x2050] =	vst v22  }
0x121: {  	v22 =	vld.idx.msk [tilespmem:v34+s2+$0x0], $0xffff;
	[tilespmem:s20+$0x2060] =	vst v25;
	v25 =	vadd.s32 $0x4380, v0  }
0x122: {  	[tilespmem:s19+$0x15C00] =	vst v23;
	v23 =	vld.idx.msk [tilespmem:v37+s2+$0x0], $0xffff  }
0x123: {  	[tilespmem:s20+$0x3010] =	vst v26;
	v26 =	vld.idx.msk [tilespmem:v43+s2+$0x0], $0xffff  }
0x124: {  	v29 =	vld.idx.msk [tilespmem:v40+s2+$0x0], $0xffff;
	[tilespmem:s20+$0x3020] =	vst v28  }
0x125: {  	v28 =	vld.idx.msk [tilespmem:v41+s2+$0x0], $0xffff;
	[tilespmem:s20+$0x4070] =	vst v24  }
0x126: {  	[tilespmem:s20+$0x3030] =	vst v27;
	v24 =	vld.idx.msk [tilespmem:v25+s2+$0x0], $0xffff  }
0x127: {  	v25 =	vld.idx.msk [tilespmem:v44+s2+$0x0], $0xffff;
	[tilespmem:s20+$0x3040] =	vst v22  }
0x128: {  	v22 =	vld.idx.msk [tilespmem:v45+s2+$0x0], $0xffff;
	[tilespmem:s20+$0x3050] =	vst v23;
	v23 =	vadd.s32 $0x5100, v0  }
0x129: {  	v27 =	vld.idx.msk [tilespmem:v46+s2+$0x0], $0xffff;
	[tilespmem:s20+$0x3060] =	vst v26  }
0x12a: {  	[tilespmem:s19+$0x16C00] =	vst v29;
	v26 =	vld.idx.msk [tilespmem:v48+s2+$0x0], $0xffff  }
0x12b: {  	[tilespmem:s20+$0x4010] =	vst v28;
	v28 =	vld.idx.msk [tilespmem:v49+s2+$0x0], $0xffff  }
0x12c: {  	v20 =	vld.idx.msk [tilespmem:v20+s2+$0x0], $0xffff;
	[tilespmem:s20+$0x5070] =	vst v24  }
0x12d: {  	[tilespmem:s20+$0x4020] =	vst v25;
	v23 =	vld.idx.msk [tilespmem:v23+s2+$0x0], $0xffff  }
0x12e: {  	v21 =	vld.idx.msk [tilespmem:v21+s2+$0x0], $0xffff;
	[tilespmem:s20+$0x4030] =	vst v22  }
0x12f: {  	v0 =	vadd.s32 $0x5E80, v0;
	v18 =	vld.idx.msk [tilespmem:v18+s2+$0x0], $0xffff;
	[tilespmem:s20+$0x4040] =	vst v27  }
0x130: {  	v16 =	vld.idx.msk [tilespmem:v16+s2+$0x0], $0xffff;
	[tilespmem:s20+$0x4050] =	vst v26  }
0x131: {  	v17 =	vld.idx.msk [tilespmem:v17+s2+$0x0], $0xffff;
	[tilespmem:s20+$0x4060] =	vst v28  }
0x132: {  	[tilespmem:s19+$0x17C00] =	vst v20;
	v15 =	vld.idx.msk [tilespmem:v15+s2+$0x0], $0xffff  }
0x133: {  	v19 =	vld.idx.msk [tilespmem:v19+s2+$0x0], $0xffff;
	[tilespmem:s20+$0x6070] =	vst v23  }
0x134: {  	[tilespmem:s20+$0x5010] =	vst v21;
	v0 =	vld.idx.msk [tilespmem:v0+s2+$0x0], $0xffff  }
0x135: {  	v12 =	vld.idx.msk [tilespmem:v12+s2+$0x0], $0xffff;
	[tilespmem:s20+$0x5020] =	vst v18  }
0x136: {  	v10 =	vld.idx.msk [tilespmem:v10+s2+$0x0], $0xffff;
	[tilespmem:s20+$0x5030] =	vst v16  }
0x137: {  	v14 =	vld.idx.msk [tilespmem:v14+s2+$0x0], $0xffff;
	[tilespmem:s20+$0x5040] =	vst v17  }
0x138: {  	v11 =	vld.idx.msk [tilespmem:v11+s2+$0x0], $0xffff;
	[tilespmem:s20+$0x5050] =	vst v15  }
0x139: {  	v15 =	vld.idx.msk [tilespmem:v9+s2+$0x0], $0xffff;
	[tilespmem:s20+$0x5060] =	vst v19  }
0x13a: {  	v13 =	vld.idx.msk [tilespmem:v13+s2+$0x0], $0xffff;
	[tilespmem:s20+$0x7070] =	vst v0  }
0x13b: {  	[tilespmem:s19+$0x18C00] =	vst v12;
	v9 =	vld.idx.msk [tilespmem:v8+s2+$0x0], $0xffff  }
.Ltmp1:
0x13c: {  	v8 =	vld.idx.msk [tilespmem:v4+s2+$0x0], $0xffff;
	[tilespmem:s20+$0x6010] =	vst v10;
	(pc) =	sbr.rel @p0 .LBB2_4-.Ltmp1, $4  }
0x13d: {  	v4 =	vld.idx.msk [tilespmem:v7+s2+$0x0], $0xffff;
	[tilespmem:s20+$0x6020] =	vst v14  }
0x13e: {  	v6 =	vld.idx.msk [tilespmem:v6+s2+$0x0], $0xffff;
	[tilespmem:s20+$0x6030] =	vst v11  }
0x13f: {  	v3 =	vld.idx.msk [tilespmem:v3+s2+$0x0], $0xffff;
	[tilespmem:s20+$0x6040] =	vst v15  }
0x140: {  	s22 =	sadd.s32 $0x400, s22;
	s23 =	sadd.s32 $0x20, s23;
	v5 =	vld.idx.msk [tilespmem:v5+s2+$0x0], $0xffff;
	[tilespmem:s20+$0x6050] =	vst v13  }
0x141: {  	_ =	sdelay $0x2  }
0x142: {  	[tilespmem:s20+$0x6060] =	vst v9  }
0x143: {  	v0 =	vld.idx.msk [tilespmem:v2+s2+$0x0], $0xffff;
	[tilespmem:s19+$0x19C00] =	vst v8  }
0x144: {  	v1 =	vld.idx.msk [tilespmem:v1+s2+$0x0], $0xffff;
	[tilespmem:s20+$0x7010] =	vst v4  }
0x145: {  	[tilespmem:s20+$0x7020] =	vst v6  }
0x146: {  	[tilespmem:s20+$0x7030] =	vst v3  }
0x147: {  	[tilespmem:s20+$0x7040] =	vst v5  }
0x148: {  	[tilespmem:s20+$0x7050] =	vst v0  }
0x149: {  	[tilespmem:s20+$0x7060] =	vst v1  }
0x14a: {  	[hbm4b:s6+s12] =	stream.strided.scatter [tilespmem:s15], [sflag:$0x2], $0x8000, s13, s12, $0x38;
	[tilespmem:$0x1AC00] =	vst v63  }
0x14b: {  	s30 =	simm.s32 $0x0;
	_ =	swait.ge [sflag:s16], $0x8000  }
0x14c: {  	s31 =	sand.u32 $0xC00, s30;
	s19 =	sand.u32 $0x380, s30;
	[sflag:s16] =	ssyncset.done $0x0  }
0x14d: {  	s19 =	sor.u32 s19, s31;
	[sflag:s16] =	ssyncadd.s32 $0xFFFF8000  }
0x14e: {  	v7 =	vld [tilespmem:s19+$0x8C70]  }
0x14f: {  	v6 =	vld [tilespmem:s19+$0x8C00]  }
0x150: {  	v5 =	vld [tilespmem:s19+$0x8C10]  }
0x151: {  	v4 =	vld [tilespmem:s19+$0x8C20]  }
0x152: {  	v3 =	vld [tilespmem:s19+$0x8C30]  }
0x153: {  	v2 =	vld [tilespmem:s19+$0x8C40]  }
0x154: {  	v0 =	vld [tilespmem:s19+$0x8C50]  }
0x155: {  	v1 =	vld [tilespmem:s19+$0x8C60]  }
0x156: {  	v8 =	vld.idx.msk [tilespmem:v7+s2+$0x0], $0xffff  }
0x157: {  	v9 =	vld.idx.msk [tilespmem:v6+s2+$0x0], $0xffff  }
0x158: {  	v10 =	vld.idx.msk [tilespmem:v5+s2+$0x0], $0xffff  }
0x159: {  	v11 =	vadd.s32 $0xD80, v7;
	v12 =	vld.idx.msk [tilespmem:v4+s2+$0x0], $0xffff  }
0x15a: {  	v13 =	vadd.s32 $0xD80, v6;
	v14 =	vld.idx.msk [tilespmem:v3+s2+$0x0], $0xffff  }
0x15b: {  	v15 =	vadd.s32 $0xD80, v5;
	v16 =	vld.idx.msk [tilespmem:v2+s2+$0x0], $0xffff  }
0x15c: {  	v17 =	vadd.s32 $0xD80, v4;
	v18 =	vld.idx.msk [tilespmem:v0+s2+$0x0], $0xffff;
	[tilespmem:s19+$0xAC70] =	vst v8  }
0x15d: {  	v19 =	vadd.s32 $0xD80, v0;
	[tilespmem:s19+$0xAC10] =	vst v10;
	v10 =	vld.idx.msk [tilespmem:v1+s2+$0x0], $0xffff  }
0x15e: {  	v8 =	vadd.s32 $0xD80, v3;
	[tilespmem:s19+$0xAC00] =	vst v9;
	v9 =	vld.idx.msk [tilespmem:v11+s2+$0x0], $0xffff  }
0x15f: {  	[tilespmem:s19+$0xAC20] =	vst v12;
	v11 =	vadd.s32 $0xD80, v2;
	v13 =	vld.idx.msk [tilespmem:v13+s2+$0x0], $0xffff  }
0x160: {  	v26 =	vadd.s32 $0xD80, v1;
	[tilespmem:s19+$0xAC30] =	vst v14;
	v15 =	vld.idx.msk [tilespmem:v15+s2+$0x0], $0xffff  }
0x161: {  	v25 =	vadd.s32 $0x1B00, v7;
	[tilespmem:s19+$0xAC50] =	vst v18;
	v17 =	vld.idx.msk [tilespmem:v17+s2+$0x0], $0xffff  }
0x162: {  	v27 =	vadd.s32 $0x1B00, v6;
	[tilespmem:s19+$0xAC40] =	vst v16;
	v30 =	vld.idx.msk [tilespmem:v19+s2+$0x0], $0xffff  }
0x163: {  	v28 =	vadd.s32 $0x1B00, v5;
	v8 =	vld.idx.msk [tilespmem:v8+s2+$0x0], $0xffff;
	[tilespmem:s19+$0xAC60] =	vst v10  }
0x164: {  	v33 =	vadd.s32 $0x1B00, v0;
	v11 =	vld.idx.msk [tilespmem:v11+s2+$0x0], $0xffff;
	[tilespmem:s19+$0xBC70] =	vst v9  }
0x165: {  	v9 =	vadd.s32 $0x1B00, v4;
	[tilespmem:s19+$0xBC00] =	vst v13;
	v14 =	vld.idx.msk [tilespmem:v26+s2+$0x0], $0xffff  }
0x166: {  	v29 =	vadd.s32 $0x1B00, v3;
	[tilespmem:s19+$0xBC10] =	vst v15;
	v10 =	vld.idx.msk [tilespmem:v25+s2+$0x0], $0xffff  }
0x167: {  	v32 =	vadd.s32 $0x1B00, v2;
	[tilespmem:s19+$0xBC20] =	vst v17;
	v16 =	vld.idx.msk [tilespmem:v27+s2+$0x0], $0xffff  }
0x168: {  	v31 =	vadd.s32 $0x2880, v7;
	[tilespmem:s19+$0xBC50] =	vst v30;
	v18 =	vld.idx.msk [tilespmem:v28+s2+$0x0], $0xffff  }
0x169: {  	v36 =	vld.idx.msk [tilespmem:v33+s2+$0x0], $0xffff;
	[tilespmem:s19+$0xBC30] =	vst v8;
	v8 =	vadd.s32 $0x1B00, v1  }
0x16a: {  	v9 =	vld.idx.msk [tilespmem:v9+s2+$0x0], $0xffff;
	[tilespmem:s19+$0xBC40] =	vst v11;
	v11 =	vadd.s32 $0x2880, v6  }
0x16b: {  	v12 =	vld.idx.msk [tilespmem:v29+s2+$0x0], $0xffff;
	[tilespmem:s19+$0xCC70] =	vst v10;
	v10 =	vadd.s32 $0x2880, v5  }
0x16c: {  	v35 =	vadd.s32 $0x2880, v4;
	[tilespmem:s19+$0xBC60] =	vst v14;
	v19 =	vld.idx.msk [tilespmem:v32+s2+$0x0], $0xffff  }
0x16d: {  	v38 =	vadd.s32 $0x2880, v3;
	[tilespmem:s19+$0xCC00] =	vst v16;
	v34 =	vld.idx.msk [tilespmem:v31+s2+$0x0], $0xffff  }
0x16e: {  	v39 =	vadd.s32 $0x2880, v2;
	[tilespmem:s19+$0xCC10] =	vst v18;
	v8 =	vld.idx.msk [tilespmem:v8+s2+$0x0], $0xffff  }
0x16f: {  	v37 =	vadd.s32 $0x3600, v7;
	[tilespmem:s19+$0xCC50] =	vst v36;
	v11 =	vld.idx.msk [tilespmem:v11+s2+$0x0], $0xffff  }
0x170: {  	[tilespmem:s19+$0xCC20] =	vst v9;
	v9 =	vadd.s32 $0x2880, v0;
	v10 =	vld.idx.msk [tilespmem:v10+s2+$0x0], $0xffff  }
0x171: {  	v40 =	vadd.s32 $0x2880, v1;
	[tilespmem:s19+$0xCC30] =	vst v12;
	v15 =	vld.idx.msk [tilespmem:v35+s2+$0x0], $0xffff  }
0x172: {  	v41 =	vadd.s32 $0x3600, v6;
	[tilespmem:s19+$0xCC40] =	vst v19;
	v17 =	vld.idx.msk [tilespmem:v38+s2+$0x0], $0xffff  }
0x173: {  	v42 =	vadd.s32 $0x3600, v5;
	[tilespmem:s19+$0xDC70] =	vst v34;
	v43 =	vld.idx.msk [tilespmem:v39+s2+$0x0], $0xffff  }
0x174: {  	v44 =	vadd.s32 $0x3600, v4;
	v16 =	vld.idx.msk [tilespmem:v37+s2+$0x0], $0xffff;
	[tilespmem:s19+$0xCC60] =	vst v8  }
0x175: {  	v45 =	vadd.s32 $0x3600, v2;
	[tilespmem:s19+$0xDC00] =	vst v11;
	v9 =	vld.idx.msk [tilespmem:v9+s2+$0x0], $0xffff  }
0x176: {  	v8 =	vadd.s32 $0x4380, v7;
	[tilespmem:s19+$0xDC10] =	vst v10;
	v10 =	vld.idx.msk [tilespmem:v40+s2+$0x0], $0xffff  }
0x177: {  	v11 =	vadd.s32 $0x3600, v3;
	v13 =	vld.idx.msk [tilespmem:v41+s2+$0x0], $0xffff;
	[tilespmem:s19+$0xDC20] =	vst v15  }
0x178: {  	v46 =	vadd.s32 $0x3600, v0;
	[tilespmem:s19+$0xDC30] =	vst v17;
	v19 =	vld.idx.msk [tilespmem:v42+s2+$0x0], $0xffff  }
0x179: {  	v47 =	vadd.s32 $0x3600, v1;
	v18 =	vld.idx.msk [tilespmem:v44+s2+$0x0], $0xffff;
	[tilespmem:s19+$0xDC40] =	vst v43  }
0x17a: {  	v48 =	vadd.s32 $0x4380, v6;
	[tilespmem:s19+$0xEC70] =	vst v16;
	v12 =	vld.idx.msk [tilespmem:v45+s2+$0x0], $0xffff  }
0x17b: {  	v49 =	vadd.s32 $0x4380, v5;
	v8 =	vld.idx.msk [tilespmem:v8+s2+$0x0], $0xffff;
	[tilespmem:s19+$0xDC50] =	vst v9  }
0x17c: {  	v52 =	vadd.s32 $0x4380, v2;
	v11 =	vld.idx.msk [tilespmem:v11+s2+$0x0], $0xffff;
	[tilespmem:s19+$0xDC60] =	vst v10  }
0x17d: {  	v9 =	vadd.s32 $0x5100, v7;
	[tilespmem:s19+$0xEC00] =	vst v13;
	v50 =	vld.idx.msk [tilespmem:v46+s2+$0x0], $0xffff  }
0x17e: {  	v10 =	vadd.s32 $0x4380, v4;
	[tilespmem:s19+$0xEC10] =	vst v19;
	v16 =	vld.idx.msk [tilespmem:v47+s2+$0x0], $0xffff  }
0x17f: {  	v51 =	vadd.s32 $0x4380, v3;
	v17 =	vld.idx.msk [tilespmem:v48+s2+$0x0], $0xffff;
	[tilespmem:s19+$0xEC20] =	vst v18  }
0x180: {  	v53 =	vadd.s32 $0x4380, v1;
	v14 =	vld.idx.msk [tilespmem:v49+s2+$0x0], $0xffff;
	[tilespmem:s19+$0xEC40] =	vst v12  }
0x181: {  	[tilespmem:s19+$0xFC70] =	vst v8;
	v8 =	vadd.s32 $0x4380, v0;
	v56 =	vld.idx.msk [tilespmem:v52+s2+$0x0], $0xffff  }
0x182: {  	v55 =	vadd.s32 $0x5100, v5;
	v9 =	vld.idx.msk [tilespmem:v9+s2+$0x0], $0xffff;
	[tilespmem:s19+$0xEC30] =	vst v11  }
0x183: {  	v11 =	vadd.s32 $0x5100, v6;
	v10 =	vld.idx.msk [tilespmem:v10+s2+$0x0], $0xffff;
	[tilespmem:s19+$0xEC50] =	vst v50  }
0x184: {  	v7 =	vadd.s32 $0x5E80, v7;
	v54 =	vld.idx.msk [tilespmem:v51+s2+$0x0], $0xffff;
	[tilespmem:s19+$0xEC60] =	vst v16  }
0x185: {  	v57 =	vadd.s32 $0x5100, v4;
	[tilespmem:s19+$0xFC00] =	vst v17;
	v18 =	vld.idx.msk [tilespmem:v53+s2+$0x0], $0xffff  }
0x186: {  	s23 =	sadd.s32 $0xAC00, s19;
	v58 =	vadd.s32 $0x5100, v3;
	[tilespmem:s19+$0xFC10] =	vst v14;
	v8 =	vld.idx.msk [tilespmem:v8+s2+$0x0], $0xffff  }
0x187: {  	v13 =	vld.idx.msk [tilespmem:v55+s2+$0x0], $0xffff;
	[tilespmem:s23+$0x6070] =	vst v9;
	v9 =	vadd.s32 $0x5100, v2  }
0x188: {  	v59 =	vadd.s32 $0x5100, v0;
	[tilespmem:s19+$0xFC40] =	vst v56;
	v11 =	vld.idx.msk [tilespmem:v11+s2+$0x0], $0xffff  }
0x189: {  	v5 =	vadd.s32 $0x5E80, v5;
	v7 =	vld.idx.msk [tilespmem:v7+s2+$0x0], $0xffff;
	[tilespmem:s19+$0xFC20] =	vst v10  }
0x18a: {  	v10 =	vadd.s32 $0x5100, v1;
	[tilespmem:s19+$0xFC30] =	vst v54;
	v60 =	vld.idx.msk [tilespmem:v57+s2+$0x0], $0xffff  }
0x18b: {  	v6 =	vadd.s32 $0x5E80, v6;
	v61 =	vld.idx.msk [tilespmem:v58+s2+$0x0], $0xffff;
	[tilespmem:s19+$0xFC60] =	vst v18  }
0x18c: {  	v62 =	vadd.s32 $0x5E80, v4;
	[tilespmem:s19+$0xFC50] =	vst v8;
	v63 =	vld.idx.msk [tilespmem:v9+s2+$0x0], $0xffff  }
0x18d: {  	v3 =	vadd.s32 $0x5E80, v3;
	[tilespmem:s23+$0x6010] =	vst v13;
	v14 =	vld.idx.msk [tilespmem:v59+s2+$0x0], $0xffff  }
0x18e: {  	v4 =	vld.idx.msk [tilespmem:v5+s2+$0x0], $0xffff;
	[tilespmem:s23+$0x7070] =	vst v7;
	v7 =	vadd.s32 $0x5E80, v2  }
0x18f: {  	[tilespmem:s19+$0x10C00] =	vst v11;
	v9 =	vld.idx.msk [tilespmem:v10+s2+$0x0], $0xffff;
	v2 =	vadd.s32 $0x5E80, v0  }
0x190: {  	v1 =	vadd.s32 $0x5E80, v1;
	v8 =	vld.idx.msk [tilespmem:v6+s2+$0x0], $0xffff;
	[tilespmem:s23+$0x6020] =	vst v60  }
0x191: {  	[tilespmem:s23+$0x6030] =	vst v61;
	v6 =	vld.idx.msk [tilespmem:v62+s2+$0x0], $0xffff  }
0x192: {  	v3 =	vld.idx.msk [tilespmem:v3+s2+$0x0], $0xffff;
	[tilespmem:s23+$0x6040] =	vst v63  }
0x193: {  	s21 =	simm.s32 $0x400;
	s22 =	simm.s32 $0x20;
	s20 =	simm.s32 $0x0;
	[tilespmem:s23+$0x6050] =	vst v14;
	v5 =	vld.idx.msk [tilespmem:v7+s2+$0x0], $0xffff  }
.LBB2_6:
0x194: {  	s24 =	sand.u32 $0xC00, s21;
	s25 =	sand.u32 $0x380, s22;
	s20 =	sadd.s32 $0x80, s20;
	v2 =	vld.idx.msk [tilespmem:v2+s2+$0x0], $0xffff;
	[tilespmem:s23+$0x6060] =	vst v9  }
0x195: {  	p0 =	slt.u32 s20, $0xF80;
	[tilespmem:s19+$0x11C00] =	vst v8;
	s19 =	sor.u32 s25, s24;
	v1 =	vld.idx.msk [tilespmem:v1+s2+$0x0], $0xffff  }
0x196: {  	v0 =	vld [tilespmem:s19+$0x8C70];
	[tilespmem:s23+$0x7010] =	vst v4  }
0x197: {  	v4 =	vld [tilespmem:s19+$0x8C00];
	[tilespmem:s23+$0x7020] =	vst v6  }
0x198: {  	v6 =	vld [tilespmem:s19+$0x8C10];
	[tilespmem:s23+$0x7030] =	vst v3  }
0x199: {  	v3 =	vld [tilespmem:s19+$0x8C20];
	[tilespmem:s23+$0x7040] =	vst v5  }
0x19a: {  	v5 =	vld [tilespmem:s19+$0x8C30];
	[tilespmem:s23+$0x7050] =	vst v2  }
0x19b: {  	v2 =	vld [tilespmem:s19+$0x8C40];
	[tilespmem:s23+$0x7060] =	vst v1  }
0x19c: {  	v1 =	vadd.s32 $0xD80, v4;
	v22 =	vadd.s32 $0x1B00, v4;
	v23 =	vadd.s32 $0x2880, v4;
	v24 =	vld [tilespmem:s19+$0x8C50]  }
0x19d: {  	v7 =	vadd.s32 $0xD80, v6;
	v25 =	vadd.s32 $0x1B00, v6;
	v26 =	vadd.s32 $0x2880, v6;
	v27 =	vld [tilespmem:s19+$0x8C60]  }
0x19e: {  	v8 =	vadd.s32 $0xD80, v3;
	v28 =	vadd.s32 $0x1B00, v3;
	v29 =	vadd.s32 $0x2880, v3;
	v9 =	vld.idx.msk [tilespmem:v0+s2+$0x0], $0xffff  }
0x19f: {  	v10 =	vld.idx.msk [tilespmem:v4+s2+$0x0], $0xffff;
	v13 =	vadd.s32 $0xD80, v5;
	v30 =	vadd.s32 $0x1B00, v5;
	v31 =	vadd.s32 $0x2880, v5  }
0x1a0: {  	v12 =	vadd.s32 $0xD80, v0;
	v11 =	vld.idx.msk [tilespmem:v6+s2+$0x0], $0xffff;
	v32 =	vadd.s32 $0xD80, v2;
	v33 =	vadd.s32 $0x1B00, v2  }
0x1a1: {  	v34 =	vadd.s32 $0x2880, v2;
	v14 =	vld.idx.msk [tilespmem:v3+s2+$0x0], $0xffff;
	v35 =	vadd.s32 $0xD80, v24;
	v36 =	vadd.s32 $0x1B00, v24  }
0x1a2: {  	v37 =	vadd.s32 $0x2880, v24;
	v19 =	vld.idx.msk [tilespmem:v5+s2+$0x0], $0xffff;
	v38 =	vadd.s32 $0xD80, v27;
	v39 =	vadd.s32 $0x1B00, v27  }
0x1a3: {  	v40 =	vadd.s32 $0x3600, v4;
	v41 =	vadd.s32 $0x3600, v6;
	v43 =	vadd.s32 $0x2880, v27;
	v42 =	vld.idx.msk [tilespmem:v2+s2+$0x0], $0xffff  }
0x1a4: {  	v44 =	vadd.s32 $0x3600, v3;
	v45 =	vadd.s32 $0x3600, v5;
	v46 =	vadd.s32 $0x3600, v2;
	v47 =	vld.idx.msk [tilespmem:v24+s2+$0x0], $0xffff;
	[tilespmem:s19+$0xAC70] =	vst v9  }
0x1a5: {  	v20 =	vadd.s32 $0x4380, v4;
	v48 =	vadd.s32 $0x3600, v24;
	v49 =	vadd.s32 $0x3600, v27;
	[tilespmem:s19+$0xAC00] =	vst v10;
	v50 =	vld.idx.msk [tilespmem:v12+s2+$0x0], $0xffff  }
0x1a6: {  	v21 =	vadd.s32 $0x4380, v6;
	v18 =	vadd.s32 $0x4380, v3;
	v16 =	vadd.s32 $0x4380, v5;
	[tilespmem:s19+$0xAC10] =	vst v11;
	v51 =	vld.idx.msk [tilespmem:v27+s2+$0x0], $0xffff  }
0x1a7: {  	v53 =	vadd.s32 $0x1B00, v0;
	v17 =	vadd.s32 $0x4380, v2;
	v15 =	vadd.s32 $0x4380, v24;
	v52 =	vld.idx.msk [tilespmem:v1+s2+$0x0], $0xffff;
	[tilespmem:s19+$0xAC20] =	vst v14  }
0x1a8: {  	v12 =	vadd.s32 $0x5100, v4;
	v10 =	vadd.s32 $0x5100, v6;
	v54 =	vld.idx.msk [tilespmem:v7+s2+$0x0], $0xffff;
	[tilespmem:s19+$0xAC30] =	vst v19;
	v19 =	vadd.s32 $0x4380, v27  }
0x1a9: {  	v9 =	vadd.s32 $0x5100, v2;
	v11 =	vadd.s32 $0x5100, v5;
	v14 =	vadd.s32 $0x5100, v3;
	v55 =	vld.idx.msk [tilespmem:v8+s2+$0x0], $0xffff;
	[tilespmem:s19+$0xAC40] =	vst v42  }
0x1aa: {  	v4 =	vadd.s32 $0x5E80, v4;
	v8 =	vadd.s32 $0x5100, v27;
	v42 =	vld.idx.msk [tilespmem:v13+s2+$0x0], $0xffff;
	[tilespmem:s19+$0xAC50] =	vst v47;
	v13 =	vadd.s32 $0x5100, v24  }
0x1ab: {  	v7 =	vadd.s32 $0x5E80, v6;
	v6 =	vadd.s32 $0x5E80, v3;
	v3 =	vadd.s32 $0x5E80, v5;
	v32 =	vld.idx.msk [tilespmem:v32+s2+$0x0], $0xffff;
	[tilespmem:s19+$0xBC70] =	vst v50  }
0x1ac: {  	v1 =	vadd.s32 $0x5E80, v27;
	v5 =	vadd.s32 $0x5E80, v2;
	v2 =	vadd.s32 $0x5E80, v24;
	[tilespmem:s19+$0xAC60] =	vst v51;
	v24 =	vld.idx.msk [tilespmem:v53+s2+$0x0], $0xffff  }
0x1ad: {  	[tilespmem:s19+$0xBC00] =	vst v52;
	v27 =	vld.idx.msk [tilespmem:v35+s2+$0x0], $0xffff  }
0x1ae: {  	[tilespmem:s19+$0xBC10] =	vst v54;
	v35 =	vld.idx.msk [tilespmem:v38+s2+$0x0], $0xffff;
	v38 =	vadd.s32 $0x2880, v0  }
0x1af: {  	v22 =	vld.idx.msk [tilespmem:v22+s2+$0x0], $0xffff;
	[tilespmem:s19+$0xBC20] =	vst v55  }
0x1b0: {  	v25 =	vld.idx.msk [tilespmem:v25+s2+$0x0], $0xffff;
	[tilespmem:s19+$0xBC30] =	vst v42  }
0x1b1: {  	v28 =	vld.idx.msk [tilespmem:v28+s2+$0x0], $0xffff;
	[tilespmem:s19+$0xBC40] =	vst v32  }
0x1b2: {  	v30 =	vld.idx.msk [tilespmem:v30+s2+$0x0], $0xffff;
	[tilespmem:s19+$0xCC70] =	vst v24  }
0x1b3: {  	[tilespmem:s19+$0xBC50] =	vst v27;
	v24 =	vld.idx.msk [tilespmem:v38+s2+$0x0], $0xffff  }
0x1b4: {  	v27 =	vld.idx.msk [tilespmem:v33+s2+$0x0], $0xffff;
	[tilespmem:s19+$0xBC60] =	vst v35  }
0x1b5: {  	v32 =	vadd.s32 $0x3600, v0;
	[tilespmem:s19+$0xCC00] =	vst v22;
	v22 =	vld.idx.msk [tilespmem:v36+s2+$0x0], $0xffff  }
0x1b6: {  	[tilespmem:s19+$0xCC10] =	vst v25;
	v25 =	vld.idx.msk [tilespmem:v39+s2+$0x0], $0xffff  }
0x1b7: {  	v23 =	vld.idx.msk [tilespmem:v23+s2+$0x0], $0xffff;
	[tilespmem:s19+$0xCC20] =	vst v28  }
0x1b8: {  	v26 =	vld.idx.msk [tilespmem:v26+s2+$0x0], $0xffff;
	[tilespmem:s19+$0xCC30] =	vst v30  }
0x1b9: {  	v28 =	vld.idx.msk [tilespmem:v29+s2+$0x0], $0xffff;
	[tilespmem:s19+$0xDC70] =	vst v24  }
0x1ba: {  	[tilespmem:s19+$0xCC40] =	vst v27;
	v24 =	vld.idx.msk [tilespmem:v32+s2+$0x0], $0xffff  }
0x1bb: {  	v27 =	vld.idx.msk [tilespmem:v31+s2+$0x0], $0xffff;
	[tilespmem:s19+$0xCC50] =	vst v22  }
0x1bc: {  	v22 =	vld.idx.msk [tilespmem:v34+s2+$0x0], $0xffff;
	[tilespmem:s19+$0xCC60] =	vst v25;
	v25 =	vadd.s32 $0x4380, v0  }
0x1bd: {  	[tilespmem:s19+$0xDC00] =	vst v23;
	v23 =	vld.idx.msk [tilespmem:v37+s2+$0x0], $0xffff  }
0x1be: {  	[tilespmem:s19+$0xDC10] =	vst v26;
	v26 =	vld.idx.msk [tilespmem:v43+s2+$0x0], $0xffff  }
0x1bf: {  	v29 =	vld.idx.msk [tilespmem:v40+s2+$0x0], $0xffff;
	[tilespmem:s19+$0xDC20] =	vst v28  }
0x1c0: {  	v28 =	vld.idx.msk [tilespmem:v41+s2+$0x0], $0xffff;
	[tilespmem:s19+$0xEC70] =	vst v24  }
0x1c1: {  	[tilespmem:s19+$0xDC30] =	vst v27;
	v24 =	vld.idx.msk [tilespmem:v25+s2+$0x0], $0xffff  }
0x1c2: {  	v25 =	vld.idx.msk [tilespmem:v44+s2+$0x0], $0xffff;
	[tilespmem:s19+$0xDC40] =	vst v22  }
0x1c3: {  	v22 =	vld.idx.msk [tilespmem:v45+s2+$0x0], $0xffff;
	[tilespmem:s19+$0xDC50] =	vst v23;
	v23 =	vadd.s32 $0x5100, v0  }
0x1c4: {  	v27 =	vld.idx.msk [tilespmem:v46+s2+$0x0], $0xffff;
	[tilespmem:s19+$0xDC60] =	vst v26  }
0x1c5: {  	[tilespmem:s19+$0xEC00] =	vst v29;
	v26 =	vld.idx.msk [tilespmem:v48+s2+$0x0], $0xffff  }
0x1c6: {  	[tilespmem:s19+$0xEC10] =	vst v28;
	v28 =	vld.idx.msk [tilespmem:v49+s2+$0x0], $0xffff  }
0x1c7: {  	v20 =	vld.idx.msk [tilespmem:v20+s2+$0x0], $0xffff;
	[tilespmem:s19+$0xFC70] =	vst v24  }
0x1c8: {  	[tilespmem:s19+$0xEC20] =	vst v25;
	v23 =	vld.idx.msk [tilespmem:v23+s2+$0x0], $0xffff  }
0x1c9: {  	v21 =	vld.idx.msk [tilespmem:v21+s2+$0x0], $0xffff;
	[tilespmem:s19+$0xEC30] =	vst v22  }
0x1ca: {  	v0 =	vadd.s32 $0x5E80, v0;
	v18 =	vld.idx.msk [tilespmem:v18+s2+$0x0], $0xffff;
	[tilespmem:s19+$0xEC40] =	vst v27  }
0x1cb: {  	v16 =	vld.idx.msk [tilespmem:v16+s2+$0x0], $0xffff;
	[tilespmem:s19+$0xEC50] =	vst v26  }
0x1cc: {  	v17 =	vld.idx.msk [tilespmem:v17+s2+$0x0], $0xffff;
	[tilespmem:s19+$0xEC60] =	vst v28  }
0x1cd: {  	s23 =	sadd.s32 $0xAC00, s19;
	[tilespmem:s19+$0xFC00] =	vst v20;
	v15 =	vld.idx.msk [tilespmem:v15+s2+$0x0], $0xffff  }
0x1ce: {  	v19 =	vld.idx.msk [tilespmem:v19+s2+$0x0], $0xffff;
	[tilespmem:s23+$0x6070] =	vst v23  }
0x1cf: {  	[tilespmem:s19+$0xFC10] =	vst v21;
	v0 =	vld.idx.msk [tilespmem:v0+s2+$0x0], $0xffff  }
0x1d0: {  	v12 =	vld.idx.msk [tilespmem:v12+s2+$0x0], $0xffff;
	[tilespmem:s19+$0xFC20] =	vst v18  }
0x1d1: {  	v10 =	vld.idx.msk [tilespmem:v10+s2+$0x0], $0xffff;
	[tilespmem:s19+$0xFC30] =	vst v16  }
0x1d2: {  	v14 =	vld.idx.msk [tilespmem:v14+s2+$0x0], $0xffff;
	[tilespmem:s19+$0xFC40] =	vst v17  }
0x1d3: {  	v11 =	vld.idx.msk [tilespmem:v11+s2+$0x0], $0xffff;
	[tilespmem:s19+$0xFC50] =	vst v15  }
0x1d4: {  	v15 =	vld.idx.msk [tilespmem:v9+s2+$0x0], $0xffff;
	[tilespmem:s19+$0xFC60] =	vst v19  }
0x1d5: {  	v13 =	vld.idx.msk [tilespmem:v13+s2+$0x0], $0xffff;
	[tilespmem:s23+$0x7070] =	vst v0  }
0x1d6: {  	[tilespmem:s19+$0x10C00] =	vst v12;
	v9 =	vld.idx.msk [tilespmem:v8+s2+$0x0], $0xffff  }
.Ltmp2:
0x1d7: {  	v8 =	vld.idx.msk [tilespmem:v4+s2+$0x0], $0xffff;
	[tilespmem:s23+$0x6010] =	vst v10;
	(pc) =	sbr.rel @p0 .LBB2_6-.Ltmp2, $4  }
0x1d8: {  	v4 =	vld.idx.msk [tilespmem:v7+s2+$0x0], $0xffff;
	[tilespmem:s23+$0x6020] =	vst v14  }
0x1d9: {  	v6 =	vld.idx.msk [tilespmem:v6+s2+$0x0], $0xffff;
	[tilespmem:s23+$0x6030] =	vst v11  }
0x1da: {  	v3 =	vld.idx.msk [tilespmem:v3+s2+$0x0], $0xffff;
	[tilespmem:s23+$0x6040] =	vst v15  }
0x1db: {  	s21 =	sadd.s32 $0x400, s21;
	s22 =	sadd.s32 $0x20, s22;
	v5 =	vld.idx.msk [tilespmem:v5+s2+$0x0], $0xffff;
	[tilespmem:s23+$0x6050] =	vst v13  }
0x1dc: {  	_ =	sdelay $0x2  }
0x1dd: {  	[tilespmem:s23+$0x6060] =	vst v9  }
0x1de: {  	v0 =	vld.idx.msk [tilespmem:v2+s2+$0x0], $0xffff;
	[tilespmem:s19+$0x11C00] =	vst v8  }
0x1df: {  	v1 =	vld.idx.msk [tilespmem:v1+s2+$0x0], $0xffff;
	[tilespmem:s23+$0x7010] =	vst v4  }
0x1e0: {  	[tilespmem:s23+$0x7020] =	vst v6  }
0x1e1: {  	[tilespmem:s23+$0x7030] =	vst v3  }
0x1e2: {  	[tilespmem:s23+$0x7040] =	vst v5  }
0x1e3: {  	[tilespmem:s23+$0x7050] =	vst v0  }
0x1e4: {  	[tilespmem:s23+$0x7060] =	vst v1  }
0x1e5: {  	[hbm4b:s7+s12] =	stream.strided.scatter [tilespmem:s14], [sflag:$0x1], $0x8000, s13, s12, $0x38;
	[tilespmem:$0x1AC00] =	vst v63  }
0x1e6: {  	s31 =	simm.s32 $0x0;
	_ =	swait.ge [sflag:s17], $0x8000  }
0x1e7: {  	s20 =	sand.u32 $0xC00, s31;
	s19 =	sand.u32 $0x380, s31;
	[sflag:s17] =	ssyncset.done $0x0  }
0x1e8: {  	s19 =	sor.u32 s19, s20;
	[sflag:s17] =	ssyncadd.s32 $0xFFFF8000  }
0x1e9: {  	v7 =	vld [tilespmem:s19+$0x9C70]  }
0x1ea: {  	v6 =	vld [tilespmem:s19+$0x9C00]  }
0x1eb: {  	v5 =	vld [tilespmem:s19+$0x9C10]  }
0x1ec: {  	v4 =	vld [tilespmem:s19+$0x9C20]  }
0x1ed: {  	v3 =	vld [tilespmem:s19+$0x9C30]  }
0x1ee: {  	v2 =	vld [tilespmem:s19+$0x9C40]  }
0x1ef: {  	v0 =	vld [tilespmem:s19+$0x9C50]  }
0x1f0: {  	v1 =	vld [tilespmem:s19+$0x9C60]  }
0x1f1: {  	v8 =	vld.idx.msk [tilespmem:v7+s2+$0x0], $0xffff  }
0x1f2: {  	v9 =	vld.idx.msk [tilespmem:v6+s2+$0x0], $0xffff  }
0x1f3: {  	v10 =	vld.idx.msk [tilespmem:v5+s2+$0x0], $0xffff  }
0x1f4: {  	v11 =	vadd.s32 $0xD80, v7;
	v12 =	vld.idx.msk [tilespmem:v4+s2+$0x0], $0xffff  }
0x1f5: {  	v13 =	vadd.s32 $0xD80, v6;
	v14 =	vld.idx.msk [tilespmem:v3+s2+$0x0], $0xffff  }
0x1f6: {  	s20 =	sadd.s32 $0x12C00, s19;
	v15 =	vadd.s32 $0xD80, v5;
	v16 =	vld.idx.msk [tilespmem:v2+s2+$0x0], $0xffff  }
0x1f7: {  	v17 =	vadd.s32 $0xD80, v4;
	v18 =	vld.idx.msk [tilespmem:v0+s2+$0x0], $0xffff;
	[tilespmem:s20+$0x70] =	vst v8  }
0x1f8: {  	v19 =	vadd.s32 $0xD80, v0;
	[tilespmem:s20+$0x10] =	vst v10;
	v10 =	vld.idx.msk [tilespmem:v1+s2+$0x0], $0xffff  }
0x1f9: {  	v8 =	vadd.s32 $0xD80, v3;
	[tilespmem:s19+$0x12C00] =	vst v9;
	v9 =	vld.idx.msk [tilespmem:v11+s2+$0x0], $0xffff  }
0x1fa: {  	[tilespmem:s20+$0x20] =	vst v12;
	v11 =	vadd.s32 $0xD80, v2;
	v13 =	vld.idx.msk [tilespmem:v13+s2+$0x0], $0xffff  }
0x1fb: {  	v26 =	vadd.s32 $0xD80, v1;
	[tilespmem:s20+$0x30] =	vst v14;
	v15 =	vld.idx.msk [tilespmem:v15+s2+$0x0], $0xffff  }
0x1fc: {  	v25 =	vadd.s32 $0x1B00, v7;
	[tilespmem:s20+$0x50] =	vst v18;
	v17 =	vld.idx.msk [tilespmem:v17+s2+$0x0], $0xffff  }
0x1fd: {  	v27 =	vadd.s32 $0x1B00, v6;
	[tilespmem:s20+$0x40] =	vst v16;
	v30 =	vld.idx.msk [tilespmem:v19+s2+$0x0], $0xffff  }
0x1fe: {  	v28 =	vadd.s32 $0x1B00, v5;
	v8 =	vld.idx.msk [tilespmem:v8+s2+$0x0], $0xffff;
	[tilespmem:s20+$0x60] =	vst v10  }
0x1ff: {  	v33 =	vadd.s32 $0x1B00, v0;
	v11 =	vld.idx.msk [tilespmem:v11+s2+$0x0], $0xffff;
	[tilespmem:s20+$0x1070] =	vst v9  }
0x200: {  	v9 =	vadd.s32 $0x1B00, v4;
	[tilespmem:s19+$0x13C00] =	vst v13;
	v14 =	vld.idx.msk [tilespmem:v26+s2+$0x0], $0xffff  }
0x201: {  	v29 =	vadd.s32 $0x1B00, v3;
	[tilespmem:s20+$0x1010] =	vst v15;
	v10 =	vld.idx.msk [tilespmem:v25+s2+$0x0], $0xffff  }
0x202: {  	v32 =	vadd.s32 $0x1B00, v2;
	[tilespmem:s20+$0x1020] =	vst v17;
	v16 =	vld.idx.msk [tilespmem:v27+s2+$0x0], $0xffff  }
0x203: {  	v31 =	vadd.s32 $0x2880, v7;
	[tilespmem:s20+$0x1050] =	vst v30;
	v18 =	vld.idx.msk [tilespmem:v28+s2+$0x0], $0xffff  }
0x204: {  	v36 =	vld.idx.msk [tilespmem:v33+s2+$0x0], $0xffff;
	[tilespmem:s20+$0x1030] =	vst v8;
	v8 =	vadd.s32 $0x1B00, v1  }
0x205: {  	v9 =	vld.idx.msk [tilespmem:v9+s2+$0x0], $0xffff;
	[tilespmem:s20+$0x1040] =	vst v11;
	v11 =	vadd.s32 $0x2880, v6  }
0x206: {  	v12 =	vld.idx.msk [tilespmem:v29+s2+$0x0], $0xffff;
	[tilespmem:s20+$0x2070] =	vst v10;
	v10 =	vadd.s32 $0x2880, v5  }
0x207: {  	v35 =	vadd.s32 $0x2880, v4;
	[tilespmem:s20+$0x1060] =	vst v14;
	v19 =	vld.idx.msk [tilespmem:v32+s2+$0x0], $0xffff  }
0x208: {  	v38 =	vadd.s32 $0x2880, v3;
	[tilespmem:s19+$0x14C00] =	vst v16;
	v34 =	vld.idx.msk [tilespmem:v31+s2+$0x0], $0xffff  }
0x209: {  	v39 =	vadd.s32 $0x2880, v2;
	[tilespmem:s20+$0x2010] =	vst v18;
	v8 =	vld.idx.msk [tilespmem:v8+s2+$0x0], $0xffff  }
0x20a: {  	v37 =	vadd.s32 $0x3600, v7;
	[tilespmem:s20+$0x2050] =	vst v36;
	v11 =	vld.idx.msk [tilespmem:v11+s2+$0x0], $0xffff  }
0x20b: {  	[tilespmem:s20+$0x2020] =	vst v9;
	v9 =	vadd.s32 $0x2880, v0;
	v10 =	vld.idx.msk [tilespmem:v10+s2+$0x0], $0xffff  }
0x20c: {  	v40 =	vadd.s32 $0x2880, v1;
	[tilespmem:s20+$0x2030] =	vst v12;
	v15 =	vld.idx.msk [tilespmem:v35+s2+$0x0], $0xffff  }
0x20d: {  	v41 =	vadd.s32 $0x3600, v6;
	[tilespmem:s20+$0x2040] =	vst v19;
	v17 =	vld.idx.msk [tilespmem:v38+s2+$0x0], $0xffff  }
0x20e: {  	v42 =	vadd.s32 $0x3600, v5;
	[tilespmem:s20+$0x3070] =	vst v34;
	v43 =	vld.idx.msk [tilespmem:v39+s2+$0x0], $0xffff  }
0x20f: {  	v44 =	vadd.s32 $0x3600, v4;
	v16 =	vld.idx.msk [tilespmem:v37+s2+$0x0], $0xffff;
	[tilespmem:s20+$0x2060] =	vst v8  }
0x210: {  	v45 =	vadd.s32 $0x3600, v2;
	[tilespmem:s19+$0x15C00] =	vst v11;
	v9 =	vld.idx.msk [tilespmem:v9+s2+$0x0], $0xffff  }
0x211: {  	v8 =	vadd.s32 $0x4380, v7;
	[tilespmem:s20+$0x3010] =	vst v10;
	v10 =	vld.idx.msk [tilespmem:v40+s2+$0x0], $0xffff  }
0x212: {  	v11 =	vadd.s32 $0x3600, v3;
	v13 =	vld.idx.msk [tilespmem:v41+s2+$0x0], $0xffff;
	[tilespmem:s20+$0x3020] =	vst v15  }
0x213: {  	v46 =	vadd.s32 $0x3600, v0;
	[tilespmem:s20+$0x3030] =	vst v17;
	v19 =	vld.idx.msk [tilespmem:v42+s2+$0x0], $0xffff  }
0x214: {  	v47 =	vadd.s32 $0x3600, v1;
	v18 =	vld.idx.msk [tilespmem:v44+s2+$0x0], $0xffff;
	[tilespmem:s20+$0x3040] =	vst v43  }
0x215: {  	v48 =	vadd.s32 $0x4380, v6;
	[tilespmem:s20+$0x4070] =	vst v16;
	v12 =	vld.idx.msk [tilespmem:v45+s2+$0x0], $0xffff  }
0x216: {  	v49 =	vadd.s32 $0x4380, v5;
	v8 =	vld.idx.msk [tilespmem:v8+s2+$0x0], $0xffff;
	[tilespmem:s20+$0x3050] =	vst v9  }
0x217: {  	v52 =	vadd.s32 $0x4380, v2;
	v11 =	vld.idx.msk [tilespmem:v11+s2+$0x0], $0xffff;
	[tilespmem:s20+$0x3060] =	vst v10  }
0x218: {  	v9 =	vadd.s32 $0x5100, v7;
	[tilespmem:s19+$0x16C00] =	vst v13;
	v50 =	vld.idx.msk [tilespmem:v46+s2+$0x0], $0xffff  }
0x219: {  	v10 =	vadd.s32 $0x4380, v4;
	[tilespmem:s20+$0x4010] =	vst v19;
	v16 =	vld.idx.msk [tilespmem:v47+s2+$0x0], $0xffff  }
0x21a: {  	v51 =	vadd.s32 $0x4380, v3;
	v17 =	vld.idx.msk [tilespmem:v48+s2+$0x0], $0xffff;
	[tilespmem:s20+$0x4020] =	vst v18  }
0x21b: {  	v53 =	vadd.s32 $0x4380, v1;
	v14 =	vld.idx.msk [tilespmem:v49+s2+$0x0], $0xffff;
	[tilespmem:s20+$0x4040] =	vst v12  }
0x21c: {  	[tilespmem:s20+$0x5070] =	vst v8;
	v8 =	vadd.s32 $0x4380, v0;
	v56 =	vld.idx.msk [tilespmem:v52+s2+$0x0], $0xffff  }
0x21d: {  	v55 =	vadd.s32 $0x5100, v5;
	v9 =	vld.idx.msk [tilespmem:v9+s2+$0x0], $0xffff;
	[tilespmem:s20+$0x4030] =	vst v11  }
0x21e: {  	v11 =	vadd.s32 $0x5100, v6;
	v10 =	vld.idx.msk [tilespmem:v10+s2+$0x0], $0xffff;
	[tilespmem:s20+$0x4050] =	vst v50  }
0x21f: {  	v7 =	vadd.s32 $0x5E80, v7;
	v54 =	vld.idx.msk [tilespmem:v51+s2+$0x0], $0xffff;
	[tilespmem:s20+$0x4060] =	vst v16  }
0x220: {  	v57 =	vadd.s32 $0x5100, v4;
	[tilespmem:s19+$0x17C00] =	vst v17;
	v18 =	vld.idx.msk [tilespmem:v53+s2+$0x0], $0xffff  }
0x221: {  	v58 =	vadd.s32 $0x5100, v3;
	[tilespmem:s20+$0x5010] =	vst v14;
	v8 =	vld.idx.msk [tilespmem:v8+s2+$0x0], $0xffff  }
0x222: {  	v13 =	vld.idx.msk [tilespmem:v55+s2+$0x0], $0xffff;
	[tilespmem:s20+$0x6070] =	vst v9;
	v9 =	vadd.s32 $0x5100, v2  }
0x223: {  	v59 =	vadd.s32 $0x5100, v0;
	[tilespmem:s20+$0x5040] =	vst v56;
	v11 =	vld.idx.msk [tilespmem:v11+s2+$0x0], $0xffff  }
0x224: {  	v5 =	vadd.s32 $0x5E80, v5;
	v7 =	vld.idx.msk [tilespmem:v7+s2+$0x0], $0xffff;
	[tilespmem:s20+$0x5020] =	vst v10  }
0x225: {  	v10 =	vadd.s32 $0x5100, v1;
	[tilespmem:s20+$0x5030] =	vst v54;
	v60 =	vld.idx.msk [tilespmem:v57+s2+$0x0], $0xffff  }
0x226: {  	v6 =	vadd.s32 $0x5E80, v6;
	v61 =	vld.idx.msk [tilespmem:v58+s2+$0x0], $0xffff;
	[tilespmem:s20+$0x5060] =	vst v18  }
0x227: {  	v62 =	vadd.s32 $0x5E80, v4;
	[tilespmem:s20+$0x5050] =	vst v8;
	v63 =	vld.idx.msk [tilespmem:v9+s2+$0x0], $0xffff  }
0x228: {  	v3 =	vadd.s32 $0x5E80, v3;
	[tilespmem:s20+$0x6010] =	vst v13;
	v14 =	vld.idx.msk [tilespmem:v59+s2+$0x0], $0xffff  }
0x229: {  	v4 =	vld.idx.msk [tilespmem:v5+s2+$0x0], $0xffff;
	[tilespmem:s20+$0x7070] =	vst v7;
	v7 =	vadd.s32 $0x5E80, v2  }
0x22a: {  	[tilespmem:s19+$0x18C00] =	vst v11;
	v9 =	vld.idx.msk [tilespmem:v10+s2+$0x0], $0xffff;
	v2 =	vadd.s32 $0x5E80, v0  }
0x22b: {  	v1 =	vadd.s32 $0x5E80, v1;
	v8 =	vld.idx.msk [tilespmem:v6+s2+$0x0], $0xffff;
	[tilespmem:s20+$0x6020] =	vst v60  }
0x22c: {  	[tilespmem:s20+$0x6030] =	vst v61;
	v6 =	vld.idx.msk [tilespmem:v62+s2+$0x0], $0xffff  }
0x22d: {  	v3 =	vld.idx.msk [tilespmem:v3+s2+$0x0], $0xffff;
	[tilespmem:s20+$0x6040] =	vst v63  }
0x22e: {  	s21 =	simm.s32 $0x0;
	s22 =	simm.s32 $0x400;
	s23 =	simm.s32 $0x20;
	[tilespmem:s20+$0x6050] =	vst v14;
	v5 =	vld.idx.msk [tilespmem:v7+s2+$0x0], $0xffff  }
.LBB2_8:
0x22f: {  	s24 =	sand.u32 $0xC00, s22;
	s25 =	sand.u32 $0x380, s23;
	s21 =	sadd.s32 $0x80, s21;
	v2 =	vld.idx.msk [tilespmem:v2+s2+$0x0], $0xffff;
	[tilespmem:s20+$0x6060] =	vst v9  }
0x230: {  	p0 =	slt.u32 s21, $0xF80;
	[tilespmem:s19+$0x19C00] =	vst v8;
	s19 =	sor.u32 s25, s24;
	v1 =	vld.idx.msk [tilespmem:v1+s2+$0x0], $0xffff  }
0x231: {  	v0 =	vld [tilespmem:s19+$0x9C70];
	[tilespmem:s20+$0x7010] =	vst v4  }
0x232: {  	v4 =	vld [tilespmem:s19+$0x9C00];
	[tilespmem:s20+$0x7020] =	vst v6  }
0x233: {  	v6 =	vld [tilespmem:s19+$0x9C10];
	[tilespmem:s20+$0x7030] =	vst v3  }
0x234: {  	v3 =	vld [tilespmem:s19+$0x9C20];
	[tilespmem:s20+$0x7040] =	vst v5  }
0x235: {  	v5 =	vld [tilespmem:s19+$0x9C30];
	[tilespmem:s20+$0x7050] =	vst v2  }
0x236: {  	v2 =	vld [tilespmem:s19+$0x9C40];
	[tilespmem:s20+$0x7060] =	vst v1  }
0x237: {  	v1 =	vadd.s32 $0xD80, v4;
	v22 =	vadd.s32 $0x1B00, v4;
	v23 =	vadd.s32 $0x2880, v4;
	v24 =	vld [tilespmem:s19+$0x9C50]  }
0x238: {  	v7 =	vadd.s32 $0xD80, v6;
	v25 =	vadd.s32 $0x1B00, v6;
	v26 =	vadd.s32 $0x2880, v6;
	v27 =	vld [tilespmem:s19+$0x9C60]  }
0x239: {  	v8 =	vadd.s32 $0xD80, v3;
	v28 =	vadd.s32 $0x1B00, v3;
	v29 =	vadd.s32 $0x2880, v3;
	v9 =	vld.idx.msk [tilespmem:v0+s2+$0x0], $0xffff  }
0x23a: {  	v10 =	vld.idx.msk [tilespmem:v4+s2+$0x0], $0xffff;
	v13 =	vadd.s32 $0xD80, v5;
	v30 =	vadd.s32 $0x1B00, v5;
	v31 =	vadd.s32 $0x2880, v5  }
0x23b: {  	v12 =	vadd.s32 $0xD80, v0;
	v11 =	vld.idx.msk [tilespmem:v6+s2+$0x0], $0xffff;
	v32 =	vadd.s32 $0xD80, v2;
	v33 =	vadd.s32 $0x1B00, v2  }
0x23c: {  	v34 =	vadd.s32 $0x2880, v2;
	v14 =	vld.idx.msk [tilespmem:v3+s2+$0x0], $0xffff;
	v35 =	vadd.s32 $0xD80, v24;
	v36 =	vadd.s32 $0x1B00, v24  }
0x23d: {  	v37 =	vadd.s32 $0x2880, v24;
	v19 =	vld.idx.msk [tilespmem:v5+s2+$0x0], $0xffff;
	v38 =	vadd.s32 $0xD80, v27;
	v39 =	vadd.s32 $0x1B00, v27  }
0x23e: {  	s20 =	sadd.s32 $0x12C00, s19;
	v40 =	vadd.s32 $0x3600, v4;
	v41 =	vadd.s32 $0x3600, v6;
	v43 =	vadd.s32 $0x2880, v27;
	v42 =	vld.idx.msk [tilespmem:v2+s2+$0x0], $0xffff  }
0x23f: {  	v44 =	vadd.s32 $0x3600, v3;
	v45 =	vadd.s32 $0x3600, v5;
	v46 =	vadd.s32 $0x3600, v2;
	v47 =	vld.idx.msk [tilespmem:v24+s2+$0x0], $0xffff;
	[tilespmem:s20+$0x70] =	vst v9  }
0x240: {  	v20 =	vadd.s32 $0x4380, v4;
	v48 =	vadd.s32 $0x3600, v24;
	v49 =	vadd.s32 $0x3600, v27;
	[tilespmem:s19+$0x12C00] =	vst v10;
	v50 =	vld.idx.msk [tilespmem:v12+s2+$0x0], $0xffff  }
0x241: {  	v21 =	vadd.s32 $0x4380, v6;
	v18 =	vadd.s32 $0x4380, v3;
	v16 =	vadd.s32 $0x4380, v5;
	[tilespmem:s20+$0x10] =	vst v11;
	v51 =	vld.idx.msk [tilespmem:v27+s2+$0x0], $0xffff  }
0x242: {  	v53 =	vadd.s32 $0x1B00, v0;
	v17 =	vadd.s32 $0x4380, v2;
	v15 =	vadd.s32 $0x4380, v24;
	v52 =	vld.idx.msk [tilespmem:v1+s2+$0x0], $0xffff;
	[tilespmem:s20+$0x20] =	vst v14  }
0x243: {  	v12 =	vadd.s32 $0x5100, v4;
	v10 =	vadd.s32 $0x5100, v6;
	v54 =	vld.idx.msk [tilespmem:v7+s2+$0x0], $0xffff;
	[tilespmem:s20+$0x30] =	vst v19;
	v19 =	vadd.s32 $0x4380, v27  }
0x244: {  	v9 =	vadd.s32 $0x5100, v2;
	v11 =	vadd.s32 $0x5100, v5;
	v14 =	vadd.s32 $0x5100, v3;
	v55 =	vld.idx.msk [tilespmem:v8+s2+$0x0], $0xffff;
	[tilespmem:s20+$0x40] =	vst v42  }
0x245: {  	v4 =	vadd.s32 $0x5E80, v4;
	v8 =	vadd.s32 $0x5100, v27;
	v42 =	vld.idx.msk [tilespmem:v13+s2+$0x0], $0xffff;
	[tilespmem:s20+$0x50] =	vst v47;
	v13 =	vadd.s32 $0x5100, v24  }
0x246: {  	v7 =	vadd.s32 $0x5E80, v6;
	v6 =	vadd.s32 $0x5E80, v3;
	v3 =	vadd.s32 $0x5E80, v5;
	v32 =	vld.idx.msk [tilespmem:v32+s2+$0x0], $0xffff;
	[tilespmem:s20+$0x1070] =	vst v50  }
0x247: {  	v1 =	vadd.s32 $0x5E80, v27;
	v5 =	vadd.s32 $0x5E80, v2;
	v2 =	vadd.s32 $0x5E80, v24;
	[tilespmem:s20+$0x60] =	vst v51;
	v24 =	vld.idx.msk [tilespmem:v53+s2+$0x0], $0xffff  }
0x248: {  	[tilespmem:s19+$0x13C00] =	vst v52;
	v27 =	vld.idx.msk [tilespmem:v35+s2+$0x0], $0xffff  }
0x249: {  	[tilespmem:s20+$0x1010] =	vst v54;
	v35 =	vld.idx.msk [tilespmem:v38+s2+$0x0], $0xffff;
	v38 =	vadd.s32 $0x2880, v0  }
0x24a: {  	v22 =	vld.idx.msk [tilespmem:v22+s2+$0x0], $0xffff;
	[tilespmem:s20+$0x1020] =	vst v55  }
0x24b: {  	v25 =	vld.idx.msk [tilespmem:v25+s2+$0x0], $0xffff;
	[tilespmem:s20+$0x1030] =	vst v42  }
0x24c: {  	v28 =	vld.idx.msk [tilespmem:v28+s2+$0x0], $0xffff;
	[tilespmem:s20+$0x1040] =	vst v32  }
0x24d: {  	v30 =	vld.idx.msk [tilespmem:v30+s2+$0x0], $0xffff;
	[tilespmem:s20+$0x2070] =	vst v24  }
0x24e: {  	[tilespmem:s20+$0x1050] =	vst v27;
	v24 =	vld.idx.msk [tilespmem:v38+s2+$0x0], $0xffff  }
0x24f: {  	v27 =	vld.idx.msk [tilespmem:v33+s2+$0x0], $0xffff;
	[tilespmem:s20+$0x1060] =	vst v35  }
0x250: {  	v32 =	vadd.s32 $0x3600, v0;
	[tilespmem:s19+$0x14C00] =	vst v22;
	v22 =	vld.idx.msk [tilespmem:v36+s2+$0x0], $0xffff  }
0x251: {  	[tilespmem:s20+$0x2010] =	vst v25;
	v25 =	vld.idx.msk [tilespmem:v39+s2+$0x0], $0xffff  }
0x252: {  	v23 =	vld.idx.msk [tilespmem:v23+s2+$0x0], $0xffff;
	[tilespmem:s20+$0x2020] =	vst v28  }
0x253: {  	v26 =	vld.idx.msk [tilespmem:v26+s2+$0x0], $0xffff;
	[tilespmem:s20+$0x2030] =	vst v30  }
0x254: {  	v28 =	vld.idx.msk [tilespmem:v29+s2+$0x0], $0xffff;
	[tilespmem:s20+$0x3070] =	vst v24  }
0x255: {  	[tilespmem:s20+$0x2040] =	vst v27;
	v24 =	vld.idx.msk [tilespmem:v32+s2+$0x0], $0xffff  }
0x256: {  	v27 =	vld.idx.msk [tilespmem:v31+s2+$0x0], $0xffff;
	[tilespmem:s20+$0x2050] =	vst v22  }
0x257: {  	v22 =	vld.idx.msk [tilespmem:v34+s2+$0x0], $0xffff;
	[tilespmem:s20+$0x2060] =	vst v25;
	v25 =	vadd.s32 $0x4380, v0  }
0x258: {  	[tilespmem:s19+$0x15C00] =	vst v23;
	v23 =	vld.idx.msk [tilespmem:v37+s2+$0x0], $0xffff  }
0x259: {  	[tilespmem:s20+$0x3010] =	vst v26;
	v26 =	vld.idx.msk [tilespmem:v43+s2+$0x0], $0xffff  }
0x25a: {  	v29 =	vld.idx.msk [tilespmem:v40+s2+$0x0], $0xffff;
	[tilespmem:s20+$0x3020] =	vst v28  }
0x25b: {  	v28 =	vld.idx.msk [tilespmem:v41+s2+$0x0], $0xffff;
	[tilespmem:s20+$0x4070] =	vst v24  }
0x25c: {  	[tilespmem:s20+$0x3030] =	vst v27;
	v24 =	vld.idx.msk [tilespmem:v25+s2+$0x0], $0xffff  }
0x25d: {  	v25 =	vld.idx.msk [tilespmem:v44+s2+$0x0], $0xffff;
	[tilespmem:s20+$0x3040] =	vst v22  }
0x25e: {  	v22 =	vld.idx.msk [tilespmem:v45+s2+$0x0], $0xffff;
	[tilespmem:s20+$0x3050] =	vst v23;
	v23 =	vadd.s32 $0x5100, v0  }
0x25f: {  	v27 =	vld.idx.msk [tilespmem:v46+s2+$0x0], $0xffff;
	[tilespmem:s20+$0x3060] =	vst v26  }
0x260: {  	[tilespmem:s19+$0x16C00] =	vst v29;
	v26 =	vld.idx.msk [tilespmem:v48+s2+$0x0], $0xffff  }
0x261: {  	[tilespmem:s20+$0x4010] =	vst v28;
	v28 =	vld.idx.msk [tilespmem:v49+s2+$0x0], $0xffff  }
0x262: {  	v20 =	vld.idx.msk [tilespmem:v20+s2+$0x0], $0xffff;
	[tilespmem:s20+$0x5070] =	vst v24  }
0x263: {  	[tilespmem:s20+$0x4020] =	vst v25;
	v23 =	vld.idx.msk [tilespmem:v23+s2+$0x0], $0xffff  }
0x264: {  	v21 =	vld.idx.msk [tilespmem:v21+s2+$0x0], $0xffff;
	[tilespmem:s20+$0x4030] =	vst v22  }
0x265: {  	v0 =	vadd.s32 $0x5E80, v0;
	v18 =	vld.idx.msk [tilespmem:v18+s2+$0x0], $0xffff;
	[tilespmem:s20+$0x4040] =	vst v27  }
0x266: {  	v16 =	vld.idx.msk [tilespmem:v16+s2+$0x0], $0xffff;
	[tilespmem:s20+$0x4050] =	vst v26  }
0x267: {  	v17 =	vld.idx.msk [tilespmem:v17+s2+$0x0], $0xffff;
	[tilespmem:s20+$0x4060] =	vst v28  }
0x268: {  	[tilespmem:s19+$0x17C00] =	vst v20;
	v15 =	vld.idx.msk [tilespmem:v15+s2+$0x0], $0xffff  }
0x269: {  	v19 =	vld.idx.msk [tilespmem:v19+s2+$0x0], $0xffff;
	[tilespmem:s20+$0x6070] =	vst v23  }
0x26a: {  	[tilespmem:s20+$0x5010] =	vst v21;
	v0 =	vld.idx.msk [tilespmem:v0+s2+$0x0], $0xffff  }
0x26b: {  	v12 =	vld.idx.msk [tilespmem:v12+s2+$0x0], $0xffff;
	[tilespmem:s20+$0x5020] =	vst v18  }
0x26c: {  	v10 =	vld.idx.msk [tilespmem:v10+s2+$0x0], $0xffff;
	[tilespmem:s20+$0x5030] =	vst v16  }
0x26d: {  	v14 =	vld.idx.msk [tilespmem:v14+s2+$0x0], $0xffff;
	[tilespmem:s20+$0x5040] =	vst v17  }
0x26e: {  	v11 =	vld.idx.msk [tilespmem:v11+s2+$0x0], $0xffff;
	[tilespmem:s20+$0x5050] =	vst v15  }
0x26f: {  	v15 =	vld.idx.msk [tilespmem:v9+s2+$0x0], $0xffff;
	[tilespmem:s20+$0x5060] =	vst v19  }
0x270: {  	v13 =	vld.idx.msk [tilespmem:v13+s2+$0x0], $0xffff;
	[tilespmem:s20+$0x7070] =	vst v0  }
0x271: {  	[tilespmem:s19+$0x18C00] =	vst v12;
	v9 =	vld.idx.msk [tilespmem:v8+s2+$0x0], $0xffff  }
.Ltmp3:
0x272: {  	v8 =	vld.idx.msk [tilespmem:v4+s2+$0x0], $0xffff;
	[tilespmem:s20+$0x6010] =	vst v10;
	(pc) =	sbr.rel @p0 .LBB2_8-.Ltmp3, $4  }
0x273: {  	v4 =	vld.idx.msk [tilespmem:v7+s2+$0x0], $0xffff;
	[tilespmem:s20+$0x6020] =	vst v14  }
0x274: {  	v6 =	vld.idx.msk [tilespmem:v6+s2+$0x0], $0xffff;
	[tilespmem:s20+$0x6030] =	vst v11  }
0x275: {  	v3 =	vld.idx.msk [tilespmem:v3+s2+$0x0], $0xffff;
	[tilespmem:s20+$0x6040] =	vst v15  }
0x276: {  	s22 =	sadd.s32 $0x400, s22;
	s23 =	sadd.s32 $0x20, s23;
	v5 =	vld.idx.msk [tilespmem:v5+s2+$0x0], $0xffff;
	[tilespmem:s20+$0x6050] =	vst v13  }
0x277: {  	_ =	sdelay $0x2  }
0x278: {  	[tilespmem:s20+$0x6060] =	vst v9  }
0x279: {  	v0 =	vld.idx.msk [tilespmem:v2+s2+$0x0], $0xffff;
	[tilespmem:s19+$0x19C00] =	vst v8  }
0x27a: {  	v1 =	vld.idx.msk [tilespmem:v1+s2+$0x0], $0xffff;
	[tilespmem:s20+$0x7010] =	vst v4  }
0x27b: {  	[tilespmem:s20+$0x7020] =	vst v6  }
0x27c: {  	[tilespmem:s20+$0x7030] =	vst v3  }
0x27d: {  	[tilespmem:s20+$0x7040] =	vst v5  }
0x27e: {  	[tilespmem:s20+$0x7050] =	vst v0  }
0x27f: {  	s18 =	sadd.s32 $0x1, s18;
	[tilespmem:s20+$0x7060] =	vst v1  }
0x280: {  	[hbm4b:s8+s12] =	stream.strided.scatter [tilespmem:s15], [sflag:$0x2], $0x8000, s13, s12, $0x38;
	[tilespmem:$0x1AC00] =	vst v63  }
0x281: {  	p0 =	sne.s32 s18, s9;
	_ =	swait.ge [sflag:s16], $0x8000  }
.Ltmp4:
0x282: {  	[sflag:s16] =	ssyncset.done $0x0;
	(pc) =	sbr.rel @p0 .LBB2_1-.Ltmp4, $4  }
0x283: {  	[sflag:s16] =	ssyncadd.s32 $0xFFFF8000  }
0x284: {  	_ =	swait.ge [sflag:s17], $0x8000  }
0x285: {  	[sflag:s17] =	ssyncset.done $0x0  }
0x286: {  	[sflag:s17] =	ssyncadd.s32 $0xFFFF8000  }
0x287: {  	_ =	sfence.sel $0x180000  }
0x288: {  	[bflag:$0x0] =	sbarrier.arrive $0xFFFF  }
0x289: {  	p0 =	sne.s32 s1, $0x0;
	_ =	strace $0x90000047  }
0x28a: {  	s0 =	sadd.s32 @!p0 $0x100000, s0;
	[bflag:$0x2] =	sbarrier.arrive $0xFFFF  }
0x28b: {  	[sflag:s0] =	ssyncadd.tile.s32 @!p0 $0x1;
	_ =	shalt  }
.Lfunc_end2:
_tile_overlayer_lowered:
.L_overlay_start_2:
0x28c: {  	(tag) =	ssettag $0x2  }
0x28d: {  	s0 =	rddreg [dreg:$0x0];
	s2 =	stileid.u32  }
0x28e: {  	s1 =	rddreg [dreg:$0x1];
	p0 =	sne.s32 s2, $0x0  }
0x28f: {  	s3 =	rddreg [dreg:$0x2];
	[bflag:$0x3] =	sbarrier.arrive $0xFFFF;
	s2 =	simm.s32 @!p0 $0x1C03  }
0x290: {  	[timem:s3], [sflag:s2] =	dma.local @!p0 [hbm:s0], s1  }
0x291: {  	s0 =	simm.s32 @!p0 $0x3  }
0x292: {  	_ =	swait.ge @!p0 [sflag:s0], s1  }
0x293: {  	s1 =	ssub.s32 @!p0 $0x0, s1;
	[sflag:s0] =	ssyncset.done @!p0 $0x0  }
0x294: {  	[sflag:s0] =	ssyncadd.s32 @!p0 s1  }
0x295: {  	[bflag:$0x3] =	sbarrier.arrive $0xFFFF  }
0x296: {  	_ =	shalt  }

</sc_bundles>
